<compile_context>
chip_gen: v7x
topology: tpu7x:2x2x1
jax: 0.10.2.dev20260603
libtpu: 0.0.44.dev20260713+nightly
codegen_flags: <defaults>
</compile_context>

<pallas_src>
import functools

import jax
import jax.numpy as jnp
from jax import lax
from jax.experimental import pallas as pl
from jax.experimental.pallas import tpu as pltpu
from jax.experimental.pallas import tpu_sc as plsc

_B = 8
_N = 2048
_K = 64
_BN_C = 1.0 / (1.0 + 1e-5) ** 0.5



_M0 = _N // 2
_M1 = _M0 // 4


def _fps_levels(px, py, pz, n, m, outx_ref, outy_ref, outz_ref, d_ref):
    iota = jax.lax.broadcasted_iota(jnp.int32, (_B, n), 1)
    biota = jax.lax.broadcasted_iota(jnp.int32, (_B, 128), 1)
    zbuf = jnp.zeros((_B, 128), jnp.float32)

    def inner(t, st):
        bufx, bufy, bufz, curx, cury, curz = st
        hit = biota == t
        bufx = jnp.where(hit, curx, bufx)
        bufy = jnp.where(hit, cury, bufy)
        bufz = jnp.where(hit, curz, bufz)
        d = (px - curx) ** 2 + (py - cury) ** 2 + (pz - curz) ** 2
        dn = jnp.minimum(d_ref[:, :n], d)
        d_ref[:, :n] = dn
        v = jnp.max(dn, axis=1, keepdims=True)
        idx = jnp.min(jnp.where(dn >= v, iota, n), axis=1, keepdims=True)
        sel = iota == idx
        nx = jnp.sum(jnp.where(sel, px, 0.0), axis=1, keepdims=True)
        ny = jnp.sum(jnp.where(sel, py, 0.0), axis=1, keepdims=True)
        nz = jnp.sum(jnp.where(sel, pz, 0.0), axis=1, keepdims=True)
        return (bufx, bufy, bufz, nx, ny, nz)

    def outer(j, st):
        st = (zbuf, zbuf, zbuf) + st
        bufx, bufy, bufz, curx, cury, curz = jax.lax.fori_loop(
            0, 128, inner, st, unroll=4)
        off = pl.multiple_of(j * 128, 128)
        outx_ref[:, pl.ds(off, 128)] = bufx
        outy_ref[:, pl.ds(off, 128)] = bufy
        outz_ref[:, pl.ds(off, 128)] = bufz
        return (curx, cury, curz)

    d_ref[:, :n] = jnp.full((_B, n), jnp.inf, jnp.float32)
    jax.lax.fori_loop(0, m // 128, outer,
                      (px[:, 0:1], py[:, 0:1], pz[:, 0:1]))


def _fps_body(px_ref, py_ref, pz_ref,
              cx0_ref, cy0_ref, cz0_ref, cx1_ref, cy1_ref, cz1_ref,
              d_ref):
    _fps_levels(px_ref[...], py_ref[...], pz_ref[...], _N, _M0,
                cx0_ref, cy0_ref, cz0_ref, d_ref)
    _fps_levels(cx0_ref[...], cy0_ref[...], cz0_ref[...], _M0, _M1,
                cx1_ref, cy1_ref, cz1_ref, d_ref)


def _fps_planes(px, py, pz):
    sds = jax.ShapeDtypeStruct
    return pl.pallas_call(
        _fps_body,
        out_shape=(sds((_B, _M0), jnp.float32),) * 3
        + (sds((_B, _M1), jnp.float32),) * 3,
        scratch_shapes=[pltpu.VMEM((_B, _N), jnp.float32)],
    )(px, py, pz)


def _radius_topk_planes(px, py, pz, cx, cy, cz, r):
    d2 = ((cx[:, :, None] - px[:, None, :]) ** 2
          + (cy[:, :, None] - py[:, None, :]) ** 2
          + (cz[:, :, None] - pz[:, None, :]) ** 2)
    neg = jnp.where(d2 <= r * r, -d2, -jnp.inf)
    vals, idx = jax.lax.top_k(neg, _K)
    return idx.astype(jnp.int32), vals > -jnp.inf



_NC, _NS = 2, 16
_NW = _NC * _NS


def _sc_mesh():
    return plsc.VectorSubcoreMesh(core_axis_name="c", subcore_axis_name="s",
                                  num_cores=_NC, num_subcores=_NS)


def _sc_rel3(px, py, pz, cx, cy, cz, idx_flat, n, m):
    mk = m * _K
    npairs = _B * mk
    P = npairs // _NW
    QC = _NW // _B

    @functools.partial(
        pl.kernel,
        out_type=jax.ShapeDtypeStruct((npairs * 3,), jnp.float32),
        mesh=_sc_mesh(),
        compiler_params=pltpu.CompilerParams(needs_layout_passes=False),
        scratch_types=[pltpu.VMEM((n,), jnp.float32)] * 3
        + [pltpu.VMEM((m,), jnp.float32)] * 3
        + [pltpu.VMEM((P,), jnp.int32), pltpu.VMEM((3 * P,), jnp.float32)],
    )
    def k(px_h, py_h, pz_h, cx_h, cy_h, cz_h, idx_h, out_h,
          tx, ty, tz, tcx, tcy, tcz, ib, ob):
        wid = lax.axis_index("s") * _NC + lax.axis_index("c")
        b = wid // QC
        off = (wid % QC) * P
        pltpu.sync_copy(px_h.at[b], tx)
        pltpu.sync_copy(py_h.at[b], ty)
        pltpu.sync_copy(pz_h.at[b], tz)
        pltpu.sync_copy(cx_h.at[b], tcx)
        pltpu.sync_copy(cy_h.at[b], tcy)
        pltpu.sync_copy(cz_h.at[b], tcz)
        pltpu.sync_copy(idx_h.at[pl.ds(b * mk + off, P)], ib)
        iota = lax.iota(jnp.int32, 16)

        def step(i, carry):
            base = i * 16
            iv = ib[pl.ds(base, 16)]
            ci = lax.shift_right_logical(off + base + iota, 6)
            j3 = (base + iota) * 3
            gx = plsc.load_gather(tx, [iv]) - plsc.load_gather(tcx, [ci])
            plsc.store_scatter(ob, [j3], gx)
            gy = plsc.load_gather(ty, [iv]) - plsc.load_gather(tcy, [ci])
            plsc.store_scatter(ob, [j3 + 1], gy)
            gz = plsc.load_gather(tz, [iv]) - plsc.load_gather(tcz, [ci])
            plsc.store_scatter(ob, [j3 + 2], gz)
            return carry

        lax.fori_loop(0, P // 16, step, 0)
        pltpu.sync_copy(ob, out_h.at[pl.ds((b * mk + off) * 3, 3 * P)])

    return k(px, py, pz, cx, cy, cz, idx_flat).reshape(npairs, 3)


def _sc_rowgather(table, idxg):
    rows_total = idxg.shape[0]
    d = table.shape[1]
    rw = rows_total // _NW
    ch = 512

    @functools.partial(
        pl.kernel,
        out_type=jax.ShapeDtypeStruct((rows_total, d), jnp.float32),
        mesh=_sc_mesh(),
        compiler_params=pltpu.CompilerParams(needs_layout_passes=False),
        scratch_types=[pltpu.VMEM((ch,), jnp.int32),
                       pltpu.VMEM((ch, d), jnp.float32),
                       pltpu.SemaphoreType.DMA],
    )
    def k(tab_h, idx_h, out_h, ibc, rows, sem):
        wid = lax.axis_index("s") * _NC + lax.axis_index("c")
        base = wid * rw

        def step(j, carry):
            r0 = base + j * ch
            pltpu.sync_copy(idx_h.at[pl.ds(r0, ch)], ibc)
            pltpu.async_copy(tab_h.at[ibc], rows, sem).wait()
            pltpu.sync_copy(rows, out_h.at[pl.ds(r0, ch)])
            return carry

        lax.fori_loop(0, rw // ch, step, 0)

    return k(table, idxg)



def _pair_conv_body(tm, k, nf, *refs):
    feats = refs[:nf]
    w1s = refs[nf:2 * nf]
    (valid_ref, b1_ref, s1_ref, t1_ref,
     w2_ref, b2_ref, s2_ref, t2_ref, out_ref) = refs[2 * nf:]
    z1 = b1_ref[...]
    for f, w in zip(feats, w1s):
        z1 = z1 + jnp.dot(f[...], w[...], preferred_element_type=jnp.float32)
    h1 = jnp.maximum(z1, 0.0) * s1_ref[...] + t1_ref[...]
    z2 = jnp.dot(h1, w2_ref[...], preferred_element_type=jnp.float32)
    h2 = jnp.maximum(z2 + b2_ref[...], 0.0) * s2_ref[...] + t2_ref[...]
    c2 = h2.shape[-1]
    h3 = h2.reshape(tm, k, c2)
    msk = valid_ref[...][:, :, None] > 0
    h3 = jnp.where(msk, h3, -jnp.inf)
    out_ref[...] = jnp.max(h3, axis=1)


def _pair_conv(feats_w1, valid, l1, l2, tm):
    mk = feats_w1[0][0].shape[0]
    m = mk // _K
    nf = len(feats_w1)
    b1, s1, t1 = l1
    w2, b2, s2, t2 = l2
    c1, c2 = w2.shape[0], w2.shape[1]
    grid = (m // tm,)
    row_spec = lambda a: pl.BlockSpec((tm * _K, a.shape[1]), lambda i: (i, 0))
    full_spec = lambda a: pl.BlockSpec(a.shape, lambda i: (0, 0))
    in_specs = ([row_spec(f) for f, _ in feats_w1]
                + [full_spec(w) for _, w in feats_w1]
                + [pl.BlockSpec((tm, _K), lambda i: (i, 0)),
                   full_spec(b1), full_spec(s1), full_spec(t1),
                   full_spec(w2), full_spec(b2), full_spec(s2),
                   full_spec(t2)])
    args = ([f for f, _ in feats_w1] + [w for _, w in feats_w1]
            + [valid, b1, s1, t1, w2, b2, s2, t2])
    return pl.pallas_call(
        functools.partial(_pair_conv_body, tm, _K, nf),
        grid=grid,
        in_specs=in_specs,
        out_specs=pl.BlockSpec((tm, c2), lambda i: (i, 0)),
        out_shape=jax.ShapeDtypeStruct((m, c2), jnp.float32),
    )(*args)


def _prep_layer(lyr):
    c = lyr['W'].shape[1]
    return (lyr['W'], lyr['b'].reshape(1, c),
            (lyr['gamma'] * _BN_C).reshape(1, c), lyr['beta'].reshape(1, c))



def _global_tail_body(feat_ref, wg_ref, bg_ref, sg_ref, tg_ref,
                      w0_ref, b0_ref, w1_ref, b1_ref, out_ref):
    x = feat_ref[...]
    z = jnp.dot(x, wg_ref[...], preferred_element_type=jnp.float32)
    g = jnp.maximum(z + bg_ref[...], 0.0) * sg_ref[...] + tg_ref[...]
    cg = g.shape[-1]
    g = jnp.max(g.reshape(_B, -1, cg), axis=1)
    g = jnp.maximum(g, 0.0)
    h = jnp.maximum(jnp.dot(g, w0_ref[...], preferred_element_type=jnp.float32)
                    + b0_ref[...], 0.0)
    out_ref[...] = jnp.dot(h, w1_ref[...],
                           preferred_element_type=jnp.float32) + b1_ref[...]


def _global_tail(feat, params):
    wg, bg, sg, tg = _prep_layer(params['mlpg'][0])
    w0 = params['lin0']['W']
    b0 = params['lin0']['b'].reshape(1, -1)
    w1 = params['lin1']['W']
    b1 = params['lin1']['b'].reshape(1, -1)
    nout = w1.shape[1]
    full = lambda a: pl.BlockSpec(a.shape, lambda: (0,) * a.ndim)
    return pl.pallas_call(
        _global_tail_body,
        in_specs=[full(feat), full(wg), full(bg), full(sg), full(tg),
                  full(w0), full(b0), full(w1), full(b1)],
        out_specs=pl.BlockSpec((_B, nout), lambda: (0, 0)),
        out_shape=jax.ShapeDtypeStruct((_B, nout), jnp.float32),
    )(feat, wg, bg, sg, tg, w0, b0, w1, b1)



def kernel(pos, batch, params):
    del batch
    pos_b = pos.reshape(_B, _N, 3)
    px, py, pz = pos_b[:, :, 0], pos_b[:, :, 1], pos_b[:, :, 2]
    cx0, cy0, cz0, cx1, cy1, cz1 = _fps_planes(px, py, pz)

    idx0, valid0 = _radius_topk_planes(px, py, pz, cx0, cy0, cz0, 0.2)
    feat0 = _sc_rel3(px, py, pz, cx0, cy0, cz0, idx0.reshape(-1), _N, _M0)
    (w1, b1, s1, t1), (w2, b2, s2, t2) = [
        _prep_layer(l) for l in params['mlp0']]
    x1 = _pair_conv([(feat0, w1)],
                    valid0.reshape(_B * _M0, _K).astype(jnp.int32),
                    (b1, s1, t1), (w2, b2, s2, t2), tm=64)

    idx1, valid1 = _radius_topk_planes(cx0, cy0, cz0, cx1, cy1, cz1, 0.4)
    rel1 = _sc_rel3(cx0, cy0, cz0, cx1, cy1, cz1, idx1.reshape(-1),
                    _M0, _M1)
    idxg = (idx1.reshape(_B, -1)
            + (jnp.arange(_B, dtype=jnp.int32) * _M0)[:, None]).reshape(-1)
    xg = _sc_rowgather(x1, idxg)
    (w1b, b1b, s1b, t1b), (w2b, b2b, s2b, t2b) = [
        _prep_layer(l) for l in params['mlp1']]
    x2 = _pair_conv([(xg, w1b[:-3]), (rel1, w1b[-3:])],
                    valid1.reshape(_B * _M1, _K).astype(jnp.int32),
                    (b1b, s1b, t1b), (w2b, b2b, s2b, t2b), tm=32)
    x2 = x2.reshape(_B, _M1, -1)

    centers1 = jnp.stack([cx1, cy1, cz1], axis=-1)
    featg = jnp.concatenate([x2, centers1], axis=-1).reshape(_B * _M1, -1)
    return _global_tail(featg, params)

# --- scband reference (transcript-rebuilt; emitter-appended) ---
"""Pipeline reference for scband-point-net2-classify-34763465294635 (READ-ONLY COPY).

The authoritative reference and input builder live on the scoring server;
editing this copy changes nothing except your own understanding.
"""

import jax, jax.numpy as jnp
import numpy as np

B = 8
N_PER = 2048
RATIO0, R0 = 0.5, 0.2
RATIO1, R1 = 0.25, 0.4
K = 64
BN_EPS = 1e-5


def _init_linear(key, fan_in, fan_out):
    k1, k2 = jax.random.split(key)
    bound = 1.0 / np.sqrt(fan_in)
    W = jax.random.uniform(k1, (fan_in, fan_out), minval=-bound, maxval=bound, dtype=jnp.float32)
    b = jax.random.uniform(k2, (fan_out,), minval=-bound, maxval=bound, dtype=jnp.float32)
    return W, b


def _init_mlp(key, channels):
    layers = []
    for i in range(1, len(channels)):
        key, sub = jax.random.split(key)
        W, b = _init_linear(sub, channels[i - 1], channels[i])
        layers.append({'W': W, 'b': b,
                       'gamma': jnp.ones((channels[i],), jnp.float32),
                       'beta': jnp.zeros((channels[i],), jnp.float32)})
    return layers


def setup_inputs(seed: int = 0):
    key = jax.random.key(seed)
    kp, k0, k1, k2, k3, k4 = jax.random.split(key, 6)
    pos = jax.random.uniform(kp, (B * N_PER, 3), dtype=jnp.float32)
    batch = jnp.repeat(jnp.arange(B, dtype=jnp.int32), N_PER)
    params = {
        'mlp0': _init_mlp(k0, [3, 64, 128]),
        'mlp1': _init_mlp(k1, [131, 128, 128]),
        'mlpg': _init_mlp(k2, [131, 256]),
    }
    W0, b0 = _init_linear(k3, 256, 256)
    W1, b1 = _init_linear(k4, 256, 10)
    params['lin0'] = {'W': W0, 'b': b0}
    params['lin1'] = {'W': W1, 'b': b1}
    return {'pos': pos, 'batch': batch, 'params': params}


def _mlp_apply(layers, x):
    # nn.Sequential(Linear -> ReLU -> BatchNorm1d); BN in eval mode
    # (running_mean=0, running_var=1, learned gamma/beta).
    for lyr in layers:
        x = x @ lyr['W'] + lyr['b']
        x = jax.nn.relu(x)
        x = lyr['gamma'] * (x / jnp.sqrt(1.0 + BN_EPS)) + lyr['beta']
    return x


def _fps(pos_c, m):
    # Farthest point sampling (deterministic start at index 0).
    n = pos_c.shape[0]

    def body(i, state):
        sel, dists, cur = state
        sel = sel.at[i].set(cur)
        d = jnp.sum((pos_c - pos_c[cur]) ** 2, axis=-1)
        dists = jnp.minimum(dists, d)
        cur = jnp.argmax(dists).astype(jnp.int32)
        return (sel, dists, cur)

    sel0 = jnp.zeros((m,), jnp.int32)
    d0 = jnp.full((n,), jnp.inf, jnp.float32)
    sel, _, _ = jax.lax.fori_loop(0, m, body, (sel0, d0, jnp.int32(0)))
    return sel


def _radius_neighbors(pos_c, centers, r, k):
    # Up to k neighbors within radius r for each center (nearest-first).
    d2 = jnp.sum((centers[:, None, :] - pos_c[None, :, :]) ** 2, axis=-1)
    neg = jnp.where(d2 <= r * r, -d2, -jnp.inf)
    vals, idx = jax.lax.top_k(neg, k)
    valid = vals > -jnp.inf
    return idx, valid


def _set_abstraction(mlp, x_c, pos_c, ratio, r, k):
    # PointNetConv with local_nn=mlp and max aggregation.
    n = pos_c.shape[0]
    m = int(round(n * ratio))
    sel = _fps(pos_c, m)
    centers = pos_c[sel]
    idx, valid = _radius_neighbors(pos_c, centers, r, k)
    rel = pos_c[idx] - centers[:, None, :]
    if x_c is None:
        feat = rel
    else:
        feat = jnp.concatenate([x_c[idx], rel], axis=-1)
    h = _mlp_apply(mlp, feat.reshape(m * k, -1)).reshape(m, k, -1)
    h = jnp.where(valid[:, :, None], h, -jnp.inf)
    out = jnp.max(h, axis=1)
    return out, centers


def _forward(pos, params):
    pos_b = pos.reshape(B, N_PER, 3)
    sa0 = lambda p: _set_abstraction(params['mlp0'], None, p, RATIO0, R0, K)
    x1, pos1 = jax.vmap(sa0)(pos_b)
    sa1 = lambda x, p: _set_abstraction(params['mlp1'], x, p, RATIO1, R1, K)
    x2, pos2 = jax.vmap(sa1)(x1, pos1)
    feat = jnp.concatenate([x2, pos2], axis=-1)
    g = _mlp_apply(params['mlpg'], feat.reshape(-1, feat.shape[-1]))
    g = g.reshape(B, -1, g.shape[-1])
    g = jnp.max(g, axis=1)  # global_max_pool per cloud
    out = jax.nn.relu(g)
    out = jax.nn.relu(out @ params['lin0']['W'] + params['lin0']['b'])
    out = out @ params['lin1']['W'] + params['lin1']['b']
    return out


def reference(pos, batch, params):
    # Clouds are equal-sized and contiguous; batch ids are implied by reshape.
    del batch
    return _forward(pos, params)

if __name__ == "__main__":
    import jax
    _d = setup_inputs()
    print(jax.jit(kernel)(*tuple(_d.values())))

</pallas_src>

<mosaic_0001>
#map = affine_map<(d0, d1) -> (0, 0)>
#map1 = affine_map<(d0, d1) -> (0)>
module attributes {stable_mosaic.version = 14 : i64} {
  func.func @k(%arg0: i32, %arg1: i32, %arg2: memref<8192x128xf32, #tpu.memory_space<hbm>>, %arg3: memref<131072xi32, #tpu.memory_space<hbm>>, %arg4: memref<131072x128xf32, #tpu.memory_space<hbm>>, %arg5: memref<512xi32, #tpu.memory_space<vmem>>, %arg6: memref<512x128xf32, #tpu.memory_space<vmem>>, %arg7: memref<!tpu.dma_semaphore, #tpu.memory_space<semaphore_mem>>) attributes {dimension_semantics = [#tpu.dimension_semantics<core_parallel>, #tpu.dimension_semantics<subcore_parallel>], iteration_bounds = array<i64: 2, 16>, scalar_prefetch = 0 : i64, scratch_operands = 3 : i64, tpu.core_type = #tpu.core_type<sc_vector_subcore>, window_params = [{transform_indices = #map}, {transform_indices = #map1}, {transform_indices = #map}]} {
    %mul3A = arith.constant 2 : i32
    %mul3A_0 = arith.muli %arg1, %mul3A : i32
    %add3A = arith.addi %mul3A_0, %arg0 : i32
    %mul3A_1 = arith.constant 4096 : i32
    %mul3A_2 = arith.muli %add3A, %mul3A_1 : i32
    %scan3A = arith.constant 0 : i32
    %scan3A_3 = arith.constant 0 : i32
    %scan3A_4 = arith.constant 8 : i32
    %scan3A_5 = arith.addi %scan3A_3, %scan3A_4 : i32
    %scan3A_6 = arith.constant 1 : i32
    scf.for %scan3A_8 = %scan3A_3 to %scan3A_5 step %scan3A_6  : i32 {
      %mul3A_9 = arith.constant 512 : i32
      %mul3A_10 = arith.muli %scan3A_8, %mul3A_9 : i32
      %add3A_11 = arith.addi %mul3A_2, %mul3A_10 : i32
      "tpu.region"() ({
        %run_scoped3A = tpu.sem_alloc : memref<!tpu.dma_semaphore, #tpu.memory_space<semaphore_mem>>
        %dma_start3A_16 = tpu.memref_slice %arg3[%add3A_11] : memref<131072xi32, #tpu.memory_space<hbm>> -> memref<512xi32, #tpu.memory_space<hbm>>
        %dma_start3A_17 = tpu.memref_slice %arg3[%add3A_11] : memref<131072xi32, #tpu.memory_space<hbm>> -> memref<512xi32, #tpu.memory_space<hbm>>
        tpu.enqueue_dma source(%dma_start3A_17 : memref<512xi32, #tpu.memory_space<hbm>>) target(%arg5 : memref<512xi32, #tpu.memory_space<vmem>>) target_semaphore(%run_scoped3A : memref<!tpu.dma_semaphore, #tpu.memory_space<semaphore_mem>>)
        %dma_wait3A_18 = tpu.memref_slice %arg3[%add3A_11] : memref<131072xi32, #tpu.memory_space<hbm>> -> memref<512xi32, #tpu.memory_space<hbm>>
        %dma_wait3A_19 = tpu.memref_slice %arg3[%add3A_11] : memref<131072xi32, #tpu.memory_space<hbm>> -> memref<512xi32, #tpu.memory_space<hbm>>
        tpu.wait_dma2 semaphore(%run_scoped3A : memref<!tpu.dma_semaphore, #tpu.memory_space<semaphore_mem>>) src(%dma_wait3A_19 : memref<512xi32, #tpu.memory_space<hbm>>) dst(%arg5 : memref<512xi32, #tpu.memory_space<vmem>>)
        tpu.yield
      }) : () -> ()
      %dma_start3A = arith.constant 0 : i32
      %dma_start3A_12 = arith.constant 0 : i32
      %dma_start3A_13 = tpu.memref_slice %arg2[%dma_start3A, %dma_start3A_12] : memref<8192x128xf32, #tpu.memory_space<hbm>> -> memref<8192x128xf32, #tpu.memory_space<hbm>>
      tpu.enqueue_indirect_dma source(%dma_start3A_13 : memref<8192x128xf32, #tpu.memory_space<hbm>>) target(%arg6 : memref<512x128xf32, #tpu.memory_space<vmem>>) offsets(%arg5 : memref<512xi32, #tpu.memory_space<vmem>>) semaphore(%arg7 : memref<!tpu.dma_semaphore, #tpu.memory_space<semaphore_mem>>)
      %dma_wait3A = arith.constant 0 : i32
      %dma_wait3A_14 = arith.constant 0 : i32
      %dma_wait3A_15 = tpu.memref_slice %arg2[%dma_wait3A, %dma_wait3A_14] : memref<8192x128xf32, #tpu.memory_space<hbm>> -> memref<8192x128xf32, #tpu.memory_space<hbm>>
      tpu.wait_indirect_dma semaphore(%arg7 : memref<!tpu.dma_semaphore, #tpu.memory_space<semaphore_mem>>) src(%dma_wait3A_15 : memref<8192x128xf32, #tpu.memory_space<hbm>>) dst(%arg6 : memref<512x128xf32, #tpu.memory_space<vmem>>)
      "tpu.region"() ({
        %run_scoped3A = tpu.sem_alloc : memref<!tpu.dma_semaphore, #tpu.memory_space<semaphore_mem>>
        %dma_start3A_16 = arith.constant 0 : i32
        %dma_start3A_17 = tpu.memref_slice %arg4[%add3A_11, %dma_start3A_16] : memref<131072x128xf32, #tpu.memory_space<hbm>> -> memref<512x128xf32, #tpu.memory_space<hbm>>
        %dma_start3A_18 = arith.constant 0 : i32
        %dma_start3A_19 = tpu.memref_slice %arg4[%add3A_11, %dma_start3A_18] : memref<131072x128xf32, #tpu.memory_space<hbm>> -> memref<512x128xf32, #tpu.memory_space<hbm>>
        tpu.enqueue_dma source(%arg6 : memref<512x128xf32, #tpu.memory_space<vmem>>) target(%dma_start3A_19 : memref<512x128xf32, #tpu.memory_space<hbm>>) target_semaphore(%run_scoped3A : memref<!tpu.dma_semaphore, #tpu.memory_space<semaphore_mem>>)
        %dma_wait3A_20 = arith.constant 0 : i32
        %dma_wait3A_21 = tpu.memref_slice %arg4[%add3A_11, %dma_wait3A_20] : memref<131072x128xf32, #tpu.memory_space<hbm>> -> memref<512x128xf32, #tpu.memory_space<hbm>>
        %dma_wait3A_22 = arith.constant 0 : i32
        %dma_wait3A_23 = tpu.memref_slice %arg4[%add3A_11, %dma_wait3A_22] : memref<131072x128xf32, #tpu.memory_space<hbm>> -> memref<512x128xf32, #tpu.memory_space<hbm>>
        tpu.wait_dma2 semaphore(%run_scoped3A : memref<!tpu.dma_semaphore, #tpu.memory_space<semaphore_mem>>) src(%arg6 : memref<512x128xf32, #tpu.memory_space<vmem>>) dst(%dma_wait3A_23 : memref<512x128xf32, #tpu.memory_space<hbm>>)
        tpu.yield
      }) : () -> ()
    }
    %scan3A_7 = arith.constant 8 : i32
    return
  }
}

#map = affine_map<(d0, d1) -> (0, 0)>
#map1 = affine_map<(d0, d1) -> (0)>
module attributes {stable_mosaic.version = 14 : i64} {
  func.func @k(%arg0: i32, %arg1: i32, %arg2: memref<8x2048xf32, #tpu.memory_space<hbm>>, %arg3: memref<8x2048xf32, #tpu.memory_space<hbm>>, %arg4: memref<8x2048xf32, #tpu.memory_space<hbm>>, %arg5: memref<8x1024xf32, #tpu.memory_space<hbm>>, %arg6: memref<8x1024xf32, #tpu.memory_space<hbm>>, %arg7: memref<8x1024xf32, #tpu.memory_space<hbm>>, %arg8: memref<524288xi32, #tpu.memory_space<hbm>>, %arg9: memref<1572864xf32, #tpu.memory_space<hbm>>, %arg10: memref<2048xf32, #tpu.memory_space<vmem>>, %arg11: memref<2048xf32, #tpu.memory_space<vmem>>, %arg12: memref<2048xf32, #tpu.memory_space<vmem>>, %arg13: memref<1024xf32, #tpu.memory_space<vmem>>, %arg14: memref<1024xf32, #tpu.memory_space<vmem>>, %arg15: memref<1024xf32, #tpu.memory_space<vmem>>, %arg16: memref<16384xi32, #tpu.memory_space<vmem>>, %arg17: memref<49152xf32, #tpu.memory_space<vmem>>) attributes {dimension_semantics = [#tpu.dimension_semantics<core_parallel>, #tpu.dimension_semantics<subcore_parallel>], iteration_bounds = array<i64: 2, 16>, scalar_prefetch = 0 : i64, scratch_operands = 8 : i64, tpu.core_type = #tpu.core_type<sc_vector_subcore>, window_params = [{transform_indices = #map}, {transform_indices = #map}, {transform_indices = #map}, {transform_indices = #map}, {transform_indices = #map}, {transform_indices = #map}, {transform_indices = #map1}, {transform_indices = #map1}]} {
    %mul3A = arith.constant 2 : i32
    %mul3A_0 = arith.muli %arg1, %mul3A : i32
    %add3A = arith.addi %mul3A_0, %arg0 : i32
    %jit3A = arith.constant 4 : i32
    %div3A = arith.divsi %add3A, %jit3A : i32
    %sign3A = arith.constant 0 : i32
    %sign3A_1 = arith.cmpi sgt, %add3A, %sign3A : i32
    %sign3A_2 = arith.extui %sign3A_1 : i1 to i32
    %sign3A_3 = arith.constant 0 : i32
    %sign3A_4 = arith.cmpi slt, %add3A, %sign3A_3 : i32
    %sign3A_5 = arith.extui %sign3A_4 : i1 to i32
    %sign3A_6 = arith.subi %sign3A_2, %sign3A_5 : i32
    %sign3A_7 = arith.constant 0 : i32
    %sign3A_8 = arith.cmpi sgt, %jit3A, %sign3A_7 : i32
    %sign3A_9 = arith.extui %sign3A_8 : i1 to i32
    %sign3A_10 = arith.constant 0 : i32
    %sign3A_11 = arith.cmpi slt, %jit3A, %sign3A_10 : i32
    %sign3A_12 = arith.extui %sign3A_11 : i1 to i32
    %sign3A_13 = arith.subi %sign3A_9, %sign3A_12 : i32
    %ne3A = arith.cmpi ne, %sign3A_6, %sign3A_13 : i32
    %rem3A = arith.remsi %add3A, %jit3A : i32
    %ne3A_14 = arith.constant 0 : i32
    %ne3A_15 = arith.cmpi ne, %rem3A, %ne3A_14 : i32
    %and3A = arith.andi %ne3A, %ne3A_15 : i1
    %sub3A = arith.constant 1 : i32
    %sub3A_16 = arith.subi %div3A, %sub3A : i32
    %select_n3A = arith.select %and3A, %sub3A_16, %div3A : i32
    %jit3A_17 = arith.constant 4 : i32
    %eq3A = arith.constant 0 : i32
    %eq3A_18 = arith.cmpi eq, %jit3A_17, %eq3A : i32
    %jit3A_19 = arith.constant 1 : i32
    %select_n3A_20 = arith.select %eq3A_18, %jit3A_19, %jit3A_17 : i32
    %rem3A_21 = arith.remsi %add3A, %select_n3A_20 : i32
    %ne3A_22 = arith.constant 0 : i32
    %ne3A_23 = arith.cmpi ne, %rem3A_21, %ne3A_22 : i32
    %lt3A = arith.constant 0 : i32
    %lt3A_24 = arith.cmpi slt, %rem3A_21, %lt3A : i32
    %lt3A_25 = arith.constant 0 : i32
    %lt3A_26 = arith.cmpi slt, %select_n3A_20, %lt3A_25 : i32
    %ne3A_27 = arith.xori %lt3A_24, %lt3A_26 : i1
    %and3A_28 = arith.andi %ne3A_27, %ne3A_23 : i1
    %add3A_29 = arith.addi %rem3A_21, %select_n3A_20 : i32
    %select_n3A_30 = arith.select %and3A_28, %add3A_29, %rem3A_21 : i32
    %mul3A_31 = arith.constant 16384 : i32
    %mul3A_32 = arith.muli %select_n3A_30, %mul3A_31 : i32
    "tpu.region"() ({
      %run_scoped3A = tpu.sem_alloc : memref<!tpu.dma_semaphore, #tpu.memory_space<semaphore_mem>>
      %dma_start3A = arith.constant 0 : i32
      %dma_start3A_46 = tpu.memref_slice %arg2[%select_n3A, %dma_start3A] : memref<8x2048xf32, #tpu.memory_space<hbm>> -> memref<1x2048xf32, #tpu.memory_space<hbm>>
      %dma_start3A_47 = tpu.memref_squeeze %dma_start3A_46 : memref<1x2048xf32, #tpu.memory_space<hbm>> -> memref<2048xf32, #tpu.memory_space<hbm>>
      %dma_start3A_48 = arith.constant 0 : i32
      %dma_start3A_49 = tpu.memref_slice %arg2[%select_n3A, %dma_start3A_48] : memref<8x2048xf32, #tpu.memory_space<hbm>> -> memref<1x2048xf32, #tpu.memory_space<hbm>>
      %dma_start3A_50 = tpu.memref_squeeze %dma_start3A_49 : memref<1x2048xf32, #tpu.memory_space<hbm>> -> memref<2048xf32, #tpu.memory_space<hbm>>
      tpu.enqueue_dma source(%dma_start3A_50 : memref<2048xf32, #tpu.memory_space<hbm>>) target(%arg10 : memref<2048xf32, #tpu.memory_space<vmem>>) target_semaphore(%run_scoped3A : memref<!tpu.dma_semaphore, #tpu.memory_space<semaphore_mem>>)
      %dma_wait3A = arith.constant 0 : i32
      %dma_wait3A_51 = tpu.memref_slice %arg2[%select_n3A, %dma_wait3A] : memref<8x2048xf32, #tpu.memory_space<hbm>> -> memref<1x2048xf32, #tpu.memory_space<hbm>>
      %dma_wait3A_52 = tpu.memref_squeeze %dma_wait3A_51 : memref<1x2048xf32, #tpu.memory_space<hbm>> -> memref<2048xf32, #tpu.memory_space<hbm>>
      %dma_wait3A_53 = arith.constant 0 : i32
      %dma_wait3A_54 = tpu.memref_slice %arg2[%select_n3A, %dma_wait3A_53] : memref<8x2048xf32, #tpu.memory_space<hbm>> -> memref<1x2048xf32, #tpu.memory_space<hbm>>
      %dma_wait3A_55 = tpu.memref_squeeze %dma_wait3A_54 : memref<1x2048xf32, #tpu.memory_space<hbm>> -> memref<2048xf32, #tpu.memory_space<hbm>>
      tpu.wait_dma2 semaphore(%run_scoped3A : memref<!tpu.dma_semaphore, #tpu.memory_space<semaphore_mem>>) src(%dma_wait3A_55 : memref<2048xf32, #tpu.memory_space<hbm>>) dst(%arg10 : memref<2048xf32, #tpu.memory_space<vmem>>)
      tpu.yield
    }) : () -> ()
    "tpu.region"() ({
      %run_scoped3A = tpu.sem_alloc : memref<!tpu.dma_semaphore, #tpu.memory_space<semaphore_mem>>
      %dma_start3A = arith.constant 0 : i32
      %dma_start3A_46 = tpu.memref_slice %arg3[%select_n3A, %dma_start3A] : memref<8x2048xf32, #tpu.memory_space<hbm>> -> memref<1x2048xf32, #tpu.memory_space<hbm>>
      %dma_start3A_47 = tpu.memref_squeeze %dma_start3A_46 : memref<1x2048xf32, #tpu.memory_space<hbm>> -> memref<2048xf32, #tpu.memory_space<hbm>>
      %dma_start3A_48 = arith.constant 0 : i32
      %dma_start3A_49 = tpu.memref_slice %arg3[%select_n3A, %dma_start3A_48] : memref<8x2048xf32, #tpu.memory_space<hbm>> -> memref<1x2048xf32, #tpu.memory_space<hbm>>
      %dma_start3A_50 = tpu.memref_squeeze %dma_start3A_49 : memref<1x2048xf32, #tpu.memory_space<hbm>> -> memref<2048xf32, #tpu.memory_space<hbm>>
      tpu.enqueue_dma source(%dma_start3A_50 : memref<2048xf32, #tpu.memory_space<hbm>>) target(%arg11 : memref<2048xf32, #tpu.memory_space<vmem>>) target_semaphore(%run_scoped3A : memref<!tpu.dma_semaphore, #tpu.memory_space<semaphore_mem>>)
      %dma_wait3A = arith.constant 0 : i32
      %dma_wait3A_51 = tpu.memref_slice %arg3[%select_n3A, %dma_wait3A] : memref<8x2048xf32, #tpu.memory_space<hbm>> -> memref<1x2048xf32, #tpu.memory_space<hbm>>
      %dma_wait3A_52 = tpu.memref_squeeze %dma_wait3A_51 : memref<1x2048xf32, #tpu.memory_space<hbm>> -> memref<2048xf32, #tpu.memory_space<hbm>>
      %dma_wait3A_53 = arith.constant 0 : i32
      %dma_wait3A_54 = tpu.memref_slice %arg3[%select_n3A, %dma_wait3A_53] : memref<8x2048xf32, #tpu.memory_space<hbm>> -> memref<1x2048xf32, #tpu.memory_space<hbm>>
      %dma_wait3A_55 = tpu.memref_squeeze %dma_wait3A_54 : memref<1x2048xf32, #tpu.memory_space<hbm>> -> memref<2048xf32, #tpu.memory_space<hbm>>
      tpu.wait_dma2 semaphore(%run_scoped3A : memref<!tpu.dma_semaphore, #tpu.memory_space<semaphore_mem>>) src(%dma_wait3A_55 : memref<2048xf32, #tpu.memory_space<hbm>>) dst(%arg11 : memref<2048xf32, #tpu.memory_space<vmem>>)
      tpu.yield
    }) : () -> ()
    "tpu.region"() ({
      %run_scoped3A = tpu.sem_alloc : memref<!tpu.dma_semaphore, #tpu.memory_space<semaphore_mem>>
      %dma_start3A = arith.constant 0 : i32
      %dma_start3A_46 = tpu.memref_slice %arg4[%select_n3A, %dma_start3A] : memref<8x2048xf32, #tpu.memory_space<hbm>> -> memref<1x2048xf32, #tpu.memory_space<hbm>>
      %dma_start3A_47 = tpu.memref_squeeze %dma_start3A_46 : memref<1x2048xf32, #tpu.memory_space<hbm>> -> memref<2048xf32, #tpu.memory_space<hbm>>
      %dma_start3A_48 = arith.constant 0 : i32
      %dma_start3A_49 = tpu.memref_slice %arg4[%select_n3A, %dma_start3A_48] : memref<8x2048xf32, #tpu.memory_space<hbm>> -> memref<1x2048xf32, #tpu.memory_space<hbm>>
      %dma_start3A_50 = tpu.memref_squeeze %dma_start3A_49 : memref<1x2048xf32, #tpu.memory_space<hbm>> -> memref<2048xf32, #tpu.memory_space<hbm>>
      tpu.enqueue_dma source(%dma_start3A_50 : memref<2048xf32, #tpu.memory_space<hbm>>) target(%arg12 : memref<2048xf32, #tpu.memory_space<vmem>>) target_semaphore(%run_scoped3A : memref<!tpu.dma_semaphore, #tpu.memory_space<semaphore_mem>>)
      %dma_wait3A = arith.constant 0 : i32
      %dma_wait3A_51 = tpu.memref_slice %arg4[%select_n3A, %dma_wait3A] : memref<8x2048xf32, #tpu.memory_space<hbm>> -> memref<1x2048xf32, #tpu.memory_space<hbm>>
      %dma_wait3A_52 = tpu.memref_squeeze %dma_wait3A_51 : memref<1x2048xf32, #tpu.memory_space<hbm>> -> memref<2048xf32, #tpu.memory_space<hbm>>
      %dma_wait3A_53 = arith.constant 0 : i32
      %dma_wait3A_54 = tpu.memref_slice %arg4[%select_n3A, %dma_wait3A_53] : memref<8x2048xf32, #tpu.memory_space<hbm>> -> memref<1x2048xf32, #tpu.memory_space<hbm>>
      %dma_wait3A_55 = tpu.memref_squeeze %dma_wait3A_54 : memref<1x2048xf32, #tpu.memory_space<hbm>> -> memref<2048xf32, #tpu.memory_space<hbm>>
      tpu.wait_dma2 semaphore(%run_scoped3A : memref<!tpu.dma_semaphore, #tpu.memory_space<semaphore_mem>>) src(%dma_wait3A_55 : memref<2048xf32, #tpu.memory_space<hbm>>) dst(%arg12 : memref<2048xf32, #tpu.memory_space<vmem>>)
      tpu.yield
    }) : () -> ()
    "tpu.region"() ({
      %run_scoped3A = tpu.sem_alloc : memref<!tpu.dma_semaphore, #tpu.memory_space<semaphore_mem>>
      %dma_start3A = arith.constant 0 : i32
      %dma_start3A_46 = tpu.memref_slice %arg5[%select_n3A, %dma_start3A] : memref<8x1024xf32, #tpu.memory_space<hbm>> -> memref<1x1024xf32, #tpu.memory_space<hbm>>
      %dma_start3A_47 = tpu.memref_squeeze %dma_start3A_46 : memref<1x1024xf32, #tpu.memory_space<hbm>> -> memref<1024xf32, #tpu.memory_space<hbm>>
      %dma_start3A_48 = arith.constant 0 : i32
      %dma_start3A_49 = tpu.memref_slice %arg5[%select_n3A, %dma_start3A_48] : memref<8x1024xf32, #tpu.memory_space<hbm>> -> memref<1x1024xf32, #tpu.memory_space<hbm>>
      %dma_start3A_50 = tpu.memref_squeeze %dma_start3A_49 : memref<1x1024xf32, #tpu.memory_space<hbm>> -> memref<1024xf32, #tpu.memory_space<hbm>>
      tpu.enqueue_dma source(%dma_start3A_50 : memref<1024xf32, #tpu.memory_space<hbm>>) target(%arg13 : memref<1024xf32, #tpu.memory_space<vmem>>) target_semaphore(%run_scoped3A : memref<!tpu.dma_semaphore, #tpu.memory_space<semaphore_mem>>)
      %dma_wait3A = arith.constant 0 : i32
      %dma_wait3A_51 = tpu.memref_slice %arg5[%select_n3A, %dma_wait3A] : memref<8x1024xf32, #tpu.memory_space<hbm>> -> memref<1x1024xf32, #tpu.memory_space<hbm>>
      %dma_wait3A_52 = tpu.memref_squeeze %dma_wait3A_51 : memref<1x1024xf32, #tpu.memory_space<hbm>> -> memref<1024xf32, #tpu.memory_space<hbm>>
      %dma_wait3A_53 = arith.constant 0 : i32
      %dma_wait3A_54 = tpu.memref_slice %arg5[%select_n3A, %dma_wait3A_53] : memref<8x1024xf32, #tpu.memory_space<hbm>> -> memref<1x1024xf32, #tpu.memory_space<hbm>>
      %dma_wait3A_55 = tpu.memref_squeeze %dma_wait3A_54 : memref<1x1024xf32, #tpu.memory_space<hbm>> -> memref<1024xf32, #tpu.memory_space<hbm>>
      tpu.wait_dma2 semaphore(%run_scoped3A : memref<!tpu.dma_semaphore, #tpu.memory_space<semaphore_mem>>) src(%dma_wait3A_55 : memref<1024xf32, #tpu.memory_space<hbm>>) dst(%arg13 : memref<1024xf32, #tpu.memory_space<vmem>>)
      tpu.yield
    }) : () -> ()
    "tpu.region"() ({
      %run_scoped3A = tpu.sem_alloc : memref<!tpu.dma_semaphore, #tpu.memory_space<semaphore_mem>>
      %dma_start3A = arith.constant 0 : i32
      %dma_start3A_46 = tpu.memref_slice %arg6[%select_n3A, %dma_start3A] : memref<8x1024xf32, #tpu.memory_space<hbm>> -> memref<1x1024xf32, #tpu.memory_space<hbm>>
      %dma_start3A_47 = tpu.memref_squeeze %dma_start3A_46 : memref<1x1024xf32, #tpu.memory_space<hbm>> -> memref<1024xf32, #tpu.memory_space<hbm>>
      %dma_start3A_48 = arith.constant 0 : i32
      %dma_start3A_49 = tpu.memref_slice %arg6[%select_n3A, %dma_start3A_48] : memref<8x1024xf32, #tpu.memory_space<hbm>> -> memref<1x1024xf32, #tpu.memory_space<hbm>>
      %dma_start3A_50 = tpu.memref_squeeze %dma_start3A_49 : memref<1x1024xf32, #tpu.memory_space<hbm>> -> memref<1024xf32, #tpu.memory_space<hbm>>
      tpu.enqueue_dma source(%dma_start3A_50 : memref<1024xf32, #tpu.memory_space<hbm>>) target(%arg14 : memref<1024xf32, #tpu.memory_space<vmem>>) target_semaphore(%run_scoped3A : memref<!tpu.dma_semaphore, #tpu.memory_space<semaphore_mem>>)
      %dma_wait3A = arith.constant 0 : i32
      %dma_wait3A_51 = tpu.memref_slice %arg6[%select_n3A, %dma_wait3A] : memref<8x1024xf32, #tpu.memory_space<hbm>> -> memref<1x1024xf32, #tpu.memory_space<hbm>>
      %dma_wait3A_52 = tpu.memref_squeeze %dma_wait3A_51 : memref<1x1024xf32, #tpu.memory_space<hbm>> -> memref<1024xf32, #tpu.memory_space<hbm>>
      %dma_wait3A_53 = arith.constant 0 : i32
      %dma_wait3A_54 = tpu.memref_slice %arg6[%select_n3A, %dma_wait3A_53] : memref<8x1024xf32, #tpu.memory_space<hbm>> -> memref<1x1024xf32, #tpu.memory_space<hbm>>
      %dma_wait3A_55 = tpu.memref_squeeze %dma_wait3A_54 : memref<1x1024xf32, #tpu.memory_space<hbm>> -> memref<1024xf32, #tpu.memory_space<hbm>>
      tpu.wait_dma2 semaphore(%run_scoped3A : memref<!tpu.dma_semaphore, #tpu.memory_space<semaphore_mem>>) src(%dma_wait3A_55 : memref<1024xf32, #tpu.memory_space<hbm>>) dst(%arg14 : memref<1024xf32, #tpu.memory_space<vmem>>)
      tpu.yield
    }) : () -> ()
    "tpu.region"() ({
      %run_scoped3A = tpu.sem_alloc : memref<!tpu.dma_semaphore, #tpu.memory_space<semaphore_mem>>
      %dma_start3A = arith.constant 0 : i32
      %dma_start3A_46 = tpu.memref_slice %arg7[%select_n3A, %dma_start3A] : memref<8x1024xf32, #tpu.memory_space<hbm>> -> memref<1x1024xf32, #tpu.memory_space<hbm>>
      %dma_start3A_47 = tpu.memref_squeeze %dma_start3A_46 : memref<1x1024xf32, #tpu.memory_space<hbm>> -> memref<1024xf32, #tpu.memory_space<hbm>>
      %dma_start3A_48 = arith.constant 0 : i32
      %dma_start3A_49 = tpu.memref_slice %arg7[%select_n3A, %dma_start3A_48] : memref<8x1024xf32, #tpu.memory_space<hbm>> -> memref<1x1024xf32, #tpu.memory_space<hbm>>
      %dma_start3A_50 = tpu.memref_squeeze %dma_start3A_49 : memref<1x1024xf32, #tpu.memory_space<hbm>> -> memref<1024xf32, #tpu.memory_space<hbm>>
      tpu.enqueue_dma source(%dma_start3A_50 : memref<1024xf32, #tpu.memory_space<hbm>>) target(%arg15 : memref<1024xf32, #tpu.memory_space<vmem>>) target_semaphore(%run_scoped3A : memref<!tpu.dma_semaphore, #tpu.memory_space<semaphore_mem>>)
      %dma_wait3A = arith.constant 0 : i32
      %dma_wait3A_51 = tpu.memref_slice %arg7[%select_n3A, %dma_wait3A] : memref<8x1024xf32, #tpu.memory_space<hbm>> -> memref<1x1024xf32, #tpu.memory_space<hbm>>
      %dma_wait3A_52 = tpu.memref_squeeze %dma_wait3A_51 : memref<1x1024xf32, #tpu.memory_space<hbm>> -> memref<1024xf32, #tpu.memory_space<hbm>>
      %dma_wait3A_53 = arith.constant 0 : i32
      %dma_wait3A_54 = tpu.memref_slice %arg7[%select_n3A, %dma_wait3A_53] : memref<8x1024xf32, #tpu.memory_space<hbm>> -> memref<1x1024xf32, #tpu.memory_space<hbm>>
      %dma_wait3A_55 = tpu.memref_squeeze %dma_wait3A_54 : memref<1x1024xf32, #tpu.memory_space<hbm>> -> memref<1024xf32, #tpu.memory_space<hbm>>
      tpu.wait_dma2 semaphore(%run_scoped3A : memref<!tpu.dma_semaphore, #tpu.memory_space<semaphore_mem>>) src(%dma_wait3A_55 : memref<1024xf32, #tpu.memory_space<hbm>>) dst(%arg15 : memref<1024xf32, #tpu.memory_space<vmem>>)
      tpu.yield
    }) : () -> ()
    %mul3A_33 = arith.constant 65536 : i32
    %mul3A_34 = arith.muli %select_n3A, %mul3A_33 : i32
    %add3A_35 = arith.addi %mul3A_34, %mul3A_32 : i32
    "tpu.region"() ({
      %run_scoped3A = tpu.sem_alloc : memref<!tpu.dma_semaphore, #tpu.memory_space<semaphore_mem>>
      %dma_start3A = tpu.memref_slice %arg8[%add3A_35] : memref<524288xi32, #tpu.memory_space<hbm>> -> memref<16384xi32, #tpu.memory_space<hbm>>
      %dma_start3A_46 = tpu.memref_slice %arg8[%add3A_35] : memref<524288xi32, #tpu.memory_space<hbm>> -> memref<16384xi32, #tpu.memory_space<hbm>>
      tpu.enqueue_dma source(%dma_start3A_46 : memref<16384xi32, #tpu.memory_space<hbm>>) target(%arg16 : memref<16384xi32, #tpu.memory_space<vmem>>) target_semaphore(%run_scoped3A : memref<!tpu.dma_semaphore, #tpu.memory_space<semaphore_mem>>)
      %dma_wait3A = tpu.memref_slice %arg8[%add3A_35] : memref<524288xi32, #tpu.memory_space<hbm>> -> memref<16384xi32, #tpu.memory_space<hbm>>
      %dma_wait3A_47 = tpu.memref_slice %arg8[%add3A_35] : memref<524288xi32, #tpu.memory_space<hbm>> -> memref<16384xi32, #tpu.memory_space<hbm>>
      tpu.wait_dma2 semaphore(%run_scoped3A : memref<!tpu.dma_semaphore, #tpu.memory_space<semaphore_mem>>) src(%dma_wait3A_47 : memref<16384xi32, #tpu.memory_space<hbm>>) dst(%arg16 : memref<16384xi32, #tpu.memory_space<vmem>>)
      tpu.yield
    }) : () -> ()
    %iota3A = tpu.iota {dimensions = array<i32: 0>} : vector<16xi32>
    %scan3A = arith.constant 0 : i32
    %scan3A_36 = arith.constant 0 : i32
    %scan3A_37 = arith.constant 1024 : i32
    %scan3A_38 = arith.addi %scan3A_36, %scan3A_37 : i32
    %scan3A_39 = arith.constant 1 : i32
    scf.for %scan3A_46 = %scan3A_36 to %scan3A_38 step %scan3A_39  : i32 {
      %mul3A_47 = arith.constant 16 : i32
      %mul3A_48 = arith.muli %scan3A_46, %mul3A_47 : i32
      %get3A = arith.index_cast %mul3A_48 : i32 to index
      %get3A_49 = tpu.vector_load %arg16[%get3A] {strides = array<i32>} : memref<16384xi32, #tpu.memory_space<vmem>>, vector<16xi32>,
      %add3A_50 = arith.addi %mul3A_32, %mul3A_48 : i32
      %add3A_51 = vector.broadcast %add3A_50 : i32 to vector<16xi32>
      %add3A_52 = arith.addi %add3A_51, %iota3A : vector<16xi32>
      %shift_right_logical3A = arith.constant 6 : i32
      %shift_right_logical3A_53 = vector.broadcast %shift_right_logical3A : i32 to vector<16xi32>
      %shift_right_logical3A_54 = arith.shrui %add3A_52, %shift_right_logical3A_53 : vector<16xi32>
      %add3A_55 = vector.broadcast %mul3A_48 : i32 to vector<16xi32>
      %add3A_56 = arith.addi %add3A_55, %iota3A : vector<16xi32>
      %mul3A_57 = arith.constant 3 : i32
      %mul3A_58 = vector.broadcast %mul3A_57 : i32 to vector<16xi32>
      %mul3A_59 = arith.muli %add3A_56, %mul3A_58 : vector<16xi32>
      %gather3A = tpu.vector_load_idx %arg10[%get3A_49] : memref<2048xf32, #tpu.memory_space<vmem>>[vector<16xi32>], vector<16xf32>,
      %gather3A_60 = tpu.vector_load_idx %arg13[%shift_right_logical3A_54] : memref<1024xf32, #tpu.memory_space<vmem>>[vector<16xi32>], vector<16xf32>,
      %sub3A_61 = arith.subf %gather3A, %gather3A_60 : vector<16xf32>
      tpu.vector_store_idx %arg17[%mul3A_59], %sub3A_61 : memref<49152xf32, #tpu.memory_space<vmem>>[vector<16xi32>], vector<16xf32>,
      %gather3A_62 = tpu.vector_load_idx %arg11[%get3A_49] : memref<2048xf32, #tpu.memory_space<vmem>>[vector<16xi32>], vector<16xf32>,
      %gather3A_63 = tpu.vector_load_idx %arg14[%shift_right_logical3A_54] : memref<1024xf32, #tpu.memory_space<vmem>>[vector<16xi32>], vector<16xf32>,
      %sub3A_64 = arith.subf %gather3A_62, %gather3A_63 : vector<16xf32>
      %add3A_65 = arith.constant 1 : i32
      %add3A_66 = vector.broadcast %add3A_65 : i32 to vector<16xi32>
      %add3A_67 = arith.addi %mul3A_59, %add3A_66 : vector<16xi32>
      tpu.vector_store_idx %arg17[%add3A_67], %sub3A_64 : memref<49152xf32, #tpu.memory_space<vmem>>[vector<16xi32>], vector<16xf32>,
      %gather3A_68 = tpu.vector_load_idx %arg12[%get3A_49] : memref<2048xf32, #tpu.memory_space<vmem>>[vector<16xi32>], vector<16xf32>,
      %gather3A_69 = tpu.vector_load_idx %arg15[%shift_right_logical3A_54] : memref<1024xf32, #tpu.memory_space<vmem>>[vector<16xi32>], vector<16xf32>,
      %sub3A_70 = arith.subf %gather3A_68, %gather3A_69 : vector<16xf32>
      %add3A_71 = arith.constant 2 : i32
      %add3A_72 = vector.broadcast %add3A_71 : i32 to vector<16xi32>
      %add3A_73 = arith.addi %mul3A_59, %add3A_72 : vector<16xi32>
      tpu.vector_store_idx %arg17[%add3A_73], %sub3A_70 : memref<49152xf32, #tpu.memory_space<vmem>>[vector<16xi32>], vector<16xf32>,
    }
    %scan3A_40 = arith.constant 1024 : i32
    %mul3A_41 = arith.constant 65536 : i32
    %mul3A_42 = arith.muli %select_n3A, %mul3A_41 : i32
    %add3A_43 = arith.addi %mul3A_42, %mul3A_32 : i32
    %mul3A_44 = arith.constant 3 : i32
    %mul3A_45 = arith.muli %add3A_43, %mul3A_44 : i32
    "tpu.region"() ({
      %run_scoped3A = tpu.sem_alloc : memref<!tpu.dma_semaphore, #tpu.memory_space<semaphore_mem>>
      %dma_start3A = tpu.memref_slice %arg9[%mul3A_45] : memref<1572864xf32, #tpu.memory_space<hbm>> -> memref<49152xf32, #tpu.memory_space<hbm>>
      %dma_start3A_46 = tpu.memref_slice %arg9[%mul3A_45] : memref<1572864xf32, #tpu.memory_space<hbm>> -> memref<49152xf32, #tpu.memory_space<hbm>>
      tpu.enqueue_dma source(%arg17 : memref<49152xf32, #tpu.memory_space<vmem>>) target(%dma_start3A_46 : memref<49152xf32, #tpu.memory_space<hbm>>) target_semaphore(%run_scoped3A : memref<!tpu.dma_semaphore, #tpu.memory_space<semaphore_mem>>)
      %dma_wait3A = tpu.memref_slice %arg9[%mul3A_45] : memref<1572864xf32, #tpu.memory_space<hbm>> -> memref<49152xf32, #tpu.memory_space<hbm>>
      %dma_wait3A_47 = tpu.memref_slice %arg9[%mul3A_45] : memref<1572864xf32, #tpu.memory_space<hbm>> -> memref<49152xf32, #tpu.memory_space<hbm>>
      tpu.wait_dma2 semaphore(%run_scoped3A : memref<!tpu.dma_semaphore, #tpu.memory_space<semaphore_mem>>) src(%arg17 : memref<49152xf32, #tpu.memory_space<vmem>>) dst(%dma_wait3A_47 : memref<49152xf32, #tpu.memory_space<hbm>>)
      tpu.yield
    }) : () -> ()
    return
  }
}

#map = affine_map<(d0, d1) -> (0, 0)>
#map1 = affine_map<(d0, d1) -> (0)>
module attributes {stable_mosaic.version = 14 : i64} {
  func.func @k(%arg0: i32, %arg1: i32, %arg2: memref<8x1024xf32, #tpu.memory_space<hbm>>, %arg3: memref<8x1024xf32, #tpu.memory_space<hbm>>, %arg4: memref<8x1024xf32, #tpu.memory_space<hbm>>, %arg5: memref<8x256xf32, #tpu.memory_space<hbm>>, %arg6: memref<8x256xf32, #tpu.memory_space<hbm>>, %arg7: memref<8x256xf32, #tpu.memory_space<hbm>>, %arg8: memref<131072xi32, #tpu.memory_space<hbm>>, %arg9: memref<393216xf32, #tpu.memory_space<hbm>>, %arg10: memref<1024xf32, #tpu.memory_space<vmem>>, %arg11: memref<1024xf32, #tpu.memory_space<vmem>>, %arg12: memref<1024xf32, #tpu.memory_space<vmem>>, %arg13: memref<256xf32, #tpu.memory_space<vmem>>, %arg14: memref<256xf32, #tpu.memory_space<vmem>>, %arg15: memref<256xf32, #tpu.memory_space<vmem>>, %arg16: memref<4096xi32, #tpu.memory_space<vmem>>, %arg17: memref<12288xf32, #tpu.memory_space<vmem>>) attributes {dimension_semantics = [#tpu.dimension_semantics<core_parallel>, #tpu.dimension_semantics<subcore_parallel>], iteration_bounds = array<i64: 2, 16>, scalar_prefetch = 0 : i64, scratch_operands = 8 : i64, tpu.core_type = #tpu.core_type<sc_vector_subcore>, window_params = [{transform_indices = #map}, {transform_indices = #map}, {transform_indices = #map}, {transform_indices = #map}, {transform_indices = #map}, {transform_indices = #map}, {transform_indices = #map1}, {transform_indices = #map1}]} {
    %mul3A = arith.constant 2 : i32
    %mul3A_0 = arith.muli %arg1, %mul3A : i32
    %add3A = arith.addi %mul3A_0, %arg0 : i32
    %jit3A = arith.constant 4 : i32
    %div3A = arith.divsi %add3A, %jit3A : i32
    %sign3A = arith.constant 0 : i32
    %sign3A_1 = arith.cmpi sgt, %add3A, %sign3A : i32
    %sign3A_2 = arith.extui %sign3A_1 : i1 to i32
    %sign3A_3 = arith.constant 0 : i32
    %sign3A_4 = arith.cmpi slt, %add3A, %sign3A_3 : i32
    %sign3A_5 = arith.extui %sign3A_4 : i1 to i32
    %sign3A_6 = arith.subi %sign3A_2, %sign3A_5 : i32
    %sign3A_7 = arith.constant 0 : i32
    %sign3A_8 = arith.cmpi sgt, %jit3A, %sign3A_7 : i32
    %sign3A_9 = arith.extui %sign3A_8 : i1 to i32
    %sign3A_10 = arith.constant 0 : i32
    %sign3A_11 = arith.cmpi slt, %jit3A, %sign3A_10 : i32
    %sign3A_12 = arith.extui %sign3A_11 : i1 to i32
    %sign3A_13 = arith.subi %sign3A_9, %sign3A_12 : i32
    %ne3A = arith.cmpi ne, %sign3A_6, %sign3A_13 : i32
    %rem3A = arith.remsi %add3A, %jit3A : i32
    %ne3A_14 = arith.constant 0 : i32
    %ne3A_15 = arith.cmpi ne, %rem3A, %ne3A_14 : i32
    %and3A = arith.andi %ne3A, %ne3A_15 : i1
    %sub3A = arith.constant 1 : i32
    %sub3A_16 = arith.subi %div3A, %sub3A : i32
    %select_n3A = arith.select %and3A, %sub3A_16, %div3A : i32
    %jit3A_17 = arith.constant 4 : i32
    %eq3A = arith.constant 0 : i32
    %eq3A_18 = arith.cmpi eq, %jit3A_17, %eq3A : i32
    %jit3A_19 = arith.constant 1 : i32
    %select_n3A_20 = arith.select %eq3A_18, %jit3A_19, %jit3A_17 : i32
    %rem3A_21 = arith.remsi %add3A, %select_n3A_20 : i32
    %ne3A_22 = arith.constant 0 : i32
    %ne3A_23 = arith.cmpi ne, %rem3A_21, %ne3A_22 : i32
    %lt3A = arith.constant 0 : i32
    %lt3A_24 = arith.cmpi slt, %rem3A_21, %lt3A : i32
    %lt3A_25 = arith.constant 0 : i32
    %lt3A_26 = arith.cmpi slt, %select_n3A_20, %lt3A_25 : i32
    %ne3A_27 = arith.xori %lt3A_24, %lt3A_26 : i1
    %and3A_28 = arith.andi %ne3A_27, %ne3A_23 : i1
    %add3A_29 = arith.addi %rem3A_21, %select_n3A_20 : i32
    %select_n3A_30 = arith.select %and3A_28, %add3A_29, %rem3A_21 : i32
    %mul3A_31 = arith.constant 4096 : i32
    %mul3A_32 = arith.muli %select_n3A_30, %mul3A_31 : i32
    "tpu.region"() ({
      %run_scoped3A = tpu.sem_alloc : memref<!tpu.dma_semaphore, #tpu.memory_space<semaphore_mem>>
      %dma_start3A = arith.constant 0 : i32
      %dma_start3A_46 = tpu.memref_slice %arg2[%select_n3A, %dma_start3A] : memref<8x1024xf32, #tpu.memory_space<hbm>> -> memref<1x1024xf32, #tpu.memory_space<hbm>>
      %dma_start3A_47 = tpu.memref_squeeze %dma_start3A_46 : memref<1x1024xf32, #tpu.memory_space<hbm>> -> memref<1024xf32, #tpu.memory_space<hbm>>
      %dma_start3A_48 = arith.constant 0 : i32
      %dma_start3A_49 = tpu.memref_slice %arg2[%select_n3A, %dma_start3A_48] : memref<8x1024xf32, #tpu.memory_space<hbm>> -> memref<1x1024xf32, #tpu.memory_space<hbm>>
      %dma_start3A_50 = tpu.memref_squeeze %dma_start3A_49 : memref<1x1024xf32, #tpu.memory_space<hbm>> -> memref<1024xf32, #tpu.memory_space<hbm>>
      tpu.enqueue_dma source(%dma_start3A_50 : memref<1024xf32, #tpu.memory_space<hbm>>) target(%arg10 : memref<1024xf32, #tpu.memory_space<vmem>>) target_semaphore(%run_scoped3A : memref<!tpu.dma_semaphore, #tpu.memory_space<semaphore_mem>>)
      %dma_wait3A = arith.constant 0 : i32
      %dma_wait3A_51 = tpu.memref_slice %arg2[%select_n3A, %dma_wait3A] : memref<8x1024xf32, #tpu.memory_space<hbm>> -> memref<1x1024xf32, #tpu.memory_space<hbm>>
      %dma_wait3A_52 = tpu.memref_squeeze %dma_wait3A_51 : memref<1x1024xf32, #tpu.memory_space<hbm>> -> memref<1024xf32, #tpu.memory_space<hbm>>
      %dma_wait3A_53 = arith.constant 0 : i32
      %dma_wait3A_54 = tpu.memref_slice %arg2[%select_n3A, %dma_wait3A_53] : memref<8x1024xf32, #tpu.memory_space<hbm>> -> memref<1x1024xf32, #tpu.memory_space<hbm>>
      %dma_wait3A_55 = tpu.memref_squeeze %dma_wait3A_54 : memref<1x1024xf32, #tpu.memory_space<hbm>> -> memref<1024xf32, #tpu.memory_space<hbm>>
      tpu.wait_dma2 semaphore(%run_scoped3A : memref<!tpu.dma_semaphore, #tpu.memory_space<semaphore_mem>>) src(%dma_wait3A_55 : memref<1024xf32, #tpu.memory_space<hbm>>) dst(%arg10 : memref<1024xf32, #tpu.memory_space<vmem>>)
      tpu.yield
    }) : () -> ()
    "tpu.region"() ({
      %run_scoped3A = tpu.sem_alloc : memref<!tpu.dma_semaphore, #tpu.memory_space<semaphore_mem>>
      %dma_start3A = arith.constant 0 : i32
      %dma_start3A_46 = tpu.memref_slice %arg3[%select_n3A, %dma_start3A] : memref<8x1024xf32, #tpu.memory_space<hbm>> -> memref<1x1024xf32, #tpu.memory_space<hbm>>
      %dma_start3A_47 = tpu.memref_squeeze %dma_start3A_46 : memref<1x1024xf32, #tpu.memory_space<hbm>> -> memref<1024xf32, #tpu.memory_space<hbm>>
      %dma_start3A_48 = arith.constant 0 : i32
      %dma_start3A_49 = tpu.memref_slice %arg3[%select_n3A, %dma_start3A_48] : memref<8x1024xf32, #tpu.memory_space<hbm>> -> memref<1x1024xf32, #tpu.memory_space<hbm>>
      %dma_start3A_50 = tpu.memref_squeeze %dma_start3A_49 : memref<1x1024xf32, #tpu.memory_space<hbm>> -> memref<1024xf32, #tpu.memory_space<hbm>>
      tpu.enqueue_dma source(%dma_start3A_50 : memref<1024xf32, #tpu.memory_space<hbm>>) target(%arg11 : memref<1024xf32, #tpu.memory_space<vmem>>) target_semaphore(%run_scoped3A : memref<!tpu.dma_semaphore, #tpu.memory_space<semaphore_mem>>)
      %dma_wait3A = arith.constant 0 : i32
      %dma_wait3A_51 = tpu.memref_slice %arg3[%select_n3A, %dma_wait3A] : memref<8x1024xf32, #tpu.memory_space<hbm>> -> memref<1x1024xf32, #tpu.memory_space<hbm>>
      %dma_wait3A_52 = tpu.memref_squeeze %dma_wait3A_51 : memref<1x1024xf32, #tpu.memory_space<hbm>> -> memref<1024xf32, #tpu.memory_space<hbm>>
      %dma_wait3A_53 = arith.constant 0 : i32
      %dma_wait3A_54 = tpu.memref_slice %arg3[%select_n3A, %dma_wait3A_53] : memref<8x1024xf32, #tpu.memory_space<hbm>> -> memref<1x1024xf32, #tpu.memory_space<hbm>>
      %dma_wait3A_55 = tpu.memref_squeeze %dma_wait3A_54 : memref<1x1024xf32, #tpu.memory_space<hbm>> -> memref<1024xf32, #tpu.memory_space<hbm>>
      tpu.wait_dma2 semaphore(%run_scoped3A : memref<!tpu.dma_semaphore, #tpu.memory_space<semaphore_mem>>) src(%dma_wait3A_55 : memref<1024xf32, #tpu.memory_space<hbm>>) dst(%arg11 : memref<1024xf32, #tpu.memory_space<vmem>>)
      tpu.yield
    }) : () -> ()
    "tpu.region"() ({
      %run_scoped3A = tpu.sem_alloc : memref<!tpu.dma_semaphore, #tpu.memory_space<semaphore_mem>>
      %dma_start3A = arith.constant 0 : i32
      %dma_start3A_46 = tpu.memref_slice %arg4[%select_n3A, %dma_start3A] : memref<8x1024xf32, #tpu.memory_space<hbm>> -> memref<1x1024xf32, #tpu.memory_space<hbm>>
      %dma_start3A_47 = tpu.memref_squeeze %dma_start3A_46 : memref<1x1024xf32, #tpu.memory_space<hbm>> -> memref<1024xf32, #tpu.memory_space<hbm>>
      %dma_start3A_48 = arith.constant 0 : i32
      %dma_start3A_49 = tpu.memref_slice %arg4[%select_n3A, %dma_start3A_48] : memref<8x1024xf32, #tpu.memory_space<hbm>> -> memref<1x1024xf32, #tpu.memory_space<hbm>>
      %dma_start3A_50 = tpu.memref_squeeze %dma_start3A_49 : memref<1x1024xf32, #tpu.memory_space<hbm>> -> memref<1024xf32, #tpu.memory_space<hbm>>
      tpu.enqueue_dma source(%dma_start3A_50 : memref<1024xf32, #tpu.memory_space<hbm>>) target(%arg12 : memref<1024xf32, #tpu.memory_space<vmem>>) target_semaphore(%run_scoped3A : memref<!tpu.dma_semaphore, #tpu.memory_space<semaphore_mem>>)
      %dma_wait3A = arith.constant 0 : i32
      %dma_wait3A_51 = tpu.memref_slice %arg4[%select_n3A, %dma_wait3A] : memref<8x1024xf32, #tpu.memory_space<hbm>> -> memref<1x1024xf32, #tpu.memory_space<hbm>>
      %dma_wait3A_52 = tpu.memref_squeeze %dma_wait3A_51 : memref<1x1024xf32, #tpu.memory_space<hbm>> -> memref<1024xf32, #tpu.memory_space<hbm>>
      %dma_wait3A_53 = arith.constant 0 : i32
      %dma_wait3A_54 = tpu.memref_slice %arg4[%select_n3A, %dma_wait3A_53] : memref<8x1024xf32, #tpu.memory_space<hbm>> -> memref<1x1024xf32, #tpu.memory_space<hbm>>
      %dma_wait3A_55 = tpu.memref_squeeze %dma_wait3A_54 : memref<1x1024xf32, #tpu.memory_space<hbm>> -> memref<1024xf32, #tpu.memory_space<hbm>>
      tpu.wait_dma2 semaphore(%run_scoped3A : memref<!tpu.dma_semaphore, #tpu.memory_space<semaphore_mem>>) src(%dma_wait3A_55 : memref<1024xf32, #tpu.memory_space<hbm>>) dst(%arg12 : memref<1024xf32, #tpu.memory_space<vmem>>)
      tpu.yield
    }) : () -> ()
    "tpu.region"() ({
      %run_scoped3A = tpu.sem_alloc : memref<!tpu.dma_semaphore, #tpu.memory_space<semaphore_mem>>
      %dma_start3A = arith.constant 0 : i32
      %dma_start3A_46 = tpu.memref_slice %arg5[%select_n3A, %dma_start3A] : memref<8x256xf32, #tpu.memory_space<hbm>> -> memref<1x256xf32, #tpu.memory_space<hbm>>
      %dma_start3A_47 = tpu.memref_squeeze %dma_start3A_46 : memref<1x256xf32, #tpu.memory_space<hbm>> -> memref<256xf32, #tpu.memory_space<hbm>>
      %dma_start3A_48 = arith.constant 0 : i32
      %dma_start3A_49 = tpu.memref_slice %arg5[%select_n3A, %dma_start3A_48] : memref<8x256xf32, #tpu.memory_space<hbm>> -> memref<1x256xf32, #tpu.memory_space<hbm>>
      %dma_start3A_50 = tpu.memref_squeeze %dma_start3A_49 : memref<1x256xf32, #tpu.memory_space<hbm>> -> memref<256xf32, #tpu.memory_space<hbm>>
      tpu.enqueue_dma source(%dma_start3A_50 : memref<256xf32, #tpu.memory_space<hbm>>) target(%arg13 : memref<256xf32, #tpu.memory_space<vmem>>) target_semaphore(%run_scoped3A : memref<!tpu.dma_semaphore, #tpu.memory_space<semaphore_mem>>)
      %dma_wait3A = arith.constant 0 : i32
      %dma_wait3A_51 = tpu.memref_slice %arg5[%select_n3A, %dma_wait3A] : memref<8x256xf32, #tpu.memory_space<hbm>> -> memref<1x256xf32, #tpu.memory_space<hbm>>
      %dma_wait3A_52 = tpu.memref_squeeze %dma_wait3A_51 : memref<1x256xf32, #tpu.memory_space<hbm>> -> memref<256xf32, #tpu.memory_space<hbm>>
      %dma_wait3A_53 = arith.constant 0 : i32
      %dma_wait3A_54 = tpu.memref_slice %arg5[%select_n3A, %dma_wait3A_53] : memref<8x256xf32, #tpu.memory_space<hbm>> -> memref<1x256xf32, #tpu.memory_space<hbm>>
      %dma_wait3A_55 = tpu.memref_squeeze %dma_wait3A_54 : memref<1x256xf32, #tpu.memory_space<hbm>> -> memref<256xf32, #tpu.memory_space<hbm>>
      tpu.wait_dma2 semaphore(%run_scoped3A : memref<!tpu.dma_semaphore, #tpu.memory_space<semaphore_mem>>) src(%dma_wait3A_55 : memref<256xf32, #tpu.memory_space<hbm>>) dst(%arg13 : memref<256xf32, #tpu.memory_space<vmem>>)
      tpu.yield
    }) : () -> ()
    "tpu.region"() ({
      %run_scoped3A = tpu.sem_alloc : memref<!tpu.dma_semaphore, #tpu.memory_space<semaphore_mem>>
      %dma_start3A = arith.constant 0 : i32
      %dma_start3A_46 = tpu.memref_slice %arg6[%select_n3A, %dma_start3A] : memref<8x256xf32, #tpu.memory_space<hbm>> -> memref<1x256xf32, #tpu.memory_space<hbm>>
      %dma_start3A_47 = tpu.memref_squeeze %dma_start3A_46 : memref<1x256xf32, #tpu.memory_space<hbm>> -> memref<256xf32, #tpu.memory_space<hbm>>
      %dma_start3A_48 = arith.constant 0 : i32
      %dma_start3A_49 = tpu.memref_slice %arg6[%select_n3A, %dma_start3A_48] : memref<8x256xf32, #tpu.memory_space<hbm>> -> memref<1x256xf32, #tpu.memory_space<hbm>>
      %dma_start3A_50 = tpu.memref_squeeze %dma_start3A_49 : memref<1x256xf32, #tpu.memory_space<hbm>> -> memref<256xf32, #tpu.memory_space<hbm>>
      tpu.enqueue_dma source(%dma_start3A_50 : memref<256xf32, #tpu.memory_space<hbm>>) target(%arg14 : memref<256xf32, #tpu.memory_space<vmem>>) target_semaphore(%run_scoped3A : memref<!tpu.dma_semaphore, #tpu.memory_space<semaphore_mem>>)
      %dma_wait3A = arith.constant 0 : i32
      %dma_wait3A_51 = tpu.memref_slice %arg6[%select_n3A, %dma_wait3A] : memref<8x256xf32, #tpu.memory_space<hbm>> -> memref<1x256xf32, #tpu.memory_space<hbm>>
      %dma_wait3A_52 = tpu.memref_squeeze %dma_wait3A_51 : memref<1x256xf32, #tpu.memory_space<hbm>> -> memref<256xf32, #tpu.memory_space<hbm>>
      %dma_wait3A_53 = arith.constant 0 : i32
      %dma_wait3A_54 = tpu.memref_slice %arg6[%select_n3A, %dma_wait3A_53] : memref<8x256xf32, #tpu.memory_space<hbm>> -> memref<1x256xf32, #tpu.memory_space<hbm>>
      %dma_wait3A_55 = tpu.memref_squeeze %dma_wait3A_54 : memref<1x256xf32, #tpu.memory_space<hbm>> -> memref<256xf32, #tpu.memory_space<hbm>>
      tpu.wait_dma2 semaphore(%run_scoped3A : memref<!tpu.dma_semaphore, #tpu.memory_space<semaphore_mem>>) src(%dma_wait3A_55 : memref<256xf32, #tpu.memory_space<hbm>>) dst(%arg14 : memref<256xf32, #tpu.memory_space<vmem>>)
      tpu.yield
    }) : () -> ()
    "tpu.region"() ({
      %run_scoped3A = tpu.sem_alloc : memref<!tpu.dma_semaphore, #tpu.memory_space<semaphore_mem>>
      %dma_start3A = arith.constant 0 : i32
      %dma_start3A_46 = tpu.memref_slice %arg7[%select_n3A, %dma_start3A] : memref<8x256xf32, #tpu.memory_space<hbm>> -> memref<1x256xf32, #tpu.memory_space<hbm>>
      %dma_start3A_47 = tpu.memref_squeeze %dma_start3A_46 : memref<1x256xf32, #tpu.memory_space<hbm>> -> memref<256xf32, #tpu.memory_space<hbm>>
      %dma_start3A_48 = arith.constant 0 : i32
      %dma_start3A_49 = tpu.memref_slice %arg7[%select_n3A, %dma_start3A_48] : memref<8x256xf32, #tpu.memory_space<hbm>> -> memref<1x256xf32, #tpu.memory_space<hbm>>
      %dma_start3A_50 = tpu.memref_squeeze %dma_start3A_49 : memref<1x256xf32, #tpu.memory_space<hbm>> -> memref<256xf32, #tpu.memory_space<hbm>>
      tpu.enqueue_dma source(%dma_start3A_50 : memref<256xf32, #tpu.memory_space<hbm>>) target(%arg15 : memref<256xf32, #tpu.memory_space<vmem>>) target_semaphore(%run_scoped3A : memref<!tpu.dma_semaphore, #tpu.memory_space<semaphore_mem>>)
      %dma_wait3A = arith.constant 0 : i32
      %dma_wait3A_51 = tpu.memref_slice %arg7[%select_n3A, %dma_wait3A] : memref<8x256xf32, #tpu.memory_space<hbm>> -> memref<1x256xf32, #tpu.memory_space<hbm>>
      %dma_wait3A_52 = tpu.memref_squeeze %dma_wait3A_51 : memref<1x256xf32, #tpu.memory_space<hbm>> -> memref<256xf32, #tpu.memory_space<hbm>>
      %dma_wait3A_53 = arith.constant 0 : i32
      %dma_wait3A_54 = tpu.memref_slice %arg7[%select_n3A, %dma_wait3A_53] : memref<8x256xf32, #tpu.memory_space<hbm>> -> memref<1x256xf32, #tpu.memory_space<hbm>>
      %dma_wait3A_55 = tpu.memref_squeeze %dma_wait3A_54 : memref<1x256xf32, #tpu.memory_space<hbm>> -> memref<256xf32, #tpu.memory_space<hbm>>
      tpu.wait_dma2 semaphore(%run_scoped3A : memref<!tpu.dma_semaphore, #tpu.memory_space<semaphore_mem>>) src(%dma_wait3A_55 : memref<256xf32, #tpu.memory_space<hbm>>) dst(%arg15 : memref<256xf32, #tpu.memory_space<vmem>>)
      tpu.yield
    }) : () -> ()
    %mul3A_33 = arith.constant 16384 : i32
    %mul3A_34 = arith.muli %select_n3A, %mul3A_33 : i32
    %add3A_35 = arith.addi %mul3A_34, %mul3A_32 : i32
    "tpu.region"() ({
      %run_scoped3A = tpu.sem_alloc : memref<!tpu.dma_semaphore, #tpu.memory_space<semaphore_mem>>
      %dma_start3A = tpu.memref_slice %arg8[%add3A_35] : memref<131072xi32, #tpu.memory_space<hbm>> -> memref<4096xi32, #tpu.memory_space<hbm>>
      %dma_start3A_46 = tpu.memref_slice %arg8[%add3A_35] : memref<131072xi32, #tpu.memory_space<hbm>> -> memref<4096xi32, #tpu.memory_space<hbm>>
      tpu.enqueue_dma source(%dma_start3A_46 : memref<4096xi32, #tpu.memory_space<hbm>>) target(%arg16 : memref<4096xi32, #tpu.memory_space<vmem>>) target_semaphore(%run_scoped3A : memref<!tpu.dma_semaphore, #tpu.memory_space<semaphore_mem>>)
      %dma_wait3A = tpu.memref_slice %arg8[%add3A_35] : memref<131072xi32, #tpu.memory_space<hbm>> -> memref<4096xi32, #tpu.memory_space<hbm>>
      %dma_wait3A_47 = tpu.memref_slice %arg8[%add3A_35] : memref<131072xi32, #tpu.memory_space<hbm>> -> memref<4096xi32, #tpu.memory_space<hbm>>
      tpu.wait_dma2 semaphore(%run_scoped3A : memref<!tpu.dma_semaphore, #tpu.memory_space<semaphore_mem>>) src(%dma_wait3A_47 : memref<4096xi32, #tpu.memory_space<hbm>>) dst(%arg16 : memref<4096xi32, #tpu.memory_space<vmem>>)
      tpu.yield
    }) : () -> ()
    %iota3A = tpu.iota {dimensions = array<i32: 0>} : vector<16xi32>
    %scan3A = arith.constant 0 : i32
    %scan3A_36 = arith.constant 0 : i32
    %scan3A_37 = arith.constant 256 : i32
    %scan3A_38 = arith.addi %scan3A_36, %scan3A_37 : i32
    %scan3A_39 = arith.constant 1 : i32
    scf.for %scan3A_46 = %scan3A_36 to %scan3A_38 step %scan3A_39  : i32 {
      %mul3A_47 = arith.constant 16 : i32
      %mul3A_48 = arith.muli %scan3A_46, %mul3A_47 : i32
      %get3A = arith.index_cast %mul3A_48 : i32 to index
      %get3A_49 = tpu.vector_load %arg16[%get3A] {strides = array<i32>} : memref<4096xi32, #tpu.memory_space<vmem>>, vector<16xi32>,
      %add3A_50 = arith.addi %mul3A_32, %mul3A_48 : i32
      %add3A_51 = vector.broadcast %add3A_50 : i32 to vector<16xi32>
      %add3A_52 = arith.addi %add3A_51, %iota3A : vector<16xi32>
      %shift_right_logical3A = arith.constant 6 : i32
      %shift_right_logical3A_53 = vector.broadcast %shift_right_logical3A : i32 to vector<16xi32>
      %shift_right_logical3A_54 = arith.shrui %add3A_52, %shift_right_logical3A_53 : vector<16xi32>
      %add3A_55 = vector.broadcast %mul3A_48 : i32 to vector<16xi32>
      %add3A_56 = arith.addi %add3A_55, %iota3A : vector<16xi32>
      %mul3A_57 = arith.constant 3 : i32
      %mul3A_58 = vector.broadcast %mul3A_57 : i32 to vector<16xi32>
      %mul3A_59 = arith.muli %add3A_56, %mul3A_58 : vector<16xi32>
      %gather3A = tpu.vector_load_idx %arg10[%get3A_49] : memref<1024xf32, #tpu.memory_space<vmem>>[vector<16xi32>], vector<16xf32>,
      %gather3A_60 = tpu.vector_load_idx %arg13[%shift_right_logical3A_54] : memref<256xf32, #tpu.memory_space<vmem>>[vector<16xi32>], vector<16xf32>,
      %sub3A_61 = arith.subf %gather3A, %gather3A_60 : vector<16xf32>
      tpu.vector_store_idx %arg17[%mul3A_59], %sub3A_61 : memref<12288xf32, #tpu.memory_space<vmem>>[vector<16xi32>], vector<16xf32>,
      %gather3A_62 = tpu.vector_load_idx %arg11[%get3A_49] : memref<1024xf32, #tpu.memory_space<vmem>>[vector<16xi32>], vector<16xf32>,
      %gather3A_63 = tpu.vector_load_idx %arg14[%shift_right_logical3A_54] : memref<256xf32, #tpu.memory_space<vmem>>[vector<16xi32>], vector<16xf32>,
      %sub3A_64 = arith.subf %gather3A_62, %gather3A_63 : vector<16xf32>
      %add3A_65 = arith.constant 1 : i32
      %add3A_66 = vector.broadcast %add3A_65 : i32 to vector<16xi32>
      %add3A_67 = arith.addi %mul3A_59, %add3A_66 : vector<16xi32>
      tpu.vector_store_idx %arg17[%add3A_67], %sub3A_64 : memref<12288xf32, #tpu.memory_space<vmem>>[vector<16xi32>], vector<16xf32>,
      %gather3A_68 = tpu.vector_load_idx %arg12[%get3A_49] : memref<1024xf32, #tpu.memory_space<vmem>>[vector<16xi32>], vector<16xf32>,
      %gather3A_69 = tpu.vector_load_idx %arg15[%shift_right_logical3A_54] : memref<256xf32, #tpu.memory_space<vmem>>[vector<16xi32>], vector<16xf32>,
      %sub3A_70 = arith.subf %gather3A_68, %gather3A_69 : vector<16xf32>
      %add3A_71 = arith.constant 2 : i32
      %add3A_72 = vector.broadcast %add3A_71 : i32 to vector<16xi32>
      %add3A_73 = arith.addi %mul3A_59, %add3A_72 : vector<16xi32>
      tpu.vector_store_idx %arg17[%add3A_73], %sub3A_70 : memref<12288xf32, #tpu.memory_space<vmem>>[vector<16xi32>], vector<16xf32>,
    }
    %scan3A_40 = arith.constant 256 : i32
    %mul3A_41 = arith.constant 16384 : i32
    %mul3A_42 = arith.muli %select_n3A, %mul3A_41 : i32
    %add3A_43 = arith.addi %mul3A_42, %mul3A_32 : i32
    %mul3A_44 = arith.constant 3 : i32
    %mul3A_45 = arith.muli %add3A_43, %mul3A_44 : i32
    "tpu.region"() ({
      %run_scoped3A = tpu.sem_alloc : memref<!tpu.dma_semaphore, #tpu.memory_space<semaphore_mem>>
      %dma_start3A = tpu.memref_slice %arg9[%mul3A_45] : memref<393216xf32, #tpu.memory_space<hbm>> -> memref<12288xf32, #tpu.memory_space<hbm>>
      %dma_start3A_46 = tpu.memref_slice %arg9[%mul3A_45] : memref<393216xf32, #tpu.memory_space<hbm>> -> memref<12288xf32, #tpu.memory_space<hbm>>
      tpu.enqueue_dma source(%arg17 : memref<12288xf32, #tpu.memory_space<vmem>>) target(%dma_start3A_46 : memref<12288xf32, #tpu.memory_space<hbm>>) target_semaphore(%run_scoped3A : memref<!tpu.dma_semaphore, #tpu.memory_space<semaphore_mem>>)
      %dma_wait3A = tpu.memref_slice %arg9[%mul3A_45] : memref<393216xf32, #tpu.memory_space<hbm>> -> memref<12288xf32, #tpu.memory_space<hbm>>
      %dma_wait3A_47 = tpu.memref_slice %arg9[%mul3A_45] : memref<393216xf32, #tpu.memory_space<hbm>> -> memref<12288xf32, #tpu.memory_space<hbm>>
      tpu.wait_dma2 semaphore(%run_scoped3A : memref<!tpu.dma_semaphore, #tpu.memory_space<semaphore_mem>>) src(%arg17 : memref<12288xf32, #tpu.memory_space<vmem>>) dst(%dma_wait3A_47 : memref<12288xf32, #tpu.memory_space<hbm>>)
      tpu.yield
    }) : () -> ()
    return
  }
}

module attributes {stable_mosaic.version = 14 : i64} {
  func.func @_fps_body(%arg0: memref<8x2048xf32, #tpu.memory_space<vmem>>, %arg1: memref<8x2048xf32, #tpu.memory_space<vmem>>, %arg2: memref<8x2048xf32, #tpu.memory_space<vmem>>, %arg3: memref<8x1024xf32, #tpu.memory_space<vmem>>, %arg4: memref<8x1024xf32, #tpu.memory_space<vmem>>, %arg5: memref<8x1024xf32, #tpu.memory_space<vmem>>, %arg6: memref<8x256xf32, #tpu.memory_space<vmem>>, %arg7: memref<8x256xf32, #tpu.memory_space<vmem>>, %arg8: memref<8x256xf32, #tpu.memory_space<vmem>>, %arg9: memref<8x2048xf32, #tpu.memory_space<vmem>>) attributes {dimension_semantics = [], scalar_prefetch = 0 : i64, scratch_operands = 1 : i64, tpu.core_type = #tpu.core_type<tc>} {
    %get3A = arith.constant 0 : index
    %get3A_0 = arith.constant 0 : index
    %get3A_1 = vector.load %arg0[%get3A, %get3A_0] : memref<8x2048xf32, #tpu.memory_space<vmem>>, vector<8x2048xf32>
    %get3A_2 = arith.constant 0 : index
    %get3A_3 = arith.constant 0 : index
    %get3A_4 = vector.load %arg1[%get3A_2, %get3A_3] : memref<8x2048xf32, #tpu.memory_space<vmem>>, vector<8x2048xf32>
    %get3A_5 = arith.constant 0 : index
    %get3A_6 = arith.constant 0 : index
    %get3A_7 = vector.load %arg2[%get3A_5, %get3A_6] : memref<8x2048xf32, #tpu.memory_space<vmem>>, vector<8x2048xf32>
    %iota3A = tpu.iota {dimensions = array<i32: 1>} : vector<8x2048xi32>
    %iota3A_8 = tpu.iota {dimensions = array<i32: 1>} : vector<8x128xi32>
    %broadcast_in_dim3A = arith.constant 0.000000e+00 : f32
    %broadcast_in_dim3A_9 = vector.broadcast %broadcast_in_dim3A : f32 to vector<8x128xf32>
    %broadcast_in_dim3A_10 = arith.constant 0x7F800000 : f32
    %broadcast_in_dim3A_11 = vector.broadcast %broadcast_in_dim3A_10 : f32 to vector<8x2048xf32>
    %swap3A = arith.constant 0 : index
    %swap3A_12 = arith.constant 0 : index
    %swap3A_13 = vector.load %arg9[%swap3A, %swap3A_12] : memref<8x2048xf32, #tpu.memory_space<vmem>>, vector<8x2048xf32>
    tpu.vector_store %arg9[%swap3A, %swap3A_12], %broadcast_in_dim3A_11 {strides = array<i32>} : memref<8x2048xf32, #tpu.memory_space<vmem>>, vector<8x2048xf32>,
    %slice3A = vector.extract_strided_slice %get3A_1 {offsets = [0, 0], sizes = [8, 1], strides = [1, 1]} : vector<8x2048xf32> to vector<8x1xf32>
    %slice3A_14 = vector.extract_strided_slice %get3A_4 {offsets = [0, 0], sizes = [8, 1], strides = [1, 1]} : vector<8x2048xf32> to vector<8x1xf32>
    %slice3A_15 = vector.extract_strided_slice %get3A_7 {offsets = [0, 0], sizes = [8, 1], strides = [1, 1]} : vector<8x2048xf32> to vector<8x1xf32>
    %scan3A = arith.constant 0 : i32
    %scan3A_16 = arith.constant 8 : i32
    %scan3A_17 = arith.addi %scan3A, %scan3A_16 : i32
    %scan3A_18 = arith.constant 1 : i32
    %scan3A_19:3 = scf.for %scan3A_48 = %scan3A to %scan3A_17 step %scan3A_18 iter_args(%scan3A_49 = %slice3A, %scan3A_50 = %slice3A_14, %scan3A_51 = %slice3A_15) -> (vector<8x1xf32>, vector<8x1xf32>, vector<8x1xf32>)  : i32 {
      %scan3A_52 = arith.constant 0 : i32
      %scan3A_53 = arith.constant 128 : i32
      %scan3A_54 = arith.addi %scan3A_52, %scan3A_53 : i32
      %scan3A_55 = arith.constant 4 : i32
      %scan3A_56:6 = scf.for %scan3A_68 = %scan3A_52 to %scan3A_54 step %scan3A_55 iter_args(%scan3A_69 = %broadcast_in_dim3A_9, %scan3A_70 = %broadcast_in_dim3A_9, %scan3A_71 = %broadcast_in_dim3A_9, %scan3A_72 = %scan3A_49, %scan3A_73 = %scan3A_50, %scan3A_74 = %scan3A_51) -> (vector<8x128xf32>, vector<8x128xf32>, vector<8x128xf32>, vector<8x1xf32>, vector<8x1xf32>, vector<8x1xf32>)  : i32 {
        %eq3A = vector.broadcast %scan3A_68 : i32 to vector<8x128xi32>
        %eq3A_75 = arith.cmpi eq, %iota3A_8, %eq3A : vector<8x128xi32>
        %broadcast_in_dim3A_76 = vector.shape_cast %scan3A_72 : vector<8x1xf32> to vector<8x1xf32>
        %broadcast_in_dim3A_77 = vector.broadcast %broadcast_in_dim3A_76 : vector<8x1xf32> to vector<8x128xf32>
        %select_n3A = arith.select %eq3A_75, %broadcast_in_dim3A_77, %scan3A_69 : vector<8x128xi1>, vector<8x128xf32>
        %broadcast_in_dim3A_78 = vector.shape_cast %scan3A_73 : vector<8x1xf32> to vector<8x1xf32>
        %broadcast_in_dim3A_79 = vector.broadcast %broadcast_in_dim3A_78 : vector<8x1xf32> to vector<8x128xf32>
        %select_n3A_80 = arith.select %eq3A_75, %broadcast_in_dim3A_79, %scan3A_70 : vector<8x128xi1>, vector<8x128xf32>
        %broadcast_in_dim3A_81 = vector.shape_cast %scan3A_74 : vector<8x1xf32> to vector<8x1xf32>
        %broadcast_in_dim3A_82 = vector.broadcast %broadcast_in_dim3A_81 : vector<8x1xf32> to vector<8x128xf32>
        %select_n3A_83 = arith.select %eq3A_75, %broadcast_in_dim3A_82, %scan3A_71 : vector<8x128xi1>, vector<8x128xf32>
        %sub3A = vector.broadcast %scan3A_72 : vector<8x1xf32> to vector<8x2048xf32>
        %sub3A_84 = arith.subf %get3A_1, %sub3A : vector<8x2048xf32>
        %integer_pow3A = arith.mulf %sub3A_84, %sub3A_84 : vector<8x2048xf32>
        %sub3A_85 = vector.broadcast %scan3A_73 : vector<8x1xf32> to vector<8x2048xf32>
        %sub3A_86 = arith.subf %get3A_4, %sub3A_85 : vector<8x2048xf32>
        %integer_pow3A_87 = arith.mulf %sub3A_86, %sub3A_86 : vector<8x2048xf32>
        %add3A = arith.addf %integer_pow3A, %integer_pow3A_87 : vector<8x2048xf32>
        %sub3A_88 = vector.broadcast %scan3A_74 : vector<8x1xf32> to vector<8x2048xf32>
        %sub3A_89 = arith.subf %get3A_7, %sub3A_88 : vector<8x2048xf32>
        %integer_pow3A_90 = arith.mulf %sub3A_89, %sub3A_89 : vector<8x2048xf32>
        %add3A_91 = arith.addf %add3A, %integer_pow3A_90 : vector<8x2048xf32>
        %get3A_92 = arith.constant 0 : index
        %get3A_93 = arith.constant 0 : index
        %get3A_94 = vector.load %arg9[%get3A_92, %get3A_93] : memref<8x2048xf32, #tpu.memory_space<vmem>>, vector<8x2048xf32>
        %min3A = arith.minimumf %get3A_94, %add3A_91 : vector<8x2048xf32>
        %swap3A_95 = arith.constant 0 : index
        %swap3A_96 = arith.constant 0 : index
        %swap3A_97 = vector.load %arg9[%swap3A_95, %swap3A_96] : memref<8x2048xf32, #tpu.memory_space<vmem>>, vector<8x2048xf32>
        tpu.vector_store %arg9[%swap3A_95, %swap3A_96], %min3A {strides = array<i32>} : memref<8x2048xf32, #tpu.memory_space<vmem>>, vector<8x2048xf32>,
        %reduce_max3A = arith.constant dense<0xFF800000> : vector<8xf32>
        %reduce_max3A_98 = vector.multi_reduction <maximumf>, %min3A, %reduce_max3A [1] : vector<8x2048xf32> to vector<8xf32>
        %broadcast_in_dim3A_99 = vector.shape_cast %reduce_max3A_98 : vector<8xf32> to vector<8x1xf32>
        %ge3A = vector.broadcast %broadcast_in_dim3A_99 : vector<8x1xf32> to vector<8x2048xf32>
        %ge3A_100 = arith.cmpf oge, %min3A, %ge3A : vector<8x2048xf32>
        %jit3A = arith.constant 2048 : i32
        %broadcast_in_dim3A_101 = vector.broadcast %jit3A : i32 to vector<8x2048xi32>
        %select_n3A_102 = arith.select %ge3A_100, %iota3A, %broadcast_in_dim3A_101 : vector<8x2048xi1>, vector<8x2048xi32>
        %reduce_min3A = arith.constant dense<2147483647> : vector<8xi32>
        %reduce_min3A_103 = vector.multi_reduction <minsi>, %select_n3A_102, %reduce_min3A [1] : vector<8x2048xi32> to vector<8xi32>
        %broadcast_in_dim3A_104 = vector.shape_cast %reduce_min3A_103 : vector<8xi32> to vector<8x1xi32>
        %eq3A_105 = vector.broadcast %broadcast_in_dim3A_104 : vector<8x1xi32> to vector<8x2048xi32>
        %eq3A_106 = arith.cmpi eq, %iota3A, %eq3A_105 : vector<8x2048xi32>
        %jit3A_107 = arith.constant 0.000000e+00 : f32
        %broadcast_in_dim3A_108 = vector.broadcast %jit3A_107 : f32 to vector<8x2048xf32>
        %select_n3A_109 = arith.select %eq3A_106, %get3A_1, %broadcast_in_dim3A_108 : vector<8x2048xi1>, vector<8x2048xf32>
        %reduce_sum3A = arith.constant dense<0.000000e+00> : vector<8xf32>
        %reduce_sum3A_110 = vector.multi_reduction <add>, %select_n3A_109, %reduce_sum3A [1] : vector<8x2048xf32> to vector<8xf32>
        %broadcast_in_dim3A_111 = vector.shape_cast %reduce_sum3A_110 : vector<8xf32> to vector<8x1xf32>
        %jit3A_112 = arith.constant 0.000000e+00 : f32
        %broadcast_in_dim3A_113 = vector.broadcast %jit3A_112 : f32 to vector<8x2048xf32>
        %select_n3A_114 = arith.select %eq3A_106, %get3A_4, %broadcast_in_dim3A_113 : vector<8x2048xi1>, vector<8x2048xf32>
        %reduce_sum3A_115 = arith.constant dense<0.000000e+00> : vector<8xf32>
        %reduce_sum3A_116 = vector.multi_reduction <add>, %select_n3A_114, %reduce_sum3A_115 [1] : vector<8x2048xf32> to vector<8xf32>
        %broadcast_in_dim3A_117 = vector.shape_cast %reduce_sum3A_116 : vector<8xf32> to vector<8x1xf32>
        %jit3A_118 = arith.constant 0.000000e+00 : f32
        %broadcast_in_dim3A_119 = vector.broadcast %jit3A_118 : f32 to vector<8x2048xf32>
        %select_n3A_120 = arith.select %eq3A_106, %get3A_7, %broadcast_in_dim3A_119 : vector<8x2048xi1>, vector<8x2048xf32>
        %reduce_sum3A_121 = arith.constant dense<0.000000e+00> : vector<8xf32>
        %reduce_sum3A_122 = vector.multi_reduction <add>, %select_n3A_120, %reduce_sum3A_121 [1] : vector<8x2048xf32> to vector<8xf32>
        %broadcast_in_dim3A_123 = vector.shape_cast %reduce_sum3A_122 : vector<8xf32> to vector<8x1xf32>
        %scan3A_124 = arith.constant 1 : i32
        %scan3A_125 = arith.addi %scan3A_68, %scan3A_124 : i32
        %eq3A_126 = vector.broadcast %scan3A_125 : i32 to vector<8x128xi32>
        %eq3A_127 = arith.cmpi eq, %iota3A_8, %eq3A_126 : vector<8x128xi32>
        %broadcast_in_dim3A_128 = vector.shape_cast %broadcast_in_dim3A_111 : vector<8x1xf32> to vector<8x1xf32>
        %broadcast_in_dim3A_129 = vector.broadcast %broadcast_in_dim3A_128 : vector<8x1xf32> to vector<8x128xf32>
        %select_n3A_130 = arith.select %eq3A_127, %broadcast_in_dim3A_129, %select_n3A : vector<8x128xi1>, vector<8x128xf32>
        %broadcast_in_dim3A_131 = vector.shape_cast %broadcast_in_dim3A_117 : vector<8x1xf32> to vector<8x1xf32>
        %broadcast_in_dim3A_132 = vector.broadcast %broadcast_in_dim3A_131 : vector<8x1xf32> to vector<8x128xf32>
        %select_n3A_133 = arith.select %eq3A_127, %broadcast_in_dim3A_132, %select_n3A_80 : vector<8x128xi1>, vector<8x128xf32>
        %broadcast_in_dim3A_134 = vector.shape_cast %broadcast_in_dim3A_123 : vector<8x1xf32> to vector<8x1xf32>
        %broadcast_in_dim3A_135 = vector.broadcast %broadcast_in_dim3A_134 : vector<8x1xf32> to vector<8x128xf32>
        %select_n3A_136 = arith.select %eq3A_127, %broadcast_in_dim3A_135, %select_n3A_83 : vector<8x128xi1>, vector<8x128xf32>
        %sub3A_137 = vector.broadcast %broadcast_in_dim3A_111 : vector<8x1xf32> to vector<8x2048xf32>
        %sub3A_138 = arith.subf %get3A_1, %sub3A_137 : vector<8x2048xf32>
        %integer_pow3A_139 = arith.mulf %sub3A_138, %sub3A_138 : vector<8x2048xf32>
        %sub3A_140 = vector.broadcast %broadcast_in_dim3A_117 : vector<8x1xf32> to vector<8x2048xf32>
        %sub3A_141 = arith.subf %get3A_4, %sub3A_140 : vector<8x2048xf32>
        %integer_pow3A_142 = arith.mulf %sub3A_141, %sub3A_141 : vector<8x2048xf32>
        %add3A_143 = arith.addf %integer_pow3A_139, %integer_pow3A_142 : vector<8x2048xf32>
        %sub3A_144 = vector.broadcast %broadcast_in_dim3A_123 : vector<8x1xf32> to vector<8x2048xf32>
        %sub3A_145 = arith.subf %get3A_7, %sub3A_144 : vector<8x2048xf32>
        %integer_pow3A_146 = arith.mulf %sub3A_145, %sub3A_145 : vector<8x2048xf32>
        %add3A_147 = arith.addf %add3A_143, %integer_pow3A_146 : vector<8x2048xf32>
        %get3A_148 = arith.constant 0 : index
        %get3A_149 = arith.constant 0 : index
        %get3A_150 = vector.load %arg9[%get3A_148, %get3A_149] : memref<8x2048xf32, #tpu.memory_space<vmem>>, vector<8x2048xf32>
        %min3A_151 = arith.minimumf %get3A_150, %add3A_147 : vector<8x2048xf32>
        %swap3A_152 = arith.constant 0 : index
        %swap3A_153 = arith.constant 0 : index
        %swap3A_154 = vector.load %arg9[%swap3A_152, %swap3A_153] : memref<8x2048xf32, #tpu.memory_space<vmem>>, vector<8x2048xf32>
        tpu.vector_store %arg9[%swap3A_152, %swap3A_153], %min3A_151 {strides = array<i32>} : memref<8x2048xf32, #tpu.memory_space<vmem>>, vector<8x2048xf32>,
        %reduce_max3A_155 = arith.constant dense<0xFF800000> : vector<8xf32>
        %reduce_max3A_156 = vector.multi_reduction <maximumf>, %min3A_151, %reduce_max3A_155 [1] : vector<8x2048xf32> to vector<8xf32>
        %broadcast_in_dim3A_157 = vector.shape_cast %reduce_max3A_156 : vector<8xf32> to vector<8x1xf32>
        %ge3A_158 = vector.broadcast %broadcast_in_dim3A_157 : vector<8x1xf32> to vector<8x2048xf32>
        %ge3A_159 = arith.cmpf oge, %min3A_151, %ge3A_158 : vector<8x2048xf32>
        %jit3A_160 = arith.constant 2048 : i32
        %broadcast_in_dim3A_161 = vector.broadcast %jit3A_160 : i32 to vector<8x2048xi32>
        %select_n3A_162 = arith.select %ge3A_159, %iota3A, %broadcast_in_dim3A_161 : vector<8x2048xi1>, vector<8x2048xi32>
        %reduce_min3A_163 = arith.constant dense<2147483647> : vector<8xi32>
        %reduce_min3A_164 = vector.multi_reduction <minsi>, %select_n3A_162, %reduce_min3A_163 [1] : vector<8x2048xi32> to vector<8xi32>
        %broadcast_in_dim3A_165 = vector.shape_cast %reduce_min3A_164 : vector<8xi32> to vector<8x1xi32>
        %eq3A_166 = vector.broadcast %broadcast_in_dim3A_165 : vector<8x1xi32> to vector<8x2048xi32>
        %eq3A_167 = arith.cmpi eq, %iota3A, %eq3A_166 : vector<8x2048xi32>
        %jit3A_168 = arith.constant 0.000000e+00 : f32
        %broadcast_in_dim3A_169 = vector.broadcast %jit3A_168 : f32 to vector<8x2048xf32>
        %select_n3A_170 = arith.select %eq3A_167, %get3A_1, %broadcast_in_dim3A_169 : vector<8x2048xi1>, vector<8x2048xf32>
        %reduce_sum3A_171 = arith.constant dense<0.000000e+00> : vector<8xf32>
        %reduce_sum3A_172 = vector.multi_reduction <add>, %select_n3A_170, %reduce_sum3A_171 [1] : vector<8x2048xf32> to vector<8xf32>
        %broadcast_in_dim3A_173 = vector.shape_cast %reduce_sum3A_172 : vector<8xf32> to vector<8x1xf32>
        %jit3A_174 = arith.constant 0.000000e+00 : f32
        %broadcast_in_dim3A_175 = vector.broadcast %jit3A_174 : f32 to vector<8x2048xf32>
        %select_n3A_176 = arith.select %eq3A_167, %get3A_4, %broadcast_in_dim3A_175 : vector<8x2048xi1>, vector<8x2048xf32>
        %reduce_sum3A_177 = arith.constant dense<0.000000e+00> : vector<8xf32>
        %reduce_sum3A_178 = vector.multi_reduction <add>, %select_n3A_176, %reduce_sum3A_177 [1] : vector<8x2048xf32> to vector<8xf32>
        %broadcast_in_dim3A_179 = vector.shape_cast %reduce_sum3A_178 : vector<8xf32> to vector<8x1xf32>
        %jit3A_180 = arith.constant 0.000000e+00 : f32
        %broadcast_in_dim3A_181 = vector.broadcast %jit3A_180 : f32 to vector<8x2048xf32>
        %select_n3A_182 = arith.select %eq3A_167, %get3A_7, %broadcast_in_dim3A_181 : vector<8x2048xi1>, vector<8x2048xf32>
        %reduce_sum3A_183 = arith.constant dense<0.000000e+00> : vector<8xf32>
        %reduce_sum3A_184 = vector.multi_reduction <add>, %select_n3A_182, %reduce_sum3A_183 [1] : vector<8x2048xf32> to vector<8xf32>
        %broadcast_in_dim3A_185 = vector.shape_cast %reduce_sum3A_184 : vector<8xf32> to vector<8x1xf32>
        %scan3A_186 = arith.constant 2 : i32
        %scan3A_187 = arith.addi %scan3A_68, %scan3A_186 : i32
        %eq3A_188 = vector.broadcast %scan3A_187 : i32 to vector<8x128xi32>
        %eq3A_189 = arith.cmpi eq, %iota3A_8, %eq3A_188 : vector<8x128xi32>
        %broadcast_in_dim3A_190 = vector.shape_cast %broadcast_in_dim3A_173 : vector<8x1xf32> to vector<8x1xf32>
        %broadcast_in_dim3A_191 = vector.broadcast %broadcast_in_dim3A_190 : vector<8x1xf32> to vector<8x128xf32>
        %select_n3A_192 = arith.select %eq3A_189, %broadcast_in_dim3A_191, %select_n3A_130 : vector<8x128xi1>, vector<8x128xf32>
        %broadcast_in_dim3A_193 = vector.shape_cast %broadcast_in_dim3A_179 : vector<8x1xf32> to vector<8x1xf32>
        %broadcast_in_dim3A_194 = vector.broadcast %broadcast_in_dim3A_193 : vector<8x1xf32> to vector<8x128xf32>
        %select_n3A_195 = arith.select %eq3A_189, %broadcast_in_dim3A_194, %select_n3A_133 : vector<8x128xi1>, vector<8x128xf32>
        %broadcast_in_dim3A_196 = vector.shape_cast %broadcast_in_dim3A_185 : vector<8x1xf32> to vector<8x1xf32>
        %broadcast_in_dim3A_197 = vector.broadcast %broadcast_in_dim3A_196 : vector<8x1xf32> to vector<8x128xf32>
        %select_n3A_198 = arith.select %eq3A_189, %broadcast_in_dim3A_197, %select_n3A_136 : vector<8x128xi1>, vector<8x128xf32>
        %sub3A_199 = vector.broadcast %broadcast_in_dim3A_173 : vector<8x1xf32> to vector<8x2048xf32>
        %sub3A_200 = arith.subf %get3A_1, %sub3A_199 : vector<8x2048xf32>
        %integer_pow3A_201 = arith.mulf %sub3A_200, %sub3A_200 : vector<8x2048xf32>
        %sub3A_202 = vector.broadcast %broadcast_in_dim3A_179 : vector<8x1xf32> to vector<8x2048xf32>
        %sub3A_203 = arith.subf %get3A_4, %sub3A_202 : vector<8x2048xf32>
        %integer_pow3A_204 = arith.mulf %sub3A_203, %sub3A_203 : vector<8x2048xf32>
        %add3A_205 = arith.addf %integer_pow3A_201, %integer_pow3A_204 : vector<8x2048xf32>
        %sub3A_206 = vector.broadcast %broadcast_in_dim3A_185 : vector<8x1xf32> to vector<8x2048xf32>
        %sub3A_207 = arith.subf %get3A_7, %sub3A_206 : vector<8x2048xf32>
        %integer_pow3A_208 = arith.mulf %sub3A_207, %sub3A_207 : vector<8x2048xf32>
        %add3A_209 = arith.addf %add3A_205, %integer_pow3A_208 : vector<8x2048xf32>
        %get3A_210 = arith.constant 0 : index
        %get3A_211 = arith.constant 0 : index
        %get3A_212 = vector.load %arg9[%get3A_210, %get3A_211] : memref<8x2048xf32, #tpu.memory_space<vmem>>, vector<8x2048xf32>
        %min3A_213 = arith.minimumf %get3A_212, %add3A_209 : vector<8x2048xf32>
        %swap3A_214 = arith.constant 0 : index
        %swap3A_215 = arith.constant 0 : index
        %swap3A_216 = vector.load %arg9[%swap3A_214, %swap3A_215] : memref<8x2048xf32, #tpu.memory_space<vmem>>, vector<8x2048xf32>
        tpu.vector_store %arg9[%swap3A_214, %swap3A_215], %min3A_213 {strides = array<i32>} : memref<8x2048xf32, #tpu.memory_space<vmem>>, vector<8x2048xf32>,
        %reduce_max3A_217 = arith.constant dense<0xFF800000> : vector<8xf32>
        %reduce_max3A_218 = vector.multi_reduction <maximumf>, %min3A_213, %reduce_max3A_217 [1] : vector<8x2048xf32> to vector<8xf32>
        %broadcast_in_dim3A_219 = vector.shape_cast %reduce_max3A_218 : vector<8xf32> to vector<8x1xf32>
        %ge3A_220 = vector.broadcast %broadcast_in_dim3A_219 : vector<8x1xf32> to vector<8x2048xf32>
        %ge3A_221 = arith.cmpf oge, %min3A_213, %ge3A_220 : vector<8x2048xf32>
        %jit3A_222 = arith.constant 2048 : i32
        %broadcast_in_dim3A_223 = vector.broadcast %jit3A_222 : i32 to vector<8x2048xi32>
        %select_n3A_224 = arith.select %ge3A_221, %iota3A, %broadcast_in_dim3A_223 : vector<8x2048xi1>, vector<8x2048xi32>
        %reduce_min3A_225 = arith.constant dense<2147483647> : vector<8xi32>
        %reduce_min3A_226 = vector.multi_reduction <minsi>, %select_n3A_224, %reduce_min3A_225 [1] : vector<8x2048xi32> to vector<8xi32>
        %broadcast_in_dim3A_227 = vector.shape_cast %reduce_min3A_226 : vector<8xi32> to vector<8x1xi32>
        %eq3A_228 = vector.broadcast %broadcast_in_dim3A_227 : vector<8x1xi32> to vector<8x2048xi32>
        %eq3A_229 = arith.cmpi eq, %iota3A, %eq3A_228 : vector<8x2048xi32>
        %jit3A_230 = arith.constant 0.000000e+00 : f32
        %broadcast_in_dim3A_231 = vector.broadcast %jit3A_230 : f32 to vector<8x2048xf32>
        %select_n3A_232 = arith.select %eq3A_229, %get3A_1, %broadcast_in_dim3A_231 : vector<8x2048xi1>, vector<8x2048xf32>
        %reduce_sum3A_233 = arith.constant dense<0.000000e+00> : vector<8xf32>
        %reduce_sum3A_234 = vector.multi_reduction <add>, %select_n3A_232, %reduce_sum3A_233 [1] : vector<8x2048xf32> to vector<8xf32>
        %broadcast_in_dim3A_235 = vector.shape_cast %reduce_sum3A_234 : vector<8xf32> to vector<8x1xf32>
        %jit3A_236 = arith.constant 0.000000e+00 : f32
        %broadcast_in_dim3A_237 = vector.broadcast %jit3A_236 : f32 to vector<8x2048xf32>
        %select_n3A_238 = arith.select %eq3A_229, %get3A_4, %broadcast_in_dim3A_237 : vector<8x2048xi1>, vector<8x2048xf32>
        %reduce_sum3A_239 = arith.constant dense<0.000000e+00> : vector<8xf32>
        %reduce_sum3A_240 = vector.multi_reduction <add>, %select_n3A_238, %reduce_sum3A_239 [1] : vector<8x2048xf32> to vector<8xf32>
        %broadcast_in_dim3A_241 = vector.shape_cast %reduce_sum3A_240 : vector<8xf32> to vector<8x1xf32>
        %jit3A_242 = arith.constant 0.000000e+00 : f32
        %broadcast_in_dim3A_243 = vector.broadcast %jit3A_242 : f32 to vector<8x2048xf32>
        %select_n3A_244 = arith.select %eq3A_229, %get3A_7, %broadcast_in_dim3A_243 : vector<8x2048xi1>, vector<8x2048xf32>
        %reduce_sum3A_245 = arith.constant dense<0.000000e+00> : vector<8xf32>
        %reduce_sum3A_246 = vector.multi_reduction <add>, %select_n3A_244, %reduce_sum3A_245 [1] : vector<8x2048xf32> to vector<8xf32>
        %broadcast_in_dim3A_247 = vector.shape_cast %reduce_sum3A_246 : vector<8xf32> to vector<8x1xf32>
        %scan3A_248 = arith.constant 3 : i32
        %scan3A_249 = arith.addi %scan3A_68, %scan3A_248 : i32
        %eq3A_250 = vector.broadcast %scan3A_249 : i32 to vector<8x128xi32>
        %eq3A_251 = arith.cmpi eq, %iota3A_8, %eq3A_250 : vector<8x128xi32>
        %broadcast_in_dim3A_252 = vector.shape_cast %broadcast_in_dim3A_235 : vector<8x1xf32> to vector<8x1xf32>
        %broadcast_in_dim3A_253 = vector.broadcast %broadcast_in_dim3A_252 : vector<8x1xf32> to vector<8x128xf32>
        %select_n3A_254 = arith.select %eq3A_251, %broadcast_in_dim3A_253, %select_n3A_192 : vector<8x128xi1>, vector<8x128xf32>
        %broadcast_in_dim3A_255 = vector.shape_cast %broadcast_in_dim3A_241 : vector<8x1xf32> to vector<8x1xf32>
        %broadcast_in_dim3A_256 = vector.broadcast %broadcast_in_dim3A_255 : vector<8x1xf32> to vector<8x128xf32>
        %select_n3A_257 = arith.select %eq3A_251, %broadcast_in_dim3A_256, %select_n3A_195 : vector<8x128xi1>, vector<8x128xf32>
        %broadcast_in_dim3A_258 = vector.shape_cast %broadcast_in_dim3A_247 : vector<8x1xf32> to vector<8x1xf32>
        %broadcast_in_dim3A_259 = vector.broadcast %broadcast_in_dim3A_258 : vector<8x1xf32> to vector<8x128xf32>
        %select_n3A_260 = arith.select %eq3A_251, %broadcast_in_dim3A_259, %select_n3A_198 : vector<8x128xi1>, vector<8x128xf32>
        %sub3A_261 = vector.broadcast %broadcast_in_dim3A_235 : vector<8x1xf32> to vector<8x2048xf32>
        %sub3A_262 = arith.subf %get3A_1, %sub3A_261 : vector<8x2048xf32>
        %integer_pow3A_263 = arith.mulf %sub3A_262, %sub3A_262 : vector<8x2048xf32>
        %sub3A_264 = vector.broadcast %broadcast_in_dim3A_241 : vector<8x1xf32> to vector<8x2048xf32>
        %sub3A_265 = arith.subf %get3A_4, %sub3A_264 : vector<8x2048xf32>
        %integer_pow3A_266 = arith.mulf %sub3A_265, %sub3A_265 : vector<8x2048xf32>
        %add3A_267 = arith.addf %integer_pow3A_263, %integer_pow3A_266 : vector<8x2048xf32>
        %sub3A_268 = vector.broadcast %broadcast_in_dim3A_247 : vector<8x1xf32> to vector<8x2048xf32>
        %sub3A_269 = arith.subf %get3A_7, %sub3A_268 : vector<8x2048xf32>
        %integer_pow3A_270 = arith.mulf %sub3A_269, %sub3A_269 : vector<8x2048xf32>
        %add3A_271 = arith.addf %add3A_267, %integer_pow3A_270 : vector<8x2048xf32>
        %get3A_272 = arith.constant 0 : index
        %get3A_273 = arith.constant 0 : index
        %get3A_274 = vector.load %arg9[%get3A_272, %get3A_273] : memref<8x2048xf32, #tpu.memory_space<vmem>>, vector<8x2048xf32>
        %min3A_275 = arith.minimumf %get3A_274, %add3A_271 : vector<8x2048xf32>
        %swap3A_276 = arith.constant 0 : index
        %swap3A_277 = arith.constant 0 : index
        %swap3A_278 = vector.load %arg9[%swap3A_276, %swap3A_277] : memref<8x2048xf32, #tpu.memory_space<vmem>>, vector<8x2048xf32>
        tpu.vector_store %arg9[%swap3A_276, %swap3A_277], %min3A_275 {strides = array<i32>} : memref<8x2048xf32, #tpu.memory_space<vmem>>, vector<8x2048xf32>,
        %reduce_max3A_279 = arith.constant dense<0xFF800000> : vector<8xf32>
        %reduce_max3A_280 = vector.multi_reduction <maximumf>, %min3A_275, %reduce_max3A_279 [1] : vector<8x2048xf32> to vector<8xf32>
        %broadcast_in_dim3A_281 = vector.shape_cast %reduce_max3A_280 : vector<8xf32> to vector<8x1xf32>
        %ge3A_282 = vector.broadcast %broadcast_in_dim3A_281 : vector<8x1xf32> to vector<8x2048xf32>
        %ge3A_283 = arith.cmpf oge, %min3A_275, %ge3A_282 : vector<8x2048xf32>
        %jit3A_284 = arith.constant 2048 : i32
        %broadcast_in_dim3A_285 = vector.broadcast %jit3A_284 : i32 to vector<8x2048xi32>
        %select_n3A_286 = arith.select %ge3A_283, %iota3A, %broadcast_in_dim3A_285 : vector<8x2048xi1>, vector<8x2048xi32>
        %reduce_min3A_287 = arith.constant dense<2147483647> : vector<8xi32>
        %reduce_min3A_288 = vector.multi_reduction <minsi>, %select_n3A_286, %reduce_min3A_287 [1] : vector<8x2048xi32> to vector<8xi32>
        %broadcast_in_dim3A_289 = vector.shape_cast %reduce_min3A_288 : vector<8xi32> to vector<8x1xi32>
        %eq3A_290 = vector.broadcast %broadcast_in_dim3A_289 : vector<8x1xi32> to vector<8x2048xi32>
        %eq3A_291 = arith.cmpi eq, %iota3A, %eq3A_290 : vector<8x2048xi32>
        %jit3A_292 = arith.constant 0.000000e+00 : f32
        %broadcast_in_dim3A_293 = vector.broadcast %jit3A_292 : f32 to vector<8x2048xf32>
        %select_n3A_294 = arith.select %eq3A_291, %get3A_1, %broadcast_in_dim3A_293 : vector<8x2048xi1>, vector<8x2048xf32>
        %reduce_sum3A_295 = arith.constant dense<0.000000e+00> : vector<8xf32>
        %reduce_sum3A_296 = vector.multi_reduction <add>, %select_n3A_294, %reduce_sum3A_295 [1] : vector<8x2048xf32> to vector<8xf32>
        %broadcast_in_dim3A_297 = vector.shape_cast %reduce_sum3A_296 : vector<8xf32> to vector<8x1xf32>
        %jit3A_298 = arith.constant 0.000000e+00 : f32
        %broadcast_in_dim3A_299 = vector.broadcast %jit3A_298 : f32 to vector<8x2048xf32>
        %select_n3A_300 = arith.select %eq3A_291, %get3A_4, %broadcast_in_dim3A_299 : vector<8x2048xi1>, vector<8x2048xf32>
        %reduce_sum3A_301 = arith.constant dense<0.000000e+00> : vector<8xf32>
        %reduce_sum3A_302 = vector.multi_reduction <add>, %select_n3A_300, %reduce_sum3A_301 [1] : vector<8x2048xf32> to vector<8xf32>
        %broadcast_in_dim3A_303 = vector.shape_cast %reduce_sum3A_302 : vector<8xf32> to vector<8x1xf32>
        %jit3A_304 = arith.constant 0.000000e+00 : f32
        %broadcast_in_dim3A_305 = vector.broadcast %jit3A_304 : f32 to vector<8x2048xf32>
        %select_n3A_306 = arith.select %eq3A_291, %get3A_7, %broadcast_in_dim3A_305 : vector<8x2048xi1>, vector<8x2048xf32>
        %reduce_sum3A_307 = arith.constant dense<0.000000e+00> : vector<8xf32>
        %reduce_sum3A_308 = vector.multi_reduction <add>, %select_n3A_306, %reduce_sum3A_307 [1] : vector<8x2048xf32> to vector<8xf32>
        %broadcast_in_dim3A_309 = vector.shape_cast %reduce_sum3A_308 : vector<8xf32> to vector<8x1xf32>
        scf.yield %select_n3A_254, %select_n3A_257, %select_n3A_260, %broadcast_in_dim3A_297, %broadcast_in_dim3A_303, %broadcast_in_dim3A_309 : vector<8x128xf32>, vector<8x128xf32>, vector<8x128xf32>, vector<8x1xf32>, vector<8x1xf32>, vector<8x1xf32>
      }
      %scan3A_57 = arith.constant 128 : i32
      %mul3A = arith.constant 128 : i32
      %mul3A_58 = arith.muli %scan3A_48, %mul3A : i32
      %multiple_of3A = tpu.assume_multiple %mul3A_58, 128 : i32
      %swap3A_59 = arith.constant 0 : index
      %swap3A_60 = arith.index_cast %multiple_of3A : i32 to index
      %swap3A_61 = vector.load %arg3[%swap3A_59, %swap3A_60] : memref<8x1024xf32, #tpu.memory_space<vmem>>, vector<8x128xf32>
      tpu.vector_store %arg3[%swap3A_59, %swap3A_60], %scan3A_56#0 {strides = array<i32>} : memref<8x1024xf32, #tpu.memory_space<vmem>>, vector<8x128xf32>,
      %swap3A_62 = arith.constant 0 : index
      %swap3A_63 = arith.index_cast %multiple_of3A : i32 to index
      %swap3A_64 = vector.load %arg4[%swap3A_62, %swap3A_63] : memref<8x1024xf32, #tpu.memory_space<vmem>>, vector<8x128xf32>
      tpu.vector_store %arg4[%swap3A_62, %swap3A_63], %scan3A_56#1 {strides = array<i32>} : memref<8x1024xf32, #tpu.memory_space<vmem>>, vector<8x128xf32>,
      %swap3A_65 = arith.constant 0 : index
      %swap3A_66 = arith.index_cast %multiple_of3A : i32 to index
      %swap3A_67 = vector.load %arg5[%swap3A_65, %swap3A_66] : memref<8x1024xf32, #tpu.memory_space<vmem>>, vector<8x128xf32>
      tpu.vector_store %arg5[%swap3A_65, %swap3A_66], %scan3A_56#2 {strides = array<i32>} : memref<8x1024xf32, #tpu.memory_space<vmem>>, vector<8x128xf32>,
      scf.yield %scan3A_56#3, %scan3A_56#4, %scan3A_56#5 : vector<8x1xf32>, vector<8x1xf32>, vector<8x1xf32>
    }
    %scan3A_20 = arith.constant 8 : i32
    %get3A_21 = arith.constant 0 : index
    %get3A_22 = arith.constant 0 : index
    %get3A_23 = vector.load %arg3[%get3A_21, %get3A_22] : memref<8x1024xf32, #tpu.memory_space<vmem>>, vector<8x1024xf32>
    %get3A_24 = arith.constant 0 : index
    %get3A_25 = arith.constant 0 : index
    %get3A_26 = vector.load %arg4[%get3A_24, %get3A_25] : memref<8x1024xf32, #tpu.memory_space<vmem>>, vector<8x1024xf32>
    %get3A_27 = arith.constant 0 : index
    %get3A_28 = arith.constant 0 : index
    %get3A_29 = vector.load %arg5[%get3A_27, %get3A_28] : memref<8x1024xf32, #tpu.memory_space<vmem>>, vector<8x1024xf32>
    %iota3A_30 = tpu.iota {dimensions = array<i32: 1>} : vector<8x1024xi32>
    %iota3A_31 = tpu.iota {dimensions = array<i32: 1>} : vector<8x128xi32>
    %broadcast_in_dim3A_32 = arith.constant 0.000000e+00 : f32
    %broadcast_in_dim3A_33 = vector.broadcast %broadcast_in_dim3A_32 : f32 to vector<8x128xf32>
    %broadcast_in_dim3A_34 = arith.constant 0x7F800000 : f32
    %broadcast_in_dim3A_35 = vector.broadcast %broadcast_in_dim3A_34 : f32 to vector<8x1024xf32>
    %swap3A_36 = arith.constant 0 : index
    %swap3A_37 = arith.constant 0 : index
    %swap3A_38 = vector.load %arg9[%swap3A_36, %swap3A_37] : memref<8x2048xf32, #tpu.memory_space<vmem>>, vector<8x1024xf32>
    tpu.vector_store %arg9[%swap3A_36, %swap3A_37], %broadcast_in_dim3A_35 {strides = array<i32>} : memref<8x2048xf32, #tpu.memory_space<vmem>>, vector<8x1024xf32>,
    %slice3A_39 = vector.extract_strided_slice %get3A_23 {offsets = [0, 0], sizes = [8, 1], strides = [1, 1]} : vector<8x1024xf32> to vector<8x1xf32>
    %slice3A_40 = vector.extract_strided_slice %get3A_26 {offsets = [0, 0], sizes = [8, 1], strides = [1, 1]} : vector<8x1024xf32> to vector<8x1xf32>
    %slice3A_41 = vector.extract_strided_slice %get3A_29 {offsets = [0, 0], sizes = [8, 1], strides = [1, 1]} : vector<8x1024xf32> to vector<8x1xf32>
    %scan3A_42 = arith.constant 0 : i32
    %scan3A_43 = arith.constant 2 : i32
    %scan3A_44 = arith.addi %scan3A_42, %scan3A_43 : i32
    %scan3A_45 = arith.constant 1 : i32
    %scan3A_46:3 = scf.for %scan3A_48 = %scan3A_42 to %scan3A_44 step %scan3A_45 iter_args(%scan3A_49 = %slice3A_39, %scan3A_50 = %slice3A_40, %scan3A_51 = %slice3A_41) -> (vector<8x1xf32>, vector<8x1xf32>, vector<8x1xf32>)  : i32 {
      %scan3A_52 = arith.constant 0 : i32
      %scan3A_53 = arith.constant 128 : i32
      %scan3A_54 = arith.addi %scan3A_52, %scan3A_53 : i32
      %scan3A_55 = arith.constant 4 : i32
      %scan3A_56:6 = scf.for %scan3A_68 = %scan3A_52 to %scan3A_54 step %scan3A_55 iter_args(%scan3A_69 = %broadcast_in_dim3A_33, %scan3A_70 = %broadcast_in_dim3A_33, %scan3A_71 = %broadcast_in_dim3A_33, %scan3A_72 = %scan3A_49, %scan3A_73 = %scan3A_50, %scan3A_74 = %scan3A_51) -> (vector<8x128xf32>, vector<8x128xf32>, vector<8x128xf32>, vector<8x1xf32>, vector<8x1xf32>, vector<8x1xf32>)  : i32 {
        %eq3A = vector.broadcast %scan3A_68 : i32 to vector<8x128xi32>
        %eq3A_75 = arith.cmpi eq, %iota3A_31, %eq3A : vector<8x128xi32>
        %broadcast_in_dim3A_76 = vector.shape_cast %scan3A_72 : vector<8x1xf32> to vector<8x1xf32>
        %broadcast_in_dim3A_77 = vector.broadcast %broadcast_in_dim3A_76 : vector<8x1xf32> to vector<8x128xf32>
        %select_n3A = arith.select %eq3A_75, %broadcast_in_dim3A_77, %scan3A_69 : vector<8x128xi1>, vector<8x128xf32>
        %broadcast_in_dim3A_78 = vector.shape_cast %scan3A_73 : vector<8x1xf32> to vector<8x1xf32>
        %broadcast_in_dim3A_79 = vector.broadcast %broadcast_in_dim3A_78 : vector<8x1xf32> to vector<8x128xf32>
        %select_n3A_80 = arith.select %eq3A_75, %broadcast_in_dim3A_79, %scan3A_70 : vector<8x128xi1>, vector<8x128xf32>
        %broadcast_in_dim3A_81 = vector.shape_cast %scan3A_74 : vector<8x1xf32> to vector<8x1xf32>
        %broadcast_in_dim3A_82 = vector.broadcast %broadcast_in_dim3A_81 : vector<8x1xf32> to vector<8x128xf32>
        %select_n3A_83 = arith.select %eq3A_75, %broadcast_in_dim3A_82, %scan3A_71 : vector<8x128xi1>, vector<8x128xf32>
        %sub3A = vector.broadcast %scan3A_72 : vector<8x1xf32> to vector<8x1024xf32>
        %sub3A_84 = arith.subf %get3A_23, %sub3A : vector<8x1024xf32>
        %integer_pow3A = arith.mulf %sub3A_84, %sub3A_84 : vector<8x1024xf32>
        %sub3A_85 = vector.broadcast %scan3A_73 : vector<8x1xf32> to vector<8x1024xf32>
        %sub3A_86 = arith.subf %get3A_26, %sub3A_85 : vector<8x1024xf32>
        %integer_pow3A_87 = arith.mulf %sub3A_86, %sub3A_86 : vector<8x1024xf32>
        %add3A = arith.addf %integer_pow3A, %integer_pow3A_87 : vector<8x1024xf32>
        %sub3A_88 = vector.broadcast %scan3A_74 : vector<8x1xf32> to vector<8x1024xf32>
        %sub3A_89 = arith.subf %get3A_29, %sub3A_88 : vector<8x1024xf32>
        %integer_pow3A_90 = arith.mulf %sub3A_89, %sub3A_89 : vector<8x1024xf32>
        %add3A_91 = arith.addf %add3A, %integer_pow3A_90 : vector<8x1024xf32>
        %get3A_92 = arith.constant 0 : index
        %get3A_93 = arith.constant 0 : index
        %get3A_94 = vector.load %arg9[%get3A_92, %get3A_93] : memref<8x2048xf32, #tpu.memory_space<vmem>>, vector<8x1024xf32>
        %min3A = arith.minimumf %get3A_94, %add3A_91 : vector<8x1024xf32>
        %swap3A_95 = arith.constant 0 : index
        %swap3A_96 = arith.constant 0 : index
        %swap3A_97 = vector.load %arg9[%swap3A_95, %swap3A_96] : memref<8x2048xf32, #tpu.memory_space<vmem>>, vector<8x1024xf32>
        tpu.vector_store %arg9[%swap3A_95, %swap3A_96], %min3A {strides = array<i32>} : memref<8x2048xf32, #tpu.memory_space<vmem>>, vector<8x1024xf32>,
        %reduce_max3A = arith.constant dense<0xFF800000> : vector<8xf32>
        %reduce_max3A_98 = vector.multi_reduction <maximumf>, %min3A, %reduce_max3A [1] : vector<8x1024xf32> to vector<8xf32>
        %broadcast_in_dim3A_99 = vector.shape_cast %reduce_max3A_98 : vector<8xf32> to vector<8x1xf32>
        %ge3A = vector.broadcast %broadcast_in_dim3A_99 : vector<8x1xf32> to vector<8x1024xf32>
        %ge3A_100 = arith.cmpf oge, %min3A, %ge3A : vector<8x1024xf32>
        %jit3A = arith.constant 1024 : i32
        %broadcast_in_dim3A_101 = vector.broadcast %jit3A : i32 to vector<8x1024xi32>
        %select_n3A_102 = arith.select %ge3A_100, %iota3A_30, %broadcast_in_dim3A_101 : vector<8x1024xi1>, vector<8x1024xi32>
        %reduce_min3A = arith.constant dense<2147483647> : vector<8xi32>
        %reduce_min3A_103 = vector.multi_reduction <minsi>, %select_n3A_102, %reduce_min3A [1] : vector<8x1024xi32> to vector<8xi32>
        %broadcast_in_dim3A_104 = vector.shape_cast %reduce_min3A_103 : vector<8xi32> to vector<8x1xi32>
        %eq3A_105 = vector.broadcast %broadcast_in_dim3A_104 : vector<8x1xi32> to vector<8x1024xi32>
        %eq3A_106 = arith.cmpi eq, %iota3A_30, %eq3A_105 : vector<8x1024xi32>
        %jit3A_107 = arith.constant 0.000000e+00 : f32
        %broadcast_in_dim3A_108 = vector.broadcast %jit3A_107 : f32 to vector<8x1024xf32>
        %select_n3A_109 = arith.select %eq3A_106, %get3A_23, %broadcast_in_dim3A_108 : vector<8x1024xi1>, vector<8x1024xf32>
        %reduce_sum3A = arith.constant dense<0.000000e+00> : vector<8xf32>
        %reduce_sum3A_110 = vector.multi_reduction <add>, %select_n3A_109, %reduce_sum3A [1] : vector<8x1024xf32> to vector<8xf32>
        %broadcast_in_dim3A_111 = vector.shape_cast %reduce_sum3A_110 : vector<8xf32> to vector<8x1xf32>
        %jit3A_112 = arith.constant 0.000000e+00 : f32
        %broadcast_in_dim3A_113 = vector.broadcast %jit3A_112 : f32 to vector<8x1024xf32>
        %select_n3A_114 = arith.select %eq3A_106, %get3A_26, %broadcast_in_dim3A_113 : vector<8x1024xi1>, vector<8x1024xf32>
        %reduce_sum3A_115 = arith.constant dense<0.000000e+00> : vector<8xf32>
        %reduce_sum3A_116 = vector.multi_reduction <add>, %select_n3A_114, %reduce_sum3A_115 [1] : vector<8x1024xf32> to vector<8xf32>
        %broadcast_in_dim3A_117 = vector.shape_cast %reduce_sum3A_116 : vector<8xf32> to vector<8x1xf32>
        %jit3A_118 = arith.constant 0.000000e+00 : f32
        %broadcast_in_dim3A_119 = vector.broadcast %jit3A_118 : f32 to vector<8x1024xf32>
        %select_n3A_120 = arith.select %eq3A_106, %get3A_29, %broadcast_in_dim3A_119 : vector<8x1024xi1>, vector<8x1024xf32>
        %reduce_sum3A_121 = arith.constant dense<0.000000e+00> : vector<8xf32>
        %reduce_sum3A_122 = vector.multi_reduction <add>, %select_n3A_120, %reduce_sum3A_121 [1] : vector<8x1024xf32> to vector<8xf32>
        %broadcast_in_dim3A_123 = vector.shape_cast %reduce_sum3A_122 : vector<8xf32> to vector<8x1xf32>
        %scan3A_124 = arith.constant 1 : i32
        %scan3A_125 = arith.addi %scan3A_68, %scan3A_124 : i32
        %eq3A_126 = vector.broadcast %scan3A_125 : i32 to vector<8x128xi32>
        %eq3A_127 = arith.cmpi eq, %iota3A_31, %eq3A_126 : vector<8x128xi32>
        %broadcast_in_dim3A_128 = vector.shape_cast %broadcast_in_dim3A_111 : vector<8x1xf32> to vector<8x1xf32>
        %broadcast_in_dim3A_129 = vector.broadcast %broadcast_in_dim3A_128 : vector<8x1xf32> to vector<8x128xf32>
        %select_n3A_130 = arith.select %eq3A_127, %broadcast_in_dim3A_129, %select_n3A : vector<8x128xi1>, vector<8x128xf32>
        %broadcast_in_dim3A_131 = vector.shape_cast %broadcast_in_dim3A_117 : vector<8x1xf32> to vector<8x1xf32>
        %broadcast_in_dim3A_132 = vector.broadcast %broadcast_in_dim3A_131 : vector<8x1xf32> to vector<8x128xf32>
        %select_n3A_133 = arith.select %eq3A_127, %broadcast_in_dim3A_132, %select_n3A_80 : vector<8x128xi1>, vector<8x128xf32>
        %broadcast_in_dim3A_134 = vector.shape_cast %broadcast_in_dim3A_123 : vector<8x1xf32> to vector<8x1xf32>
        %broadcast_in_dim3A_135 = vector.broadcast %broadcast_in_dim3A_134 : vector<8x1xf32> to vector<8x128xf32>
        %select_n3A_136 = arith.select %eq3A_127, %broadcast_in_dim3A_135, %select_n3A_83 : vector<8x128xi1>, vector<8x128xf32>
        %sub3A_137 = vector.broadcast %broadcast_in_dim3A_111 : vector<8x1xf32> to vector<8x1024xf32>
        %sub3A_138 = arith.subf %get3A_23, %sub3A_137 : vector<8x1024xf32>
        %integer_pow3A_139 = arith.mulf %sub3A_138, %sub3A_138 : vector<8x1024xf32>
        %sub3A_140 = vector.broadcast %broadcast_in_dim3A_117 : vector<8x1xf32> to vector<8x1024xf32>
        %sub3A_141 = arith.subf %get3A_26, %sub3A_140 : vector<8x1024xf32>
        %integer_pow3A_142 = arith.mulf %sub3A_141, %sub3A_141 : vector<8x1024xf32>
        %add3A_143 = arith.addf %integer_pow3A_139, %integer_pow3A_142 : vector<8x1024xf32>
        %sub3A_144 = vector.broadcast %broadcast_in_dim3A_123 : vector<8x1xf32> to vector<8x1024xf32>
        %sub3A_145 = arith.subf %get3A_29, %sub3A_144 : vector<8x1024xf32>
        %integer_pow3A_146 = arith.mulf %sub3A_145, %sub3A_145 : vector<8x1024xf32>
        %add3A_147 = arith.addf %add3A_143, %integer_pow3A_146 : vector<8x1024xf32>
        %get3A_148 = arith.constant 0 : index
        %get3A_149 = arith.constant 0 : index
        %get3A_150 = vector.load %arg9[%get3A_148, %get3A_149] : memref<8x2048xf32, #tpu.memory_space<vmem>>, vector<8x1024xf32>
        %min3A_151 = arith.minimumf %get3A_150, %add3A_147 : vector<8x1024xf32>
        %swap3A_152 = arith.constant 0 : index
        %swap3A_153 = arith.constant 0 : index
        %swap3A_154 = vector.load %arg9[%swap3A_152, %swap3A_153] : memref<8x2048xf32, #tpu.memory_space<vmem>>, vector<8x1024xf32>
        tpu.vector_store %arg9[%swap3A_152, %swap3A_153], %min3A_151 {strides = array<i32>} : memref<8x2048xf32, #tpu.memory_space<vmem>>, vector<8x1024xf32>,
        %reduce_max3A_155 = arith.constant dense<0xFF800000> : vector<8xf32>
        %reduce_max3A_156 = vector.multi_reduction <maximumf>, %min3A_151, %reduce_max3A_155 [1] : vector<8x1024xf32> to vector<8xf32>
        %broadcast_in_dim3A_157 = vector.shape_cast %reduce_max3A_156 : vector<8xf32> to vector<8x1xf32>
        %ge3A_158 = vector.broadcast %broadcast_in_dim3A_157 : vector<8x1xf32> to vector<8x1024xf32>
        %ge3A_159 = arith.cmpf oge, %min3A_151, %ge3A_158 : vector<8x1024xf32>
        %jit3A_160 = arith.constant 1024 : i32
        %broadcast_in_dim3A_161 = vector.broadcast %jit3A_160 : i32 to vector<8x1024xi32>
        %select_n3A_162 = arith.select %ge3A_159, %iota3A_30, %broadcast_in_dim3A_161 : vector<8x1024xi1>, vector<8x1024xi32>
        %reduce_min3A_163 = arith.constant dense<2147483647> : vector<8xi32>
        %reduce_min3A_164 = vector.multi_reduction <minsi>, %select_n3A_162, %reduce_min3A_163 [1] : vector<8x1024xi32> to vector<8xi32>
        %broadcast_in_dim3A_165 = vector.shape_cast %reduce_min3A_164 : vector<8xi32> to vector<8x1xi32>
        %eq3A_166 = vector.broadcast %broadcast_in_dim3A_165 : vector<8x1xi32> to vector<8x1024xi32>
        %eq3A_167 = arith.cmpi eq, %iota3A_30, %eq3A_166 : vector<8x1024xi32>
        %jit3A_168 = arith.constant 0.000000e+00 : f32
        %broadcast_in_dim3A_169 = vector.broadcast %jit3A_168 : f32 to vector<8x1024xf32>
        %select_n3A_170 = arith.select %eq3A_167, %get3A_23, %broadcast_in_dim3A_169 : vector<8x1024xi1>, vector<8x1024xf32>
        %reduce_sum3A_171 = arith.constant dense<0.000000e+00> : vector<8xf32>
        %reduce_sum3A_172 = vector.multi_reduction <add>, %select_n3A_170, %reduce_sum3A_171 [1] : vector<8x1024xf32> to vector<8xf32>
        %broadcast_in_dim3A_173 = vector.shape_cast %reduce_sum3A_172 : vector<8xf32> to vector<8x1xf32>
        %jit3A_174 = arith.constant 0.000000e+00 : f32
        %broadcast_in_dim3A_175 = vector.broadcast %jit3A_174 : f32 to vector<8x1024xf32>
        %select_n3A_176 = arith.select %eq3A_167, %get3A_26, %broadcast_in_dim3A_175 : vector<8x1024xi1>, vector<8x1024xf32>
        %reduce_sum3A_177 = arith.constant dense<0.000000e+00> : vector<8xf32>
        %reduce_sum3A_178 = vector.multi_reduction <add>, %select_n3A_176, %reduce_sum3A_177 [1] : vector<8x1024xf32> to vector<8xf32>
        %broadcast_in_dim3A_179 = vector.shape_cast %reduce_sum3A_178 : vector<8xf32> to vector<8x1xf32>
        %jit3A_180 = arith.constant 0.000000e+00 : f32
        %broadcast_in_dim3A_181 = vector.broadcast %jit3A_180 : f32 to vector<8x1024xf32>
        %select_n3A_182 = arith.select %eq3A_167, %get3A_29, %broadcast_in_dim3A_181 : vector<8x1024xi1>, vector<8x1024xf32>
        %reduce_sum3A_183 = arith.constant dense<0.000000e+00> : vector<8xf32>
        %reduce_sum3A_184 = vector.multi_reduction <add>, %select_n3A_182, %reduce_sum3A_183 [1] : vector<8x1024xf32> to vector<8xf32>
        %broadcast_in_dim3A_185 = vector.shape_cast %reduce_sum3A_184 : vector<8xf32> to vector<8x1xf32>
        %scan3A_186 = arith.constant 2 : i32
        %scan3A_187 = arith.addi %scan3A_68, %scan3A_186 : i32
        %eq3A_188 = vector.broadcast %scan3A_187 : i32 to vector<8x128xi32>
        %eq3A_189 = arith.cmpi eq, %iota3A_31, %eq3A_188 : vector<8x128xi32>
        %broadcast_in_dim3A_190 = vector.shape_cast %broadcast_in_dim3A_173 : vector<8x1xf32> to vector<8x1xf32>
        %broadcast_in_dim3A_191 = vector.broadcast %broadcast_in_dim3A_190 : vector<8x1xf32> to vector<8x128xf32>
        %select_n3A_192 = arith.select %eq3A_189, %broadcast_in_dim3A_191, %select_n3A_130 : vector<8x128xi1>, vector<8x128xf32>
        %broadcast_in_dim3A_193 = vector.shape_cast %broadcast_in_dim3A_179 : vector<8x1xf32> to vector<8x1xf32>
        %broadcast_in_dim3A_194 = vector.broadcast %broadcast_in_dim3A_193 : vector<8x1xf32> to vector<8x128xf32>
        %select_n3A_195 = arith.select %eq3A_189, %broadcast_in_dim3A_194, %select_n3A_133 : vector<8x128xi1>, vector<8x128xf32>
        %broadcast_in_dim3A_196 = vector.shape_cast %broadcast_in_dim3A_185 : vector<8x1xf32> to vector<8x1xf32>
        %broadcast_in_dim3A_197 = vector.broadcast %broadcast_in_dim3A_196 : vector<8x1xf32> to vector<8x128xf32>
        %select_n3A_198 = arith.select %eq3A_189, %broadcast_in_dim3A_197, %select_n3A_136 : vector<8x128xi1>, vector<8x128xf32>
        %sub3A_199 = vector.broadcast %broadcast_in_dim3A_173 : vector<8x1xf32> to vector<8x1024xf32>
        %sub3A_200 = arith.subf %get3A_23, %sub3A_199 : vector<8x1024xf32>
        %integer_pow3A_201 = arith.mulf %sub3A_200, %sub3A_200 : vector<8x1024xf32>
        %sub3A_202 = vector.broadcast %broadcast_in_dim3A_179 : vector<8x1xf32> to vector<8x1024xf32>
        %sub3A_203 = arith.subf %get3A_26, %sub3A_202 : vector<8x1024xf32>
        %integer_pow3A_204 = arith.mulf %sub3A_203, %sub3A_203 : vector<8x1024xf32>
        %add3A_205 = arith.addf %integer_pow3A_201, %integer_pow3A_204 : vector<8x1024xf32>
        %sub3A_206 = vector.broadcast %broadcast_in_dim3A_185 : vector<8x1xf32> to vector<8x1024xf32>
        %sub3A_207 = arith.subf %get3A_29, %sub3A_206 : vector<8x1024xf32>
        %integer_pow3A_208 = arith.mulf %sub3A_207, %sub3A_207 : vector<8x1024xf32>
        %add3A_209 = arith.addf %add3A_205, %integer_pow3A_208 : vector<8x1024xf32>
        %get3A_210 = arith.constant 0 : index
        %get3A_211 = arith.constant 0 : index
        %get3A_212 = vector.load %arg9[%get3A_210, %get3A_211] : memref<8x2048xf32, #tpu.memory_space<vmem>>, vector<8x1024xf32>
        %min3A_213 = arith.minimumf %get3A_212, %add3A_209 : vector<8x1024xf32>
        %swap3A_214 = arith.constant 0 : index
        %swap3A_215 = arith.constant 0 : index
        %swap3A_216 = vector.load %arg9[%swap3A_214, %swap3A_215] : memref<8x2048xf32, #tpu.memory_space<vmem>>, vector<8x1024xf32>
        tpu.vector_store %arg9[%swap3A_214, %swap3A_215], %min3A_213 {strides = array<i32>} : memref<8x2048xf32, #tpu.memory_space<vmem>>, vector<8x1024xf32>,
        %reduce_max3A_217 = arith.constant dense<0xFF800000> : vector<8xf32>
        %reduce_max3A_218 = vector.multi_reduction <maximumf>, %min3A_213, %reduce_max3A_217 [1] : vector<8x1024xf32> to vector<8xf32>
        %broadcast_in_dim3A_219 = vector.shape_cast %reduce_max3A_218 : vector<8xf32> to vector<8x1xf32>
        %ge3A_220 = vector.broadcast %broadcast_in_dim3A_219 : vector<8x1xf32> to vector<8x1024xf32>
        %ge3A_221 = arith.cmpf oge, %min3A_213, %ge3A_220 : vector<8x1024xf32>
        %jit3A_222 = arith.constant 1024 : i32
        %broadcast_in_dim3A_223 = vector.broadcast %jit3A_222 : i32 to vector<8x1024xi32>
        %select_n3A_224 = arith.select %ge3A_221, %iota3A_30, %broadcast_in_dim3A_223 : vector<8x1024xi1>, vector<8x1024xi32>
        %reduce_min3A_225 = arith.constant dense<2147483647> : vector<8xi32>
        %reduce_min3A_226 = vector.multi_reduction <minsi>, %select_n3A_224, %reduce_min3A_225 [1] : vector<8x1024xi32> to vector<8xi32>
        %broadcast_in_dim3A_227 = vector.shape_cast %reduce_min3A_226 : vector<8xi32> to vector<8x1xi32>
        %eq3A_228 = vector.broadcast %broadcast_in_dim3A_227 : vector<8x1xi32> to vector<8x1024xi32>
        %eq3A_229 = arith.cmpi eq, %iota3A_30, %eq3A_228 : vector<8x1024xi32>
        %jit3A_230 = arith.constant 0.000000e+00 : f32
        %broadcast_in_dim3A_231 = vector.broadcast %jit3A_230 : f32 to vector<8x1024xf32>
        %select_n3A_232 = arith.select %eq3A_229, %get3A_23, %broadcast_in_dim3A_231 : vector<8x1024xi1>, vector<8x1024xf32>
        %reduce_sum3A_233 = arith.constant dense<0.000000e+00> : vector<8xf32>
        %reduce_sum3A_234 = vector.multi_reduction <add>, %select_n3A_232, %reduce_sum3A_233 [1] : vector<8x1024xf32> to vector<8xf32>
        %broadcast_in_dim3A_235 = vector.shape_cast %reduce_sum3A_234 : vector<8xf32> to vector<8x1xf32>
        %jit3A_236 = arith.constant 0.000000e+00 : f32
        %broadcast_in_dim3A_237 = vector.broadcast %jit3A_236 : f32 to vector<8x1024xf32>
        %select_n3A_238 = arith.select %eq3A_229, %get3A_26, %broadcast_in_dim3A_237 : vector<8x1024xi1>, vector<8x1024xf32>
        %reduce_sum3A_239 = arith.constant dense<0.000000e+00> : vector<8xf32>
        %reduce_sum3A_240 = vector.multi_reduction <add>, %select_n3A_238, %reduce_sum3A_239 [1] : vector<8x1024xf32> to vector<8xf32>
        %broadcast_in_dim3A_241 = vector.shape_cast %reduce_sum3A_240 : vector<8xf32> to vector<8x1xf32>
        %jit3A_242 = arith.constant 0.000000e+00 : f32
        %broadcast_in_dim3A_243 = vector.broadcast %jit3A_242 : f32 to vector<8x1024xf32>
        %select_n3A_244 = arith.select %eq3A_229, %get3A_29, %broadcast_in_dim3A_243 : vector<8x1024xi1>, vector<8x1024xf32>
        %reduce_sum3A_245 = arith.constant dense<0.000000e+00> : vector<8xf32>
        %reduce_sum3A_246 = vector.multi_reduction <add>, %select_n3A_244, %reduce_sum3A_245 [1] : vector<8x1024xf32> to vector<8xf32>
        %broadcast_in_dim3A_247 = vector.shape_cast %reduce_sum3A_246 : vector<8xf32> to vector<8x1xf32>
        %scan3A_248 = arith.constant 3 : i32
        %scan3A_249 = arith.addi %scan3A_68, %scan3A_248 : i32
        %eq3A_250 = vector.broadcast %scan3A_249 : i32 to vector<8x128xi32>
        %eq3A_251 = arith.cmpi eq, %iota3A_31, %eq3A_250 : vector<8x128xi32>
        %broadcast_in_dim3A_252 = vector.shape_cast %broadcast_in_dim3A_235 : vector<8x1xf32> to vector<8x1xf32>
        %broadcast_in_dim3A_253 = vector.broadcast %broadcast_in_dim3A_252 : vector<8x1xf32> to vector<8x128xf32>
        %select_n3A_254 = arith.select %eq3A_251, %broadcast_in_dim3A_253, %select_n3A_192 : vector<8x128xi1>, vector<8x128xf32>
        %broadcast_in_dim3A_255 = vector.shape_cast %broadcast_in_dim3A_241 : vector<8x1xf32> to vector<8x1xf32>
        %broadcast_in_dim3A_256 = vector.broadcast %broadcast_in_dim3A_255 : vector<8x1xf32> to vector<8x128xf32>
        %select_n3A_257 = arith.select %eq3A_251, %broadcast_in_dim3A_256, %select_n3A_195 : vector<8x128xi1>, vector<8x128xf32>
        %broadcast_in_dim3A_258 = vector.shape_cast %broadcast_in_dim3A_247 : vector<8x1xf32> to vector<8x1xf32>
        %broadcast_in_dim3A_259 = vector.broadcast %broadcast_in_dim3A_258 : vector<8x1xf32> to vector<8x128xf32>
        %select_n3A_260 = arith.select %eq3A_251, %broadcast_in_dim3A_259, %select_n3A_198 : vector<8x128xi1>, vector<8x128xf32>
        %sub3A_261 = vector.broadcast %broadcast_in_dim3A_235 : vector<8x1xf32> to vector<8x1024xf32>
        %sub3A_262 = arith.subf %get3A_23, %sub3A_261 : vector<8x1024xf32>
        %integer_pow3A_263 = arith.mulf %sub3A_262, %sub3A_262 : vector<8x1024xf32>
        %sub3A_264 = vector.broadcast %broadcast_in_dim3A_241 : vector<8x1xf32> to vector<8x1024xf32>
        %sub3A_265 = arith.subf %get3A_26, %sub3A_264 : vector<8x1024xf32>
        %integer_pow3A_266 = arith.mulf %sub3A_265, %sub3A_265 : vector<8x1024xf32>
        %add3A_267 = arith.addf %integer_pow3A_263, %integer_pow3A_266 : vector<8x1024xf32>
        %sub3A_268 = vector.broadcast %broadcast_in_dim3A_247 : vector<8x1xf32> to vector<8x1024xf32>
        %sub3A_269 = arith.subf %get3A_29, %sub3A_268 : vector<8x1024xf32>
        %integer_pow3A_270 = arith.mulf %sub3A_269, %sub3A_269 : vector<8x1024xf32>
        %add3A_271 = arith.addf %add3A_267, %integer_pow3A_270 : vector<8x1024xf32>
        %get3A_272 = arith.constant 0 : index
        %get3A_273 = arith.constant 0 : index
        %get3A_274 = vector.load %arg9[%get3A_272, %get3A_273] : memref<8x2048xf32, #tpu.memory_space<vmem>>, vector<8x1024xf32>
        %min3A_275 = arith.minimumf %get3A_274, %add3A_271 : vector<8x1024xf32>
        %swap3A_276 = arith.constant 0 : index
        %swap3A_277 = arith.constant 0 : index
        %swap3A_278 = vector.load %arg9[%swap3A_276, %swap3A_277] : memref<8x2048xf32, #tpu.memory_space<vmem>>, vector<8x1024xf32>
        tpu.vector_store %arg9[%swap3A_276, %swap3A_277], %min3A_275 {strides = array<i32>} : memref<8x2048xf32, #tpu.memory_space<vmem>>, vector<8x1024xf32>,
        %reduce_max3A_279 = arith.constant dense<0xFF800000> : vector<8xf32>
        %reduce_max3A_280 = vector.multi_reduction <maximumf>, %min3A_275, %reduce_max3A_279 [1] : vector<8x1024xf32> to vector<8xf32>
        %broadcast_in_dim3A_281 = vector.shape_cast %reduce_max3A_280 : vector<8xf32> to vector<8x1xf32>
        %ge3A_282 = vector.broadcast %broadcast_in_dim3A_281 : vector<8x1xf32> to vector<8x1024xf32>
        %ge3A_283 = arith.cmpf oge, %min3A_275, %ge3A_282 : vector<8x1024xf32>
        %jit3A_284 = arith.constant 1024 : i32
        %broadcast_in_dim3A_285 = vector.broadcast %jit3A_284 : i32 to vector<8x1024xi32>
        %select_n3A_286 = arith.select %ge3A_283, %iota3A_30, %broadcast_in_dim3A_285 : vector<8x1024xi1>, vector<8x1024xi32>
        %reduce_min3A_287 = arith.constant dense<2147483647> : vector<8xi32>
        %reduce_min3A_288 = vector.multi_reduction <minsi>, %select_n3A_286, %reduce_min3A_287 [1] : vector<8x1024xi32> to vector<8xi32>
        %broadcast_in_dim3A_289 = vector.shape_cast %reduce_min3A_288 : vector<8xi32> to vector<8x1xi32>
        %eq3A_290 = vector.broadcast %broadcast_in_dim3A_289 : vector<8x1xi32> to vector<8x1024xi32>
        %eq3A_291 = arith.cmpi eq, %iota3A_30, %eq3A_290 : vector<8x1024xi32>
        %jit3A_292 = arith.constant 0.000000e+00 : f32
        %broadcast_in_dim3A_293 = vector.broadcast %jit3A_292 : f32 to vector<8x1024xf32>
        %select_n3A_294 = arith.select %eq3A_291, %get3A_23, %broadcast_in_dim3A_293 : vector<8x1024xi1>, vector<8x1024xf32>
        %reduce_sum3A_295 = arith.constant dense<0.000000e+00> : vector<8xf32>
        %reduce_sum3A_296 = vector.multi_reduction <add>, %select_n3A_294, %reduce_sum3A_295 [1] : vector<8x1024xf32> to vector<8xf32>
        %broadcast_in_dim3A_297 = vector.shape_cast %reduce_sum3A_296 : vector<8xf32> to vector<8x1xf32>
        %jit3A_298 = arith.constant 0.000000e+00 : f32
        %broadcast_in_dim3A_299 = vector.broadcast %jit3A_298 : f32 to vector<8x1024xf32>
        %select_n3A_300 = arith.select %eq3A_291, %get3A_26, %broadcast_in_dim3A_299 : vector<8x1024xi1>, vector<8x1024xf32>
        %reduce_sum3A_301 = arith.constant dense<0.000000e+00> : vector<8xf32>
        %reduce_sum3A_302 = vector.multi_reduction <add>, %select_n3A_300, %reduce_sum3A_301 [1] : vector<8x1024xf32> to vector<8xf32>
        %broadcast_in_dim3A_303 = vector.shape_cast %reduce_sum3A_302 : vector<8xf32> to vector<8x1xf32>
        %jit3A_304 = arith.constant 0.000000e+00 : f32
        %broadcast_in_dim3A_305 = vector.broadcast %jit3A_304 : f32 to vector<8x1024xf32>
        %select_n3A_306 = arith.select %eq3A_291, %get3A_29, %broadcast_in_dim3A_305 : vector<8x1024xi1>, vector<8x1024xf32>
        %reduce_sum3A_307 = arith.constant dense<0.000000e+00> : vector<8xf32>
        %reduce_sum3A_308 = vector.multi_reduction <add>, %select_n3A_306, %reduce_sum3A_307 [1] : vector<8x1024xf32> to vector<8xf32>
        %broadcast_in_dim3A_309 = vector.shape_cast %reduce_sum3A_308 : vector<8xf32> to vector<8x1xf32>
        scf.yield %select_n3A_254, %select_n3A_257, %select_n3A_260, %broadcast_in_dim3A_297, %broadcast_in_dim3A_303, %broadcast_in_dim3A_309 : vector<8x128xf32>, vector<8x128xf32>, vector<8x128xf32>, vector<8x1xf32>, vector<8x1xf32>, vector<8x1xf32>
      }
      %scan3A_57 = arith.constant 128 : i32
      %mul3A = arith.constant 128 : i32
      %mul3A_58 = arith.muli %scan3A_48, %mul3A : i32
      %multiple_of3A = tpu.assume_multiple %mul3A_58, 128 : i32
      %swap3A_59 = arith.constant 0 : index
      %swap3A_60 = arith.index_cast %multiple_of3A : i32 to index
      %swap3A_61 = vector.load %arg6[%swap3A_59, %swap3A_60] : memref<8x256xf32, #tpu.memory_space<vmem>>, vector<8x128xf32>
      tpu.vector_store %arg6[%swap3A_59, %swap3A_60], %scan3A_56#0 {strides = array<i32>} : memref<8x256xf32, #tpu.memory_space<vmem>>, vector<8x128xf32>,
      %swap3A_62 = arith.constant 0 : index
      %swap3A_63 = arith.index_cast %multiple_of3A : i32 to index
      %swap3A_64 = vector.load %arg7[%swap3A_62, %swap3A_63] : memref<8x256xf32, #tpu.memory_space<vmem>>, vector<8x128xf32>
      tpu.vector_store %arg7[%swap3A_62, %swap3A_63], %scan3A_56#1 {strides = array<i32>} : memref<8x256xf32, #tpu.memory_space<vmem>>, vector<8x128xf32>,
      %swap3A_65 = arith.constant 0 : index
      %swap3A_66 = arith.index_cast %multiple_of3A : i32 to index
      %swap3A_67 = vector.load %arg8[%swap3A_65, %swap3A_66] : memref<8x256xf32, #tpu.memory_space<vmem>>, vector<8x128xf32>
      tpu.vector_store %arg8[%swap3A_65, %swap3A_66], %scan3A_56#2 {strides = array<i32>} : memref<8x256xf32, #tpu.memory_space<vmem>>, vector<8x128xf32>,
      scf.yield %scan3A_56#3, %scan3A_56#4, %scan3A_56#5 : vector<8x1xf32>, vector<8x1xf32>, vector<8x1xf32>
    }
    %scan3A_47 = arith.constant 2 : i32
    return
  }
}

module attributes {stable_mosaic.version = 14 : i64} {
  func.func @_pair_conv_body(%arg0: i32, %arg1: memref<4096x3xf32, #tpu.memory_space<vmem>>, %arg2: memref<3x64xf32, #tpu.memory_space<vmem>>, %arg3: memref<64x64xi32, #tpu.memory_space<vmem>>, %arg4: memref<1x64xf32, #tpu.memory_space<vmem>>, %arg5: memref<1x64xf32, #tpu.memory_space<vmem>>, %arg6: memref<1x64xf32, #tpu.memory_space<vmem>>, %arg7: memref<64x128xf32, #tpu.memory_space<vmem>>, %arg8: memref<1x128xf32, #tpu.memory_space<vmem>>, %arg9: memref<1x128xf32, #tpu.memory_space<vmem>>, %arg10: memref<1x128xf32, #tpu.memory_space<vmem>>, %arg11: memref<64x128xf32, #tpu.memory_space<vmem>>) attributes {dimension_semantics = [#tpu.dimension_semantics<arbitrary>], iteration_bounds = array<i64: 128>, scalar_prefetch = 0 : i64, scratch_operands = 0 : i64, tpu.core_type = #tpu.core_type<tc>, window_params = [{transform_indices = @transform_0, window_bounds = array<i64: 4096, 3>}, {pipeline_mode = #tpu.pipeline_mode<synchronous>, transform_indices = @transform_1, window_bounds = array<i64: 3, 64>}, {transform_indices = @transform_2, window_bounds = array<i64: 64, 64>}, {pipeline_mode = #tpu.pipeline_mode<synchronous>, transform_indices = @transform_3, window_bounds = array<i64: 1, 64>}, {pipeline_mode = #tpu.pipeline_mode<synchronous>, transform_indices = @transform_4, window_bounds = array<i64: 1, 64>}, {pipeline_mode = #tpu.pipeline_mode<synchronous>, transform_indices = @transform_5, window_bounds = array<i64: 1, 64>}, {pipeline_mode = #tpu.pipeline_mode<synchronous>, transform_indices = @transform_6, window_bounds = array<i64: 64, 128>}, {pipeline_mode = #tpu.pipeline_mode<synchronous>, transform_indices = @transform_7, window_bounds = array<i64: 1, 128>}, {pipeline_mode = #tpu.pipeline_mode<synchronous>, transform_indices = @transform_8, window_bounds = array<i64: 1, 128>}, {pipeline_mode = #tpu.pipeline_mode<synchronous>, transform_indices = @transform_9, window_bounds = array<i64: 1, 128>}, {transform_indices = @transform_10, window_bounds = array<i64: 64, 128>}]} {
    %get3A = arith.constant 0 : index
    %get3A_0 = arith.constant 0 : index
    %get3A_1 = vector.load %arg4[%get3A, %get3A_0] : memref<1x64xf32, #tpu.memory_space<vmem>>, vector<1x64xf32>
    %get3A_2 = arith.constant 0 : index
    %get3A_3 = arith.constant 0 : index
    %get3A_4 = vector.load %arg1[%get3A_2, %get3A_3] : memref<4096x3xf32, #tpu.memory_space<vmem>>, vector<4096x3xf32>
    %get3A_5 = arith.constant 0 : index
    %get3A_6 = arith.constant 0 : index
    %get3A_7 = vector.load %arg2[%get3A_5, %get3A_6] : memref<3x64xf32, #tpu.memory_space<vmem>>, vector<3x64xf32>
    %dot_general3A = arith.constant dense<0.000000e+00> : vector<4096x64xf32>
    %dot_general3A_8 = tpu.matmul %get3A_4, %get3A_7, %dot_general3A {dimension_numbers = #tpu.dot_dimension_numbers<[1], [0], [0], [1], [0, 0, 1, 1], [], []>, transpose_lhs_hint = false} : vector<4096x3xf32>, vector<3x64xf32>, vector<4096x64xf32> -> vector<4096x64xf32>
    %add3A = vector.broadcast %get3A_1 : vector<1x64xf32> to vector<4096x64xf32>
    %add3A_9 = arith.addf %add3A, %dot_general3A_8 : vector<4096x64xf32>
    %max3A = arith.constant 0.000000e+00 : f32
    %max3A_10 = vector.broadcast %max3A : f32 to vector<4096x64xf32>
    %max3A_11 = arith.maximumf %add3A_9, %max3A_10 : vector<4096x64xf32>
    %get3A_12 = arith.constant 0 : index
    %get3A_13 = arith.constant 0 : index
    %get3A_14 = vector.load %arg5[%get3A_12, %get3A_13] : memref<1x64xf32, #tpu.memory_space<vmem>>, vector<1x64xf32>
    %mul3A = vector.broadcast %get3A_14 : vector<1x64xf32> to vector<4096x64xf32>
    %mul3A_15 = arith.mulf %max3A_11, %mul3A : vector<4096x64xf32>
    %get3A_16 = arith.constant 0 : index
    %get3A_17 = arith.constant 0 : index
    %get3A_18 = vector.load %arg6[%get3A_16, %get3A_17] : memref<1x64xf32, #tpu.memory_space<vmem>>, vector<1x64xf32>
    %add3A_19 = vector.broadcast %get3A_18 : vector<1x64xf32> to vector<4096x64xf32>
    %add3A_20 = arith.addf %mul3A_15, %add3A_19 : vector<4096x64xf32>
    %get3A_21 = arith.constant 0 : index
    %get3A_22 = arith.constant 0 : index
    %get3A_23 = vector.load %arg7[%get3A_21, %get3A_22] : memref<64x128xf32, #tpu.memory_space<vmem>>, vector<64x128xf32>
    %dot_general3A_24 = arith.constant dense<0.000000e+00> : vector<4096x128xf32>
    %dot_general3A_25 = tpu.matmul %add3A_20, %get3A_23, %dot_general3A_24 {dimension_numbers = #tpu.dot_dimension_numbers<[1], [0], [0], [1], [0, 0, 1, 1], [], []>, transpose_lhs_hint = false} : vector<4096x64xf32>, vector<64x128xf32>, vector<4096x128xf32> -> vector<4096x128xf32>
    %get3A_26 = arith.constant 0 : index
    %get3A_27 = arith.constant 0 : index
    %get3A_28 = vector.load %arg8[%get3A_26, %get3A_27] : memref<1x128xf32, #tpu.memory_space<vmem>>, vector<1x128xf32>
    %add3A_29 = vector.broadcast %get3A_28 : vector<1x128xf32> to vector<4096x128xf32>
    %add3A_30 = arith.addf %dot_general3A_25, %add3A_29 : vector<4096x128xf32>
    %max3A_31 = arith.constant 0.000000e+00 : f32
    %max3A_32 = vector.broadcast %max3A_31 : f32 to vector<4096x128xf32>
    %max3A_33 = arith.maximumf %add3A_30, %max3A_32 : vector<4096x128xf32>
    %get3A_34 = arith.constant 0 : index
    %get3A_35 = arith.constant 0 : index
    %get3A_36 = vector.load %arg9[%get3A_34, %get3A_35] : memref<1x128xf32, #tpu.memory_space<vmem>>, vector<1x128xf32>
    %mul3A_37 = vector.broadcast %get3A_36 : vector<1x128xf32> to vector<4096x128xf32>
    %mul3A_38 = arith.mulf %max3A_33, %mul3A_37 : vector<4096x128xf32>
    %get3A_39 = arith.constant 0 : index
    %get3A_40 = arith.constant 0 : index
    %get3A_41 = vector.load %arg10[%get3A_39, %get3A_40] : memref<1x128xf32, #tpu.memory_space<vmem>>, vector<1x128xf32>
    %add3A_42 = vector.broadcast %get3A_41 : vector<1x128xf32> to vector<4096x128xf32>
    %add3A_43 = arith.addf %mul3A_38, %add3A_42 : vector<4096x128xf32>
    %reshape3A = vector.shape_cast %add3A_43 : vector<4096x128xf32> to vector<64x64x128xf32>
    %get3A_44 = arith.constant 0 : index
    %get3A_45 = arith.constant 0 : index
    %get3A_46 = vector.load %arg3[%get3A_44, %get3A_45] : memref<64x64xi32, #tpu.memory_space<vmem>>, vector<64x64xi32>
    %broadcast_in_dim3A = vector.shape_cast %get3A_46 : vector<64x64xi32> to vector<64x64x1xi32>
    %gt3A = arith.constant 0 : i32
    %gt3A_47 = vector.broadcast %gt3A : i32 to vector<64x64x1xi32>
    %gt3A_48 = arith.cmpi sgt, %broadcast_in_dim3A, %gt3A_47 : vector<64x64x1xi32>
    %jit3A = arith.constant 0xFF800000 : f32
    %broadcast_in_dim3A_49 = vector.shape_cast %gt3A_48 : vector<64x64x1xi1> to vector<64x64x1xi1>
    %broadcast_in_dim3A_50 = vector.broadcast %broadcast_in_dim3A_49 : vector<64x64x1xi1> to vector<64x64x128xi1>
    %broadcast_in_dim3A_51 = vector.broadcast %jit3A : f32 to vector<64x64x128xf32>
    %select_n3A = arith.select %broadcast_in_dim3A_50, %reshape3A, %broadcast_in_dim3A_51 : vector<64x64x128xi1>, vector<64x64x128xf32>
    %reduce_max3A = arith.constant dense<0xFF800000> : vector<64x128xf32>
    %reduce_max3A_52 = vector.multi_reduction <maximumf>, %select_n3A, %reduce_max3A [1] : vector<64x64x128xf32> to vector<64x128xf32>
    %swap3A = arith.constant 0 : index
    %swap3A_53 = arith.constant 0 : index
    %swap3A_54 = vector.load %arg11[%swap3A, %swap3A_53] : memref<64x128xf32, #tpu.memory_space<vmem>>, vector<64x128xf32>
    tpu.vector_store %arg11[%swap3A, %swap3A_53], %reduce_max3A_52 {strides = array<i32>} : memref<64x128xf32, #tpu.memory_space<vmem>>, vector<64x128xf32>,
    return
  }
  func.func @transform_0(%arg0: i32) -> (i32, i32) {
    %c0_i32 = arith.constant 0 : i32
    %c0_i32_0 = arith.constant 0 : i32
    return %arg0, %c0_i32 : i32, i32
  }
  func.func @transform_1(%arg0: i32) -> (i32, i32) {
    %c0_i32 = arith.constant 0 : i32
    %c0_i32_0 = arith.constant 0 : i32
    %c0_i32_1 = arith.constant 0 : i32
    return %c0_i32, %c0_i32_0 : i32, i32
  }
  func.func @transform_2(%arg0: i32) -> (i32, i32) {
    %c0_i32 = arith.constant 0 : i32
    %c0_i32_0 = arith.constant 0 : i32
    return %arg0, %c0_i32 : i32, i32
  }
  func.func @transform_3(%arg0: i32) -> (i32, i32) {
    %c0_i32 = arith.constant 0 : i32
    %c0_i32_0 = arith.constant 0 : i32
    %c0_i32_1 = arith.constant 0 : i32
    return %c0_i32, %c0_i32_0 : i32, i32
  }
  func.func @transform_4(%arg0: i32) -> (i32, i32) {
    %c0_i32 = arith.constant 0 : i32
    %c0_i32_0 = arith.constant 0 : i32
    %c0_i32_1 = arith.constant 0 : i32
    return %c0_i32, %c0_i32_0 : i32, i32
  }
  func.func @transform_5(%arg0: i32) -> (i32, i32) {
    %c0_i32 = arith.constant 0 : i32
    %c0_i32_0 = arith.constant 0 : i32
    %c0_i32_1 = arith.constant 0 : i32
    return %c0_i32, %c0_i32_0 : i32, i32
  }
  func.func @transform_6(%arg0: i32) -> (i32, i32) {
    %c0_i32 = arith.constant 0 : i32
    %c0_i32_0 = arith.constant 0 : i32
    %c0_i32_1 = arith.constant 0 : i32
    return %c0_i32, %c0_i32_0 : i32, i32
  }
  func.func @transform_7(%arg0: i32) -> (i32, i32) {
    %c0_i32 = arith.constant 0 : i32
    %c0_i32_0 = arith.constant 0 : i32
    %c0_i32_1 = arith.constant 0 : i32
    return %c0_i32, %c0_i32_0 : i32, i32
  }
  func.func @transform_8(%arg0: i32) -> (i32, i32) {
    %c0_i32 = arith.constant 0 : i32
    %c0_i32_0 = arith.constant 0 : i32
    %c0_i32_1 = arith.constant 0 : i32
    return %c0_i32, %c0_i32_0 : i32, i32
  }
  func.func @transform_9(%arg0: i32) -> (i32, i32) {
    %c0_i32 = arith.constant 0 : i32
    %c0_i32_0 = arith.constant 0 : i32
    %c0_i32_1 = arith.constant 0 : i32
    return %c0_i32, %c0_i32_0 : i32, i32
  }
  func.func @transform_10(%arg0: i32) -> (i32, i32) {
    %c0_i32 = arith.constant 0 : i32
    %c0_i32_0 = arith.constant 0 : i32
    return %arg0, %c0_i32 : i32, i32
  }
}

module attributes {stable_mosaic.version = 14 : i64} {
  func.func @_pair_conv_body(%arg0: i32, %arg1: memref<2048x128xf32, #tpu.memory_space<vmem>>, %arg2: memref<2048x3xf32, #tpu.memory_space<vmem>>, %arg3: memref<128x128xf32, #tpu.memory_space<vmem>>, %arg4: memref<3x128xf32, #tpu.memory_space<vmem>>, %arg5: memref<32x64xi32, #tpu.memory_space<vmem>>, %arg6: memref<1x128xf32, #tpu.memory_space<vmem>>, %arg7: memref<1x128xf32, #tpu.memory_space<vmem>>, %arg8: memref<1x128xf32, #tpu.memory_space<vmem>>, %arg9: memref<128x128xf32, #tpu.memory_space<vmem>>, %arg10: memref<1x128xf32, #tpu.memory_space<vmem>>, %arg11: memref<1x128xf32, #tpu.memory_space<vmem>>, %arg12: memref<1x128xf32, #tpu.memory_space<vmem>>, %arg13: memref<32x128xf32, #tpu.memory_space<vmem>>) attributes {dimension_semantics = [#tpu.dimension_semantics<arbitrary>], iteration_bounds = array<i64: 64>, scalar_prefetch = 0 : i64, scratch_operands = 0 : i64, tpu.core_type = #tpu.core_type<tc>, window_params = [{transform_indices = @transform_0, window_bounds = array<i64: 2048, 128>}, {transform_indices = @transform_1, window_bounds = array<i64: 2048, 3>}, {pipeline_mode = #tpu.pipeline_mode<synchronous>, transform_indices = @transform_2, window_bounds = array<i64: 128, 128>}, {pipeline_mode = #tpu.pipeline_mode<synchronous>, transform_indices = @transform_3, window_bounds = array<i64: 3, 128>}, {transform_indices = @transform_4, window_bounds = array<i64: 32, 64>}, {pipeline_mode = #tpu.pipeline_mode<synchronous>, transform_indices = @transform_5, window_bounds = array<i64: 1, 128>}, {pipeline_mode = #tpu.pipeline_mode<synchronous>, transform_indices = @transform_6, window_bounds = array<i64: 1, 128>}, {pipeline_mode = #tpu.pipeline_mode<synchronous>, transform_indices = @transform_7, window_bounds = array<i64: 1, 128>}, {pipeline_mode = #tpu.pipeline_mode<synchronous>, transform_indices = @transform_8, window_bounds = array<i64: 128, 128>}, {pipeline_mode = #tpu.pipeline_mode<synchronous>, transform_indices = @transform_9, window_bounds = array<i64: 1, 128>}, {pipeline_mode = #tpu.pipeline_mode<synchronous>, transform_indices = @transform_10, window_bounds = array<i64: 1, 128>}, {pipeline_mode = #tpu.pipeline_mode<synchronous>, transform_indices = @transform_11, window_bounds = array<i64: 1, 128>}, {transform_indices = @transform_12, window_bounds = array<i64: 32, 128>}]} {
    %get3A = arith.constant 0 : index
    %get3A_0 = arith.constant 0 : index
    %get3A_1 = vector.load %arg6[%get3A, %get3A_0] : memref<1x128xf32, #tpu.memory_space<vmem>>, vector<1x128xf32>
    %get3A_2 = arith.constant 0 : index
    %get3A_3 = arith.constant 0 : index
    %get3A_4 = vector.load %arg1[%get3A_2, %get3A_3] : memref<2048x128xf32, #tpu.memory_space<vmem>>, vector<2048x128xf32>
    %get3A_5 = arith.constant 0 : index
    %get3A_6 = arith.constant 0 : index
    %get3A_7 = vector.load %arg3[%get3A_5, %get3A_6] : memref<128x128xf32, #tpu.memory_space<vmem>>, vector<128x128xf32>
    %dot_general3A = arith.constant dense<0.000000e+00> : vector<2048x128xf32>
    %dot_general3A_8 = tpu.matmul %get3A_4, %get3A_7, %dot_general3A {dimension_numbers = #tpu.dot_dimension_numbers<[1], [0], [0], [1], [0, 0, 1, 1], [], []>, transpose_lhs_hint = false} : vector<2048x128xf32>, vector<128x128xf32>, vector<2048x128xf32> -> vector<2048x128xf32>
    %add3A = vector.broadcast %get3A_1 : vector<1x128xf32> to vector<2048x128xf32>
    %add3A_9 = arith.addf %add3A, %dot_general3A_8 : vector<2048x128xf32>
    %get3A_10 = arith.constant 0 : index
    %get3A_11 = arith.constant 0 : index
    %get3A_12 = vector.load %arg2[%get3A_10, %get3A_11] : memref<2048x3xf32, #tpu.memory_space<vmem>>, vector<2048x3xf32>
    %get3A_13 = arith.constant 0 : index
    %get3A_14 = arith.constant 0 : index
    %get3A_15 = vector.load %arg4[%get3A_13, %get3A_14] : memref<3x128xf32, #tpu.memory_space<vmem>>, vector<3x128xf32>
    %dot_general3A_16 = arith.constant dense<0.000000e+00> : vector<2048x128xf32>
    %dot_general3A_17 = tpu.matmul %get3A_12, %get3A_15, %dot_general3A_16 {dimension_numbers = #tpu.dot_dimension_numbers<[1], [0], [0], [1], [0, 0, 1, 1], [], []>, transpose_lhs_hint = false} : vector<2048x3xf32>, vector<3x128xf32>, vector<2048x128xf32> -> vector<2048x128xf32>
    %add3A_18 = arith.addf %add3A_9, %dot_general3A_17 : vector<2048x128xf32>
    %max3A = arith.constant 0.000000e+00 : f32
    %max3A_19 = vector.broadcast %max3A : f32 to vector<2048x128xf32>
    %max3A_20 = arith.maximumf %add3A_18, %max3A_19 : vector<2048x128xf32>
    %get3A_21 = arith.constant 0 : index
    %get3A_22 = arith.constant 0 : index
    %get3A_23 = vector.load %arg7[%get3A_21, %get3A_22] : memref<1x128xf32, #tpu.memory_space<vmem>>, vector<1x128xf32>
    %mul3A = vector.broadcast %get3A_23 : vector<1x128xf32> to vector<2048x128xf32>
    %mul3A_24 = arith.mulf %max3A_20, %mul3A : vector<2048x128xf32>
    %get3A_25 = arith.constant 0 : index
    %get3A_26 = arith.constant 0 : index
    %get3A_27 = vector.load %arg8[%get3A_25, %get3A_26] : memref<1x128xf32, #tpu.memory_space<vmem>>, vector<1x128xf32>
    %add3A_28 = vector.broadcast %get3A_27 : vector<1x128xf32> to vector<2048x128xf32>
    %add3A_29 = arith.addf %mul3A_24, %add3A_28 : vector<2048x128xf32>
    %get3A_30 = arith.constant 0 : index
    %get3A_31 = arith.constant 0 : index
    %get3A_32 = vector.load %arg9[%get3A_30, %get3A_31] : memref<128x128xf32, #tpu.memory_space<vmem>>, vector<128x128xf32>
    %dot_general3A_33 = arith.constant dense<0.000000e+00> : vector<2048x128xf32>
    %dot_general3A_34 = tpu.matmul %add3A_29, %get3A_32, %dot_general3A_33 {dimension_numbers = #tpu.dot_dimension_numbers<[1], [0], [0], [1], [0, 0, 1, 1], [], []>, transpose_lhs_hint = false} : vector<2048x128xf32>, vector<128x128xf32>, vector<2048x128xf32> -> vector<2048x128xf32>
    %get3A_35 = arith.constant 0 : index
    %get3A_36 = arith.constant 0 : index
    %get3A_37 = vector.load %arg10[%get3A_35, %get3A_36] : memref<1x128xf32, #tpu.memory_space<vmem>>, vector<1x128xf32>
    %add3A_38 = vector.broadcast %get3A_37 : vector<1x128xf32> to vector<2048x128xf32>
    %add3A_39 = arith.addf %dot_general3A_34, %add3A_38 : vector<2048x128xf32>
    %max3A_40 = arith.constant 0.000000e+00 : f32
    %max3A_41 = vector.broadcast %max3A_40 : f32 to vector<2048x128xf32>
    %max3A_42 = arith.maximumf %add3A_39, %max3A_41 : vector<2048x128xf32>
    %get3A_43 = arith.constant 0 : index
    %get3A_44 = arith.constant 0 : index
    %get3A_45 = vector.load %arg11[%get3A_43, %get3A_44] : memref<1x128xf32, #tpu.memory_space<vmem>>, vector<1x128xf32>
    %mul3A_46 = vector.broadcast %get3A_45 : vector<1x128xf32> to vector<2048x128xf32>
    %mul3A_47 = arith.mulf %max3A_42, %mul3A_46 : vector<2048x128xf32>
    %get3A_48 = arith.constant 0 : index
    %get3A_49 = arith.constant 0 : index
    %get3A_50 = vector.load %arg12[%get3A_48, %get3A_49] : memref<1x128xf32, #tpu.memory_space<vmem>>, vector<1x128xf32>
    %add3A_51 = vector.broadcast %get3A_50 : vector<1x128xf32> to vector<2048x128xf32>
    %add3A_52 = arith.addf %mul3A_47, %add3A_51 : vector<2048x128xf32>
    %reshape3A = vector.shape_cast %add3A_52 : vector<2048x128xf32> to vector<32x64x128xf32>
    %get3A_53 = arith.constant 0 : index
    %get3A_54 = arith.constant 0 : index
    %get3A_55 = vector.load %arg5[%get3A_53, %get3A_54] : memref<32x64xi32, #tpu.memory_space<vmem>>, vector<32x64xi32>
    %broadcast_in_dim3A = vector.shape_cast %get3A_55 : vector<32x64xi32> to vector<32x64x1xi32>
    %gt3A = arith.constant 0 : i32
    %gt3A_56 = vector.broadcast %gt3A : i32 to vector<32x64x1xi32>
    %gt3A_57 = arith.cmpi sgt, %broadcast_in_dim3A, %gt3A_56 : vector<32x64x1xi32>
    %jit3A = arith.constant 0xFF800000 : f32
    %broadcast_in_dim3A_58 = vector.shape_cast %gt3A_57 : vector<32x64x1xi1> to vector<32x64x1xi1>
    %broadcast_in_dim3A_59 = vector.broadcast %broadcast_in_dim3A_58 : vector<32x64x1xi1> to vector<32x64x128xi1>
    %broadcast_in_dim3A_60 = vector.broadcast %jit3A : f32 to vector<32x64x128xf32>
    %select_n3A = arith.select %broadcast_in_dim3A_59, %reshape3A, %broadcast_in_dim3A_60 : vector<32x64x128xi1>, vector<32x64x128xf32>
    %reduce_max3A = arith.constant dense<0xFF800000> : vector<32x128xf32>
    %reduce_max3A_61 = vector.multi_reduction <maximumf>, %select_n3A, %reduce_max3A [1] : vector<32x64x128xf32> to vector<32x128xf32>
    %swap3A = arith.constant 0 : index
    %swap3A_62 = arith.constant 0 : index
    %swap3A_63 = vector.load %arg13[%swap3A, %swap3A_62] : memref<32x128xf32, #tpu.memory_space<vmem>>, vector<32x128xf32>
    tpu.vector_store %arg13[%swap3A, %swap3A_62], %reduce_max3A_61 {strides = array<i32>} : memref<32x128xf32, #tpu.memory_space<vmem>>, vector<32x128xf32>,
    return
  }
  func.func @transform_0(%arg0: i32) -> (i32, i32) {
    %c0_i32 = arith.constant 0 : i32
    %c0_i32_0 = arith.constant 0 : i32
    return %arg0, %c0_i32 : i32, i32
  }
  func.func @transform_1(%arg0: i32) -> (i32, i32) {
    %c0_i32 = arith.constant 0 : i32
    %c0_i32_0 = arith.constant 0 : i32
    return %arg0, %c0_i32 : i32, i32
  }
  func.func @transform_2(%arg0: i32) -> (i32, i32) {
    %c0_i32 = arith.constant 0 : i32
    %c0_i32_0 = arith.constant 0 : i32
    %c0_i32_1 = arith.constant 0 : i32
    return %c0_i32, %c0_i32_0 : i32, i32
  }
  func.func @transform_3(%arg0: i32) -> (i32, i32) {
    %c0_i32 = arith.constant 0 : i32
    %c0_i32_0 = arith.constant 0 : i32
    %c0_i32_1 = arith.constant 0 : i32
    return %c0_i32, %c0_i32_0 : i32, i32
  }
  func.func @transform_4(%arg0: i32) -> (i32, i32) {
    %c0_i32 = arith.constant 0 : i32
    %c0_i32_0 = arith.constant 0 : i32
    return %arg0, %c0_i32 : i32, i32
  }
  func.func @transform_5(%arg0: i32) -> (i32, i32) {
    %c0_i32 = arith.constant 0 : i32
    %c0_i32_0 = arith.constant 0 : i32
    %c0_i32_1 = arith.constant 0 : i32
    return %c0_i32, %c0_i32_0 : i32, i32
  }
  func.func @transform_6(%arg0: i32) -> (i32, i32) {
    %c0_i32 = arith.constant 0 : i32
    %c0_i32_0 = arith.constant 0 : i32
    %c0_i32_1 = arith.constant 0 : i32
    return %c0_i32, %c0_i32_0 : i32, i32
  }
  func.func @transform_7(%arg0: i32) -> (i32, i32) {
    %c0_i32 = arith.constant 0 : i32
    %c0_i32_0 = arith.constant 0 : i32
    %c0_i32_1 = arith.constant 0 : i32
    return %c0_i32, %c0_i32_0 : i32, i32
  }
  func.func @transform_8(%arg0: i32) -> (i32, i32) {
    %c0_i32 = arith.constant 0 : i32
    %c0_i32_0 = arith.constant 0 : i32
    %c0_i32_1 = arith.constant 0 : i32
    return %c0_i32, %c0_i32_0 : i32, i32
  }
  func.func @transform_9(%arg0: i32) -> (i32, i32) {
    %c0_i32 = arith.constant 0 : i32
    %c0_i32_0 = arith.constant 0 : i32
    %c0_i32_1 = arith.constant 0 : i32
    return %c0_i32, %c0_i32_0 : i32, i32
  }
  func.func @transform_10(%arg0: i32) -> (i32, i32) {
    %c0_i32 = arith.constant 0 : i32
    %c0_i32_0 = arith.constant 0 : i32
    %c0_i32_1 = arith.constant 0 : i32
    return %c0_i32, %c0_i32_0 : i32, i32
  }
  func.func @transform_11(%arg0: i32) -> (i32, i32) {
    %c0_i32 = arith.constant 0 : i32
    %c0_i32_0 = arith.constant 0 : i32
    %c0_i32_1 = arith.constant 0 : i32
    return %c0_i32, %c0_i32_0 : i32, i32
  }
  func.func @transform_12(%arg0: i32) -> (i32, i32) {
    %c0_i32 = arith.constant 0 : i32
    %c0_i32_0 = arith.constant 0 : i32
    return %arg0, %c0_i32 : i32, i32
  }
}

module attributes {stable_mosaic.version = 14 : i64} {
  func.func @_global_tail_body(%arg0: memref<2048x131xf32, #tpu.memory_space<vmem>>, %arg1: memref<131x256xf32, #tpu.memory_space<vmem>>, %arg2: memref<1x256xf32, #tpu.memory_space<vmem>>, %arg3: memref<1x256xf32, #tpu.memory_space<vmem>>, %arg4: memref<1x256xf32, #tpu.memory_space<vmem>>, %arg5: memref<256x256xf32, #tpu.memory_space<vmem>>, %arg6: memref<1x256xf32, #tpu.memory_space<vmem>>, %arg7: memref<256x10xf32, #tpu.memory_space<vmem>>, %arg8: memref<1x10xf32, #tpu.memory_space<vmem>>, %arg9: memref<8x10xf32, #tpu.memory_space<vmem>>) attributes {dimension_semantics = [], scalar_prefetch = 0 : i64, scratch_operands = 0 : i64, tpu.core_type = #tpu.core_type<tc>} {
    %get3A = arith.constant 0 : index
    %get3A_0 = arith.constant 0 : index
    %get3A_1 = vector.load %arg0[%get3A, %get3A_0] : memref<2048x131xf32, #tpu.memory_space<vmem>>, vector<2048x131xf32>
    %get3A_2 = arith.constant 0 : index
    %get3A_3 = arith.constant 0 : index
    %get3A_4 = vector.load %arg1[%get3A_2, %get3A_3] : memref<131x256xf32, #tpu.memory_space<vmem>>, vector<131x256xf32>
    %dot_general3A = arith.constant dense<0.000000e+00> : vector<2048x256xf32>
    %dot_general3A_5 = tpu.matmul %get3A_1, %get3A_4, %dot_general3A {dimension_numbers = #tpu.dot_dimension_numbers<[1], [0], [0], [1], [0, 0, 1, 1], [], []>, transpose_lhs_hint = false} : vector<2048x131xf32>, vector<131x256xf32>, vector<2048x256xf32> -> vector<2048x256xf32>
    %get3A_6 = arith.constant 0 : index
    %get3A_7 = arith.constant 0 : index
    %get3A_8 = vector.load %arg2[%get3A_6, %get3A_7] : memref<1x256xf32, #tpu.memory_space<vmem>>, vector<1x256xf32>
    %add3A = vector.broadcast %get3A_8 : vector<1x256xf32> to vector<2048x256xf32>
    %add3A_9 = arith.addf %dot_general3A_5, %add3A : vector<2048x256xf32>
    %max3A = arith.constant 0.000000e+00 : f32
    %max3A_10 = vector.broadcast %max3A : f32 to vector<2048x256xf32>
    %max3A_11 = arith.maximumf %add3A_9, %max3A_10 : vector<2048x256xf32>
    %get3A_12 = arith.constant 0 : index
    %get3A_13 = arith.constant 0 : index
    %get3A_14 = vector.load %arg3[%get3A_12, %get3A_13] : memref<1x256xf32, #tpu.memory_space<vmem>>, vector<1x256xf32>
    %mul3A = vector.broadcast %get3A_14 : vector<1x256xf32> to vector<2048x256xf32>
    %mul3A_15 = arith.mulf %max3A_11, %mul3A : vector<2048x256xf32>
    %get3A_16 = arith.constant 0 : index
    %get3A_17 = arith.constant 0 : index
    %get3A_18 = vector.load %arg4[%get3A_16, %get3A_17] : memref<1x256xf32, #tpu.memory_space<vmem>>, vector<1x256xf32>
    %add3A_19 = vector.broadcast %get3A_18 : vector<1x256xf32> to vector<2048x256xf32>
    %add3A_20 = arith.addf %mul3A_15, %add3A_19 : vector<2048x256xf32>
    %reshape3A = vector.shape_cast %add3A_20 : vector<2048x256xf32> to vector<8x256x256xf32>
    %reduce_max3A = arith.constant dense<0xFF800000> : vector<8x256xf32>
    %reduce_max3A_21 = vector.multi_reduction <maximumf>, %reshape3A, %reduce_max3A [1] : vector<8x256x256xf32> to vector<8x256xf32>
    %max3A_22 = arith.constant 0.000000e+00 : f32
    %max3A_23 = vector.broadcast %max3A_22 : f32 to vector<8x256xf32>
    %max3A_24 = arith.maximumf %reduce_max3A_21, %max3A_23 : vector<8x256xf32>
    %get3A_25 = arith.constant 0 : index
    %get3A_26 = arith.constant 0 : index
    %get3A_27 = vector.load %arg5[%get3A_25, %get3A_26] : memref<256x256xf32, #tpu.memory_space<vmem>>, vector<256x256xf32>
    %dot_general3A_28 = arith.constant dense<0.000000e+00> : vector<8x256xf32>
    %dot_general3A_29 = tpu.matmul %max3A_24, %get3A_27, %dot_general3A_28 {dimension_numbers = #tpu.dot_dimension_numbers<[1], [0], [0], [1], [0, 0, 1, 1], [], []>, transpose_lhs_hint = false} : vector<8x256xf32>, vector<256x256xf32>, vector<8x256xf32> -> vector<8x256xf32>
    %get3A_30 = arith.constant 0 : index
    %get3A_31 = arith.constant 0 : index
    %get3A_32 = vector.load %arg6[%get3A_30, %get3A_31] : memref<1x256xf32, #tpu.memory_space<vmem>>, vector<1x256xf32>
    %add3A_33 = vector.broadcast %get3A_32 : vector<1x256xf32> to vector<8x256xf32>
    %add3A_34 = arith.addf %dot_general3A_29, %add3A_33 : vector<8x256xf32>
    %max3A_35 = arith.constant 0.000000e+00 : f32
    %max3A_36 = vector.broadcast %max3A_35 : f32 to vector<8x256xf32>
    %max3A_37 = arith.maximumf %add3A_34, %max3A_36 : vector<8x256xf32>
    %get3A_38 = arith.constant 0 : index
    %get3A_39 = arith.constant 0 : index
    %get3A_40 = vector.load %arg7[%get3A_38, %get3A_39] : memref<256x10xf32, #tpu.memory_space<vmem>>, vector<256x10xf32>
    %dot_general3A_41 = arith.constant dense<0.000000e+00> : vector<8x10xf32>
    %dot_general3A_42 = tpu.matmul %max3A_37, %get3A_40, %dot_general3A_41 {dimension_numbers = #tpu.dot_dimension_numbers<[1], [0], [0], [1], [0, 0, 1, 1], [], []>, transpose_lhs_hint = false} : vector<8x256xf32>, vector<256x10xf32>, vector<8x10xf32> -> vector<8x10xf32>
    %get3A_43 = arith.constant 0 : index
    %get3A_44 = arith.constant 0 : index
    %get3A_45 = vector.load %arg8[%get3A_43, %get3A_44] : memref<1x10xf32, #tpu.memory_space<vmem>>, vector<1x10xf32>
    %add3A_46 = vector.broadcast %get3A_45 : vector<1x10xf32> to vector<8x10xf32>
    %add3A_47 = arith.addf %dot_general3A_42, %add3A_46 : vector<8x10xf32>
    %swap3A = arith.constant 0 : index
    %swap3A_48 = arith.constant 0 : index
    %swap3A_49 = vector.load %arg9[%swap3A, %swap3A_48] : memref<8x10xf32, #tpu.memory_space<vmem>>, vector<8x10xf32>
    tpu.vector_store %arg9[%swap3A, %swap3A_48], %add3A_47 {strides = array<i32>} : memref<8x10xf32, #tpu.memory_space<vmem>>, vector<8x10xf32>,
    return
  }
}

</mosaic_0001>

<sc_bundles>
// kernel: kernel.12.cloned.1.call-start
scs
__scs_entry_jumppad:
0x0: {  	(pc) =	sbr.rel $0x88, $3  }
0x1: {  	(tag) =	ssettag $0x0;
	lr =	simm.s32 $0x1  }
0x2: {  	[smem:$0x3F88] =	sst lr;
	_ =	strace $0xD0000000  }
0x3: {  	_ = 	snop  }
0x4: {  	_ = 	snop  }
0x5: {  	_ = 	snop  }
0x6: {  	_ = 	snop  }
0x7: {  	_ = 	snop  }
__scs_overlays_trampoline_lowered:
0x8: {  	[smem:$0x3F97] =	sst s0  }
0x9: {  	[smem:$0x3F98] =	sst s1  }
0xa: {  	[smem:$0x3F99] =	sst s2  }
0xb: {  	[smem:$0x3F9A] =	sst s3  }
0xc: {  	[smem:$0x3F9B] =	sst s4  }
0xd: {  	[smem:$0x3F9C] =	sst s5  }
0xe: {  	[smem:$0x3F9D] =	sst s6  }
0xf: {  	[smem:$0x3F9E] =	sst s7  }
0x10: {  	[smem:$0x3F9F] =	sst s8  }
0x11: {  	[smem:$0x3FA0] =	sst s9;
	s0 =	simm.s32 @!p0 $0x0  }
0x12: {  	s1 =	sld [smem:$0x3F86];
	s0 =	simm.s32 @p0 $0x1  }
0x13: {  	[smem:$0x3FA1] =	sst s0;
	s0 =	simm.s32 @!p1 $0x0  }
0x14: {  	s2 =	sld [smem:$0x3F85];
	s0 =	simm.s32 @p1 $0x1  }
0x15: {  	[smem:$0x3FA2] =	sst s0;
	s0 =	simm.s32 @!p2 $0x0  }
0x16: {  	s3 =	sld [smem:$0x3FDB];
	s0 =	simm.s32 @p2 $0x1  }
0x17: {  	s4 =	simm.s32 $0x1BF5;
	[smem:$0x3FA4] =	sst s0  }
0x18: {  	s0 =	sld [smem:$0x3F87];
	_ =	swait.ge [sflag:s4], $0x0  }
0x19: {  	s7 =	sld [smem:$0x3F88]  }
0x1a: {  	s8 =	sadd.s32 $0xFFFFE003, lr  }
0x1b: {  	s9 =	sadd.s32 $0xFFFFFEF7, lr;
	s5 =	simm.s32 $0xFFFFFFFF;
	p2 =	slt.u32 s8, $0xFFFFF086  }
0x1c: {  	p1 =	slt.u32 s9, $0xF7A;
	s5 =	simm.s32 @!p2 $0x0  }
0x1d: {  	s5 =	simm.s32 @p1 $0x1;
	p0 =	seq.s32 s7, s2  }
0x1e: {  	s7 =	smul.u32 @!p0 $0xF7A, s2;
	p2 =	seq.s32 @!p0 s5, $0x0  }
0x1f: {  	s9 =	smul.u32 $0xF7A, s1;
	s8 =	simm.s32 @!p0 $0x1BF5;
	p2 =	por !p2, p0  }
0x20: {  	[sflag:s8] =	ssyncset.s32 @!p0 $0xFFFFF086;
	s6 =	sadd.s32 @!p0 s3, s7;
	s7 =	simm.s32 @!p0 $0x108  }
0x21: {  	s3 =	sadd.s32 s3, s9;
	s6 =	sadd.s32 @!p0 $0x88, s6;
	s7 =	simm.s32 @p2 $0x1082  }
0x22: {  	[simem:s7], [sflag:s8] =	dma.local @!p0 [hbm:s6], $0xF7A  }
0x23: {  	s9 =	sor.u32 $0xD0000000, s2;
	s6 =	simm.s32 $0x108;
	_ =	swait.ge @!p0 [sflag:s8], $0x0  }
0x24: {  	s3 =	sadd.s32 $0x88, s3;
	s6 =	simm.s32 @!p1 $0x1082;
	[sflag:s4] =	ssyncset.s32 $0xFFFFF086  }
0x25: {  	[simem:s6], [sflag:s4] =	dma.local [hbm:s3], $0xF7A  }
0x26: {  	[smem:$0x3F88] =	sst s1;
	(tag) =	ssettag s2;
	_ =	strace s9  }
0x27: {  	s1 =	sld [smem:$0x3F98]  }
0x28: {  	s2 =	sld [smem:$0x3F99]  }
0x29: {  	s4 =	sld [smem:$0x3F9B]  }
0x2a: {  	p0 =	seq.s32 s5, $0x0;
	s5 =	sld [smem:$0x3F9C]  }
0x2b: {  	s6 =	sld [smem:$0x3F9D]  }
0x2c: {  	s7 =	sld [smem:$0x3F9E]  }
0x2d: {  	s3 =	simm.s32 $0x108;
	s8 =	sld [smem:$0x3F9F]  }
0x2e: {  	s3 =	simm.s32 @!p0 $0x1082;
	s9 =	sld [smem:$0x3FA0]  }
0x2f: {  	lr =	sadd.s32 s0, s3;
	s0 =	sld [smem:$0x3F97]  }
0x30: {  	s3 =	sld [smem:$0x3F9A]  }
0x31: {  	[smem:$0x3FA3] =	sst s10  }
0x32: {  	s10 =	sld [smem:$0x3FA1];
	_ =	sdelay $0x3  }
0x33: {  	p0 =	seq.s32 s10, $0x1;
	s10 =	sld [smem:$0x3FA3];
	_ =	sdelay $0x3  }
0x34: {  	[smem:$0x3FA3] =	sst s10  }
0x35: {  	s10 =	sld [smem:$0x3FA2];
	_ =	sdelay $0x3  }
0x36: {  	p1 =	seq.s32 s10, $0x1;
	s10 =	sld [smem:$0x3FA3];
	_ =	sdelay $0x3  }
0x37: {  	[smem:$0x3FA3] =	sst s10  }
0x38: {  	s10 =	sld [smem:$0x3FA4]  }
0x39: {  	_ = 	snop;
	(pc) =	sbr.ind lr, $3  }
0x3a: {  	_ = 	snop  }
0x3b: {  	_ = 	snop  }
0x3c: {  	p2 =	seq.s32 s10, $0x1;
	s10 =	sld [smem:$0x3FA3]  }
0x3d: {  	_ =	shalt  }
0x3e: {  	_ =	shalt  }
0x3f: {  	_ =	shalt  }
0x40: {  	_ =	shalt  }
0x41: {  	_ =	shalt  }
0x42: {  	_ =	shalt  }
0x43: {  	_ =	shalt  }
0x44: {  	_ =	shalt  }
0x45: {  	_ =	shalt  }
0x46: {  	_ =	shalt  }
0x47: {  	_ =	shalt  }
0x48: {  	_ =	shalt  }
0x49: {  	_ =	shalt  }
0x4a: {  	_ =	shalt  }
0x4b: {  	_ =	shalt  }
0x4c: {  	_ =	shalt  }
0x4d: {  	_ =	shalt  }
0x4e: {  	_ =	shalt  }
0x4f: {  	_ =	shalt  }
0x50: {  	_ =	shalt  }
0x51: {  	_ =	shalt  }
0x52: {  	_ =	shalt  }
0x53: {  	_ =	shalt  }
0x54: {  	_ =	shalt  }
0x55: {  	_ =	shalt  }
0x56: {  	_ =	shalt  }
0x57: {  	_ =	shalt  }
0x58: {  	_ =	shalt  }
0x59: {  	_ =	shalt  }
0x5a: {  	_ =	shalt  }
0x5b: {  	_ =	shalt  }
0x5c: {  	_ =	shalt  }
0x5d: {  	_ =	shalt  }
0x5e: {  	_ =	shalt  }
0x5f: {  	_ =	shalt  }
0x60: {  	_ =	shalt  }
0x61: {  	_ =	shalt  }
0x62: {  	_ =	shalt  }
0x63: {  	_ =	shalt  }
0x64: {  	_ =	shalt  }
0x65: {  	_ =	shalt  }
0x66: {  	_ =	shalt  }
0x67: {  	_ =	shalt  }
0x68: {  	_ =	shalt  }
0x69: {  	_ =	shalt  }
0x6a: {  	_ =	shalt  }
0x6b: {  	_ =	shalt  }
0x6c: {  	_ =	shalt  }
0x6d: {  	_ =	shalt  }
0x6e: {  	_ =	shalt  }
0x6f: {  	_ =	shalt  }
0x70: {  	_ =	shalt  }
0x71: {  	_ =	shalt  }
0x72: {  	_ =	shalt  }
0x73: {  	_ =	shalt  }
0x74: {  	_ =	shalt  }
0x75: {  	_ =	shalt  }
0x76: {  	_ =	shalt  }
0x77: {  	_ =	shalt  }
0x78: {  	_ =	shalt  }
0x79: {  	_ =	shalt  }
0x7a: {  	_ =	shalt  }
0x7b: {  	_ =	shalt  }
0x7c: {  	_ =	shalt  }
0x7d: {  	_ =	shalt  }
0x7e: {  	_ =	shalt  }
0x7f: {  	_ =	shalt  }
0x80: {  	_ =	shalt  }
0x81: {  	_ =	shalt  }
0x82: {  	_ =	shalt  }
0x83: {  	_ =	shalt  }
0x84: {  	_ =	shalt  }
0x85: {  	_ =	shalt  }
0x86: {  	_ =	shalt  }
0x87: {  	_ =	shalt  }
.Lfunc_end0:
.L_simem_size_0:
called_computation.2_lowered:
.L_overlay_start_0:
0x88: {  	s2 =	sld [smem:$0x3FD9]  }
0x89: {  	s3 =	sld [smem:$0x3FFE];
	_ =	sdelay $0x1  }
0x8a: {  	s1 =	srdreg.scid  }
0x8b: {  	s0 =	sand.u32 $0x1, s1  }
0x8c: {  	s17 =	sshll.u32 s0, $0xA;
	s2 =	sadd.s32 s3, s2  }
0x8d: {  	s2 =	sadd.s32 s2, s17  }
0x8e: {  	[smem:$0x3FAF] =	sst s2  }
0x8f: {  	_ = 	snop  }
0x90: {  	(tm) =	ssettm $0x1  }
0x91: {  	s18 =	sld [smem:$0x3FFB];
	_ =	sdelay $0x3  }
0x92: {  	_ =	strace s18  }
0x93: {  	s2 =	sld [smem:$0x3FFC];
	_ =	sdelay $0x3  }
0x94: {  	_ =	strace s2  }
0x95: {  	s2 =	sld [smem:$0x3FFD];
	_ =	sdelay $0x3  }
0x96: {  	_ =	strace s2  }
0x97: {  	_ =	strace $0x8FFFFFFF  }
0x98: {  	s19 =	sld [smem:$0x3FDB];
	_ =	sdelay $0x1  }
0x99: {  	s20 =	simm.s32 $_scs_section_size  }
0x9a: {  	s4 =	simm.s32 $_size__tile_overlayer_lowered;
	s5 =	simm.s32 $_tile_overlayer_lowered  }
0x9b: {  	s6 =	simm.s32 $0x1BFF;
	s21 =	sshll.u32 s5, $0x1;
	s3 =	sadd.s32 s20, s19  }
0x9c: {  	s22 =	simm.s32 $0x0;
	s4 =	sshll.u32 s4, $0x1;
	s5 =	sadd.s32 s21, s3  }
0x9d: {  	[timem:s22], [sflag:s6] =	dma.local [hbm:s5], s4  }
0x9e: {  	_ =	swait.ge [sflag:s6], s4  }
0x9f: {  	s4 =	ssub.s32 $0x0, s4;
	[sflag:s6] =	ssyncset.done $0x0  }
0xa0: {  	[sflag:s6] =	ssyncadd.s32 s4;
	_ =	sdelay $0x1  }
0xa1: {  	s23 =	simm.s32 $0x1B8B  }
0xa2: {  	_ =	swait.ge [sflag:s23], $0x1  }
0xa3: {  	[sflag:s23] =	ssyncset.done $0x0  }
0xa4: {  	[sflag:s23] =	ssyncadd.s32 $0xFFFFFFFF  }
0xa5: {  	s4 =	sld [smem:$0x0]  }
0xa6: {  	s5 =	sand.u32 $0xFFFFFFFE, s1  }
0xa7: {  	p0 =	sne.s32 s1, s5  }
0xa8: {  	s5 =	sshll.u32 @p0 s5, $0xE  }
0xa9: {  	s5 =	sadd.s32 @p0 $0x11B8D, s5;
	s6 =	sshll.u32 @p0 s4, $0x11  }
0xaa: {  	s5 =	sor.u32 @p0 s6, s5  }
0xab: {  	[sflag:s5] =	ssyncadd.remote.s32 @p0 $0x1;
	_ =	sdelay $0x1  }
0xac: {  	s5 =	simm.s32 @p0 $0x1B8D  }
0xad: {  	_ =	swait.eq @p0 [sflag:s5], $0x1  }
0xae: {  	[sflag:s5] =	ssyncadd.s32 @p0 $0xFFFFFFFF  }
0xaf: {  	s6 =	sshll.u32 @!p0 s1, $0xE  }
0xb0: {  	s6 =	sor.u32 @!p0 $0x4000, s6;
	s5 =	simm.s32 @!p0 $0x1B8D  }
0xb1: {  	s4 =	sshll.u32 @!p0 s4, $0x11;
	s6 =	sadd.s32 @!p0 $0x11B8D, s6;
	_ =	swait.eq @!p0 [sflag:s5], $0x1  }
0xb2: {  	s4 =	sor.u32 @!p0 s4, s6;
	[sflag:s5] =	ssyncadd.s32 @!p0 $0xFFFFFFFF  }
0xb3: {  	s25 =	simm.s32 $0x1B8E;
	s24 =	sld [smem:$0x3FFE];
	[sflag:s4] =	ssyncadd.remote.s32 @!p0 $0x1  }
0xb4: {  	s26 =	simm.s32 $execute0_lowered;
	[smem:$0x3FD2] =	sst s25  }
0xb5: {  	s5 =	sshll.u32 s26, $0x1;
	_ =	strace $0x8000004C;
	[dreg:$0x1] =	wrdreg $0xFFFFFFFF  }
0xb6: {  	s28 =	simm.s32 $_size_execute0_lowered;
	s3 =	sadd.s32 s3, s5;
	[dreg:$0x0] =	wrdreg $0x0  }
0xb7: {  	s5 =	sshll.u32 s28, $0x1;
	[dreg:$0x2] =	wrdreg s3  }
0xb8: {  	[dreg:$0x3] =	wrdreg s5  }
0xb9: {  	[dreg:$0x4] =	wrdreg $0xC0  }
0xba: {  	_ =	task [dreg:s22], $0x5FFFF  }
0xbb: {  	[dreg:$0x1] =	wrdreg $0xFFFFFFFF  }
0xbc: {  	[dreg:$0x0] =	wrdreg $0x60  }
0xbd: {  	[dreg:$0x2] =	wrdreg s24  }
0xbe: {  	[dreg:$0x3] =	wrdreg $0x9  }
0xbf: {  	_ =	task.clear_ibuf [dreg:s22], $0x4FFFF;
	_ =	strace $0x9000004C  }
0xc0: {  	s29 =	simm.s32 $0x9;
	_ =	strace $0x8000004E  }
0xc1: {  	_ =	swait.ge [sflag:s29], $0x1  }
0xc2: {  	[sflag:s29] =	ssyncadd.s32 $0xFFFFFFFF  }
0xc3: {  	_ =	strace $0x9000004E  }
0xc4: {  	_ =	sfence  }
0xc5: {  	s30 =	sld [smem:$0x0];
	_ =	sdelay $0x2  }
0xc6: {  	s31 =	sshll.u32 s1, $0xD;
	s1 =	sshrl.u32 s1, $0x2  }
0xc7: {  	s4 =	sand.u32 $0x4000, s31;
	s1 =	sadd.s32 s1, s30  }
0xc8: {  	s0 =	sor.u32 s4, s0;
	s1 =	sshll.u32 s1, $0x11  }
0xc9: {  	s0 =	sor.u32 s1, s0  }
0xca: {  	s0 =	sadd.s32 $0x8F2B, s0  }
0xcb: {  	[sflag:s0] =	ssyncadd.remote.s32 $0x1  }
0xcc: {  	_ =	sfence.sel $0xFFFF  }
0xcd: {  	[dreg:$0x0] =	wrdreg $0xFFFFFFFF;
	(pc) =	sbr.abs _section_cstart, $3  }
0xce: {  	[dreg:$0x1] =	wrdreg $0xFFFFFFFF  }
0xcf: {  	_ =	task.clear_ibuf [dreg:s22], $0x2FFFF;
	_ =	strace $0x9FFFFFFF  }
0xd0: {  	(tm) =	ssettm $0x7FFFFFFF  }
0xd1: {  	_ =	shalt  }
tec
execute0_lowered:
.L_overlay_start_1:
0x0: {  	(tag) =	ssettag $0x1  }
0x1: {  	s0 =	stileid.u32;
	s1 =	srdreg.scid  }
0x2: {  	s3 =	rddreg [dreg:$0x0];
	s15 =	simm.s32 $0x1;
	s16 =	simm.s32 $0x800  }
0x3: {  	s17 =	simm.s32 $0xC00;
	s18 =	simm.s32 $0xD00;
	s19 =	simm.s32 $0xE00  }
0x4: {  	s20 =	simm.s32 $0x1F00;
	s21 =	simm.s32 $0x0;
	s2 =	sshll.u32 s0, $0x1  }
0x5: {  	s10 =	sand.u32 $0x1, s1;
	s1 =	rddreg [dreg:$0x1];
	s4 =	sshrl.u32 s0, $0x1  }
0x6: {  	s13 =	sand.u32 $0x1, s0;
	s2 =	sand.u32 $0x2, s2;
	s6 =	sshll.u32 s4, $0xE  }
0x7: {  	s4 =	sshll.u32 s4, $0x4;
	s29 =	ssub.s32 $0x2, s10;
	s13 =	sshll.u32 s13, $0xD  }
0x8: {  	s14 =	sshll.u32 s10, $0xC;
	s5 =	sor.u32 s10, s2;
	s2 =	simm.s32 $0x0  }
0x9: {  	s8 =	sadd.s32 s4, s3;
	s31 =	sshrl.u32 s29, $0x1;
	s5 =	sshll.u32 s5, $0xC  }
0xa: {  	[smem:$0x7FF] =	sst s2;
	s12 =	ssub.s32 s29, s31;
	s5 =	sor.u32 s6, s5  }
0xb: {  	s4 =	sadd.s32 $0x5000, s8;
	s7 =	sadd.s32 $0x5A00, s8;
	s6 =	smul.u32 $0x3, s5  }
0xc: {  	_ =	strace $0x8000004D;
	s28 =	sshrl.u32 s5, $0x3;
	s5 =	sadd.s32 $0x5400, s8  }
0xd: {  	v0 =	vlaneseq.u32;
	s9 =	sadd.s32 s28, s3;
	s30 =	sshrl.u32 s6, $0x3;
	s6 =	sadd.s32 $0x5800, s8  }
0xe: {  	v0 =	vmul.u32 $0x3, v0;
	s9 =	sadd.s32 $0x85E00, s9;
	s11 =	sadd.s32 s30, s3;
	s3 =	sadd.s32 $0x4C00, s8  }
0xf: {  	s8 =	sadd.s32 $0x5C00, s8;
	s10 =	sadd.s32 $0x89E00, s11;
	s11 =	smax.u32 s12, $0x1  }
0x10: {  	v1 =	vadd.s32 $0x1, v0;
	v2 =	vadd.s32 $0x2, v0;
	s12 =	sor.u32 s14, s13;
	s13 =	simm.s32 $0x80;
	s14 =	simm.s32 $0x400  }
.LBB2_1:
0x11: {  	[tilespmem:s2], [sflag:$0x1] =	stream.strided.gather [hbm4b:s3+s13], $0x400, s14, s13, $0x38;
	[tilespmem:$0x4F00] =	vst v63  }
0x12: {  	_ =	swait.ge [sflag:s15], $0x400  }
0x13: {  	[sflag:s15] =	ssyncset.done $0x0  }
0x14: {  	[sflag:s15] =	ssyncadd.s32 $0xFFFFFC00  }
0x15: {  	[tilespmem:s14], [sflag:$0x1] =	stream.strided.gather [hbm4b:s4+s13], $0x400, s14, s13, $0x38;
	[tilespmem:$0x4F00] =	vst v63  }
0x16: {  	_ =	swait.ge [sflag:s15], $0x400  }
0x17: {  	[sflag:s15] =	ssyncset.done $0x0  }
0x18: {  	[sflag:s15] =	ssyncadd.s32 $0xFFFFFC00  }
0x19: {  	[tilespmem:s16], [sflag:$0x1] =	stream.strided.gather [hbm4b:s5+s13], $0x400, s14, s13, $0x38;
	[tilespmem:$0x4F00] =	vst v63  }
0x1a: {  	_ =	swait.ge [sflag:s15], $0x400  }
0x1b: {  	[sflag:s15] =	ssyncset.done $0x0  }
0x1c: {  	[sflag:s15] =	ssyncadd.s32 $0xFFFFFC00  }
0x1d: {  	[tilespmem:s17], [sflag:$0x1] =	stream.strided.gather [hbm4b:s6+s13], $0x100, s14, s13, $0x38;
	[tilespmem:$0x4F00] =	vst v63  }
0x1e: {  	_ =	swait.ge [sflag:s15], $0x100  }
0x1f: {  	[sflag:s15] =	ssyncset.done $0x0  }
0x20: {  	[sflag:s15] =	ssyncadd.s32 $0xFFFFFF00  }
0x21: {  	[tilespmem:s18], [sflag:$0x1] =	stream.strided.gather [hbm4b:s7+s13], $0x100, s14, s13, $0x38;
	[tilespmem:$0x4F00] =	vst v63  }
0x22: {  	_ =	swait.ge [sflag:s15], $0x100  }
0x23: {  	[sflag:s15] =	ssyncset.done $0x0  }
0x24: {  	[sflag:s15] =	ssyncadd.s32 $0xFFFFFF00  }
0x25: {  	[tilespmem:s19], [sflag:$0x1] =	stream.strided.gather [hbm4b:s8+s13], $0x100, s14, s13, $0x38;
	[tilespmem:$0x4F00] =	vst v63  }
0x26: {  	_ =	swait.ge [sflag:s15], $0x100  }
0x27: {  	[sflag:s15] =	ssyncset.done $0x0  }
0x28: {  	s22 =	simm.s32 $0xF00;
	[sflag:s15] =	ssyncadd.s32 $0xFFFFFF00  }
0x29: {  	[tilespmem:s22], [sflag:$0x1] =	stream.linear.gather [hbm4b:s9+s2], $0x1000, $0x38;
	[tilespmem:$0x4F00] =	vst v63  }
0x2a: {  	_ =	swait.ge [sflag:s15], $0x1000  }
0x2b: {  	s23 =	sadd.s32 $0x0, s12;
	[sflag:s15] =	ssyncset.done $0x0  }
0x2c: {  	v3 =	vmov s23;
	[sflag:s15] =	ssyncadd.s32 $0xFFFFF000  }
0x2d: {  	v3 =	vshrl.u32 v3, $0x6;
	v4 =	vld [tilespmem:s22+$0x0]  }
0x2e: {  	v5 =	vbroadcast v3, $0x0;
	_ =	sdelay $0x3  }
0x2f: {  	v3 =	vmov s2  }
0x30: {  	v3 =	vmul.u32 $0x3, v3  }
0x31: {  	v6 =	vld.idx.msk [tilespmem:v5+s17+$0x0], $0xffff  }
0x32: {  	v8 =	vbroadcast v3, $0x0;
	v7 =	vld.idx.msk [tilespmem:v4+s2+$0x0], $0xffff;
	_ =	sdelay $0x1  }
0x33: {  	v3 =	vadd.s32 v0, v8;
	_ =	sdelay $0x2  }
0x34: {  	v6 =	vsub.f32 v7, v6;
	_ =	sdelay $0x1  }
0x35: {  	[tilespmem:v3+s20+$0x0] =	vst.idx.msk $0xffff, v6  }
0x36: {  	v3 =	vld.idx.msk [tilespmem:v4+s14+$0x0], $0xffff  }
0x37: {  	v6 =	vld.idx.msk [tilespmem:v5+s18+$0x0], $0xffff;
	_ =	sdelay $0x1  }
0x38: {  	v7 =	vadd.s32 v1, v8;
	_ =	sdelay $0x2  }
0x39: {  	v3 =	vsub.f32 v3, v6;
	_ =	sdelay $0x1  }
0x3a: {  	[tilespmem:v7+s20+$0x0] =	vst.idx.msk $0xffff, v3  }
0x3b: {  	v3 =	vld.idx.msk [tilespmem:v4+s16+$0x0], $0xffff  }
0x3c: {  	s23 =	simm.s32 $0x10;
	v5 =	vld.idx.msk [tilespmem:v5+s19+$0x0], $0xffff;
	v4 =	vadd.s32 v2, v8  }
.LBB2_2:
0x3d: {  	_ =	sdelay $0x1  }
0x3e: {  	p0 =	sne.s32 s23, $0xFF0  }
0x3f: {  	s22 =	sadd.s32 $0x10, s22;
	s24 =	smov.u32 s23;
	s23 =	sadd.s32 $0x10, s23  }
0x40: {  	v3 =	vsub.f32 v3, v5  }
0x41: {  	s25 =	sadd.s32 s24, s12  }
0x42: {  	v5 =	vmov s25;
	[tilespmem:v4+s20+$0x0] =	vst.idx.msk $0xffff, v3  }
0x43: {  	v4 =	vshrl.u32 v5, $0x6;
	v3 =	vld [tilespmem:s22+$0x0]  }
0x44: {  	v4 =	vbroadcast v4, $0x0;
	_ =	sdelay $0x4  }
0x45: {  	v5 =	vmov s24  }
0x46: {  	v5 =	vmul.u32 $0x3, v5;
	v6 =	vld.idx.msk [tilespmem:v4+s17+$0x0], $0xffff  }
0x47: {  	v7 =	vld.idx.msk [tilespmem:v3+s2+$0x0], $0xffff  }
0x48: {  	v8 =	vbroadcast v5, $0x0;
	_ =	sdelay $0x1  }
0x49: {  	v5 =	vadd.s32 v0, v8;
	_ =	sdelay $0x2  }
0x4a: {  	v6 =	vsub.f32 v7, v6;
	_ =	sdelay $0x1  }
0x4b: {  	[tilespmem:v5+s20+$0x0] =	vst.idx.msk $0xffff, v6  }
0x4c: {  	v5 =	vld.idx.msk [tilespmem:v3+s14+$0x0], $0xffff  }
0x4d: {  	v6 =	vld.idx.msk [tilespmem:v4+s18+$0x0], $0xffff;
	_ =	sdelay $0x2  }
0x4e: {  	v7 =	vadd.s32 v1, v8;
	_ =	sdelay $0x2  }
.Ltmp0:
0x4f: {  	v5 =	vsub.f32 v5, v6;
	(pc) =	sbr.rel @p0 .LBB2_2-.Ltmp0, $4  }
0x50: {  	_ = 	snop  }
0x51: {  	[tilespmem:v7+s20+$0x0] =	vst.idx.msk $0xffff, v5  }
0x52: {  	v3 =	vld.idx.msk [tilespmem:v3+s16+$0x0], $0xffff  }
0x53: {  	v5 =	vld.idx.msk [tilespmem:v4+s19+$0x0], $0xffff;
	v4 =	vadd.s32 v2, v8  }
0x54: {  	_ =	sdelay $0x3  }
0x55: {  	s21 =	sadd.s32 $0x1, s21;
	v3 =	vsub.f32 v3, v5  }
0x56: {  	p0 =	sne.s32 s21, s11  }
.Ltmp1:
0x57: {  	[tilespmem:v4+s20+$0x0] =	vst.idx.msk $0xffff, v3;
	(pc) =	sbr.rel @p0 .LBB2_1-.Ltmp1, $4  }
0x58: {  	[hbm4b:s10+s2] =	stream.linear.scatter [tilespmem:s20], [sflag:$0x1], $0x3000, $0x38;
	[tilespmem:$0x4F00] =	vst v63  }
0x59: {  	_ =	swait.ge [sflag:s15], $0x3000  }
0x5a: {  	[sflag:s15] =	ssyncset.done $0x0  }
0x5b: {  	[sflag:s15] =	ssyncadd.s32 $0xFFFFD000  }
0x5c: {  	_ =	sfence.sel $0x180000  }
0x5d: {  	[bflag:$0x0] =	sbarrier.arrive $0xFFFF  }
0x5e: {  	p0 =	sne.s32 s0, $0x0;
	_ =	strace $0x9000004D  }
0x5f: {  	s0 =	sadd.s32 @!p0 $0x100000, s1;
	[bflag:$0x2] =	sbarrier.arrive $0xFFFF  }
0x60: {  	[sflag:s0] =	ssyncadd.tile.s32 @!p0 $0x1;
	_ =	shalt  }
.Lfunc_end2:
_tile_overlayer_lowered:
.L_overlay_start_2:
0x61: {  	(tag) =	ssettag $0x2  }
0x62: {  	s0 =	rddreg [dreg:$0x0];
	s2 =	stileid.u32  }
0x63: {  	s1 =	rddreg [dreg:$0x1];
	p0 =	sne.s32 s2, $0x0  }
0x64: {  	s3 =	rddreg [dreg:$0x2];
	[bflag:$0x3] =	sbarrier.arrive $0xFFFF;
	s2 =	simm.s32 @!p0 $0x1C01  }
0x65: {  	[timem:s3], [sflag:s2] =	dma.local @!p0 [hbm:s0], s1  }
0x66: {  	s0 =	simm.s32 @!p0 $0x1  }
0x67: {  	_ =	swait.ge @!p0 [sflag:s0], s1  }
0x68: {  	s1 =	ssub.s32 @!p0 $0x0, s1;
	[sflag:s0] =	ssyncset.done @!p0 $0x0  }
0x69: {  	[sflag:s0] =	ssyncadd.s32 @!p0 s1  }
0x6a: {  	[bflag:$0x3] =	sbarrier.arrive $0xFFFF  }
0x6b: {  	_ =	shalt  }

// kernel: kernel.15.cloned.1.call-start
scs
__scs_entry_jumppad:
0x0: {  	(pc) =	sbr.rel $0x88, $3  }
0x1: {  	(tag) =	ssettag $0x0;
	lr =	simm.s32 $0x1  }
0x2: {  	[smem:$0x3F88] =	sst lr;
	_ =	strace $0xD0000000  }
0x3: {  	_ = 	snop  }
0x4: {  	_ = 	snop  }
0x5: {  	_ = 	snop  }
0x6: {  	_ = 	snop  }
0x7: {  	_ = 	snop  }
__scs_overlays_trampoline_lowered:
0x8: {  	[smem:$0x3F97] =	sst s0  }
0x9: {  	[smem:$0x3F98] =	sst s1  }
0xa: {  	[smem:$0x3F99] =	sst s2  }
0xb: {  	[smem:$0x3F9A] =	sst s3  }
0xc: {  	[smem:$0x3F9B] =	sst s4  }
0xd: {  	[smem:$0x3F9C] =	sst s5  }
0xe: {  	[smem:$0x3F9D] =	sst s6  }
0xf: {  	[smem:$0x3F9E] =	sst s7  }
0x10: {  	[smem:$0x3F9F] =	sst s8  }
0x11: {  	[smem:$0x3FA0] =	sst s9;
	s0 =	simm.s32 @!p0 $0x0  }
0x12: {  	s1 =	sld [smem:$0x3F86];
	s0 =	simm.s32 @p0 $0x1  }
0x13: {  	[smem:$0x3FA1] =	sst s0;
	s0 =	simm.s32 @!p1 $0x0  }
0x14: {  	s2 =	sld [smem:$0x3F85];
	s0 =	simm.s32 @p1 $0x1  }
0x15: {  	[smem:$0x3FA2] =	sst s0;
	s0 =	simm.s32 @!p2 $0x0  }
0x16: {  	s3 =	sld [smem:$0x3FDB];
	s0 =	simm.s32 @p2 $0x1  }
0x17: {  	s4 =	simm.s32 $0x1BF5;
	[smem:$0x3FA4] =	sst s0  }
0x18: {  	s0 =	sld [smem:$0x3F87];
	_ =	swait.ge [sflag:s4], $0x0  }
0x19: {  	s7 =	sld [smem:$0x3F88]  }
0x1a: {  	s8 =	sadd.s32 $0xFFFFE003, lr  }
0x1b: {  	s9 =	sadd.s32 $0xFFFFFEF7, lr;
	s5 =	simm.s32 $0xFFFFFFFF;
	p2 =	slt.u32 s8, $0xFFFFF086  }
0x1c: {  	p1 =	slt.u32 s9, $0xF7A;
	s5 =	simm.s32 @!p2 $0x0  }
0x1d: {  	s5 =	simm.s32 @p1 $0x1;
	p0 =	seq.s32 s7, s2  }
0x1e: {  	s7 =	smul.u32 @!p0 $0xF7A, s2;
	p2 =	seq.s32 @!p0 s5, $0x0  }
0x1f: {  	s9 =	smul.u32 $0xF7A, s1;
	s8 =	simm.s32 @!p0 $0x1BF5;
	p2 =	por !p2, p0  }
0x20: {  	[sflag:s8] =	ssyncset.s32 @!p0 $0xFFFFF086;
	s6 =	sadd.s32 @!p0 s3, s7;
	s7 =	simm.s32 @!p0 $0x108  }
0x21: {  	s3 =	sadd.s32 s3, s9;
	s6 =	sadd.s32 @!p0 $0x88, s6;
	s7 =	simm.s32 @p2 $0x1082  }
0x22: {  	[simem:s7], [sflag:s8] =	dma.local @!p0 [hbm:s6], $0xF7A  }
0x23: {  	s9 =	sor.u32 $0xD0000000, s2;
	s6 =	simm.s32 $0x108;
	_ =	swait.ge @!p0 [sflag:s8], $0x0  }
0x24: {  	s3 =	sadd.s32 $0x88, s3;
	s6 =	simm.s32 @!p1 $0x1082;
	[sflag:s4] =	ssyncset.s32 $0xFFFFF086  }
0x25: {  	[simem:s6], [sflag:s4] =	dma.local [hbm:s3], $0xF7A  }
0x26: {  	[smem:$0x3F88] =	sst s1;
	(tag) =	ssettag s2;
	_ =	strace s9  }
0x27: {  	s1 =	sld [smem:$0x3F98]  }
0x28: {  	s2 =	sld [smem:$0x3F99]  }
0x29: {  	s4 =	sld [smem:$0x3F9B]  }
0x2a: {  	p0 =	seq.s32 s5, $0x0;
	s5 =	sld [smem:$0x3F9C]  }
0x2b: {  	s6 =	sld [smem:$0x3F9D]  }
0x2c: {  	s7 =	sld [smem:$0x3F9E]  }
0x2d: {  	s3 =	simm.s32 $0x108;
	s8 =	sld [smem:$0x3F9F]  }
0x2e: {  	s3 =	simm.s32 @!p0 $0x1082;
	s9 =	sld [smem:$0x3FA0]  }
0x2f: {  	lr =	sadd.s32 s0, s3;
	s0 =	sld [smem:$0x3F97]  }
0x30: {  	s3 =	sld [smem:$0x3F9A]  }
0x31: {  	[smem:$0x3FA3] =	sst s10  }
0x32: {  	s10 =	sld [smem:$0x3FA1];
	_ =	sdelay $0x3  }
0x33: {  	p0 =	seq.s32 s10, $0x1;
	s10 =	sld [smem:$0x3FA3];
	_ =	sdelay $0x3  }
0x34: {  	[smem:$0x3FA3] =	sst s10  }
0x35: {  	s10 =	sld [smem:$0x3FA2];
	_ =	sdelay $0x3  }
0x36: {  	p1 =	seq.s32 s10, $0x1;
	s10 =	sld [smem:$0x3FA3];
	_ =	sdelay $0x3  }
0x37: {  	[smem:$0x3FA3] =	sst s10  }
0x38: {  	s10 =	sld [smem:$0x3FA4]  }
0x39: {  	_ = 	snop;
	(pc) =	sbr.ind lr, $3  }
0x3a: {  	_ = 	snop  }
0x3b: {  	_ = 	snop  }
0x3c: {  	p2 =	seq.s32 s10, $0x1;
	s10 =	sld [smem:$0x3FA3]  }
0x3d: {  	_ =	shalt  }
0x3e: {  	_ =	shalt  }
0x3f: {  	_ =	shalt  }
0x40: {  	_ =	shalt  }
0x41: {  	_ =	shalt  }
0x42: {  	_ =	shalt  }
0x43: {  	_ =	shalt  }
0x44: {  	_ =	shalt  }
0x45: {  	_ =	shalt  }
0x46: {  	_ =	shalt  }
0x47: {  	_ =	shalt  }
0x48: {  	_ =	shalt  }
0x49: {  	_ =	shalt  }
0x4a: {  	_ =	shalt  }
0x4b: {  	_ =	shalt  }
0x4c: {  	_ =	shalt  }
0x4d: {  	_ =	shalt  }
0x4e: {  	_ =	shalt  }
0x4f: {  	_ =	shalt  }
0x50: {  	_ =	shalt  }
0x51: {  	_ =	shalt  }
0x52: {  	_ =	shalt  }
0x53: {  	_ =	shalt  }
0x54: {  	_ =	shalt  }
0x55: {  	_ =	shalt  }
0x56: {  	_ =	shalt  }
0x57: {  	_ =	shalt  }
0x58: {  	_ =	shalt  }
0x59: {  	_ =	shalt  }
0x5a: {  	_ =	shalt  }
0x5b: {  	_ =	shalt  }
0x5c: {  	_ =	shalt  }
0x5d: {  	_ =	shalt  }
0x5e: {  	_ =	shalt  }
0x5f: {  	_ =	shalt  }
0x60: {  	_ =	shalt  }
0x61: {  	_ =	shalt  }
0x62: {  	_ =	shalt  }
0x63: {  	_ =	shalt  }
0x64: {  	_ =	shalt  }
0x65: {  	_ =	shalt  }
0x66: {  	_ =	shalt  }
0x67: {  	_ =	shalt  }
0x68: {  	_ =	shalt  }
0x69: {  	_ =	shalt  }
0x6a: {  	_ =	shalt  }
0x6b: {  	_ =	shalt  }
0x6c: {  	_ =	shalt  }
0x6d: {  	_ =	shalt  }
0x6e: {  	_ =	shalt  }
0x6f: {  	_ =	shalt  }
0x70: {  	_ =	shalt  }
0x71: {  	_ =	shalt  }
0x72: {  	_ =	shalt  }
0x73: {  	_ =	shalt  }
0x74: {  	_ =	shalt  }
0x75: {  	_ =	shalt  }
0x76: {  	_ =	shalt  }
0x77: {  	_ =	shalt  }
0x78: {  	_ =	shalt  }
0x79: {  	_ =	shalt  }
0x7a: {  	_ =	shalt  }
0x7b: {  	_ =	shalt  }
0x7c: {  	_ =	shalt  }
0x7d: {  	_ =	shalt  }
0x7e: {  	_ =	shalt  }
0x7f: {  	_ =	shalt  }
0x80: {  	_ =	shalt  }
0x81: {  	_ =	shalt  }
0x82: {  	_ =	shalt  }
0x83: {  	_ =	shalt  }
0x84: {  	_ =	shalt  }
0x85: {  	_ =	shalt  }
0x86: {  	_ =	shalt  }
0x87: {  	_ =	shalt  }
.Lfunc_end0:
.L_simem_size_0:
called_computation.3_lowered:
.L_overlay_start_0:
0x88: {  	s2 =	sld [smem:$0x3FD9]  }
0x89: {  	s3 =	sld [smem:$0x3FFE];
	_ =	sdelay $0x1  }
0x8a: {  	s1 =	srdreg.scid  }
0x8b: {  	s0 =	sand.u32 $0x1, s1  }
0x8c: {  	s17 =	sshll.u32 s0, $0xA;
	s2 =	sadd.s32 s3, s2  }
0x8d: {  	s2 =	sadd.s32 s2, s17  }
0x8e: {  	[smem:$0x3FAF] =	sst s2  }
0x8f: {  	_ = 	snop  }
0x90: {  	(tm) =	ssettm $0x1  }
0x91: {  	s18 =	sld [smem:$0x3FFB];
	_ =	sdelay $0x3  }
0x92: {  	_ =	strace s18  }
0x93: {  	s2 =	sld [smem:$0x3FFC];
	_ =	sdelay $0x3  }
0x94: {  	_ =	strace s2  }
0x95: {  	s2 =	sld [smem:$0x3FFD];
	_ =	sdelay $0x3  }
0x96: {  	_ =	strace s2  }
0x97: {  	_ =	strace $0x8FFFFFFF  }
0x98: {  	s19 =	sld [smem:$0x3FDB];
	_ =	sdelay $0x1  }
0x99: {  	s20 =	simm.s32 $_scs_section_size  }
0x9a: {  	s4 =	simm.s32 $_size__tile_overlayer_lowered;
	s5 =	simm.s32 $_tile_overlayer_lowered  }
0x9b: {  	s6 =	simm.s32 $0x1BFF;
	s21 =	sshll.u32 s5, $0x1;
	s3 =	sadd.s32 s20, s19  }
0x9c: {  	s22 =	simm.s32 $0x0;
	s4 =	sshll.u32 s4, $0x1;
	s5 =	sadd.s32 s21, s3  }
0x9d: {  	[timem:s22], [sflag:s6] =	dma.local [hbm:s5], s4  }
0x9e: {  	_ =	swait.ge [sflag:s6], s4  }
0x9f: {  	s4 =	ssub.s32 $0x0, s4;
	[sflag:s6] =	ssyncset.done $0x0  }
0xa0: {  	[sflag:s6] =	ssyncadd.s32 s4;
	_ =	sdelay $0x1  }
0xa1: {  	s23 =	simm.s32 $0x1B8B  }
0xa2: {  	_ =	swait.ge [sflag:s23], $0x1  }
0xa3: {  	[sflag:s23] =	ssyncset.done $0x0  }
0xa4: {  	[sflag:s23] =	ssyncadd.s32 $0xFFFFFFFF  }
0xa5: {  	s4 =	sld [smem:$0x0]  }
0xa6: {  	s5 =	sand.u32 $0xFFFFFFFE, s1  }
0xa7: {  	p0 =	sne.s32 s1, s5  }
0xa8: {  	s5 =	sshll.u32 @p0 s5, $0xE  }
0xa9: {  	s5 =	sadd.s32 @p0 $0x11B8D, s5;
	s6 =	sshll.u32 @p0 s4, $0x11  }
0xaa: {  	s5 =	sor.u32 @p0 s6, s5  }
0xab: {  	[sflag:s5] =	ssyncadd.remote.s32 @p0 $0x1;
	_ =	sdelay $0x1  }
0xac: {  	s5 =	simm.s32 @p0 $0x1B8D  }
0xad: {  	_ =	swait.eq @p0 [sflag:s5], $0x1  }
0xae: {  	[sflag:s5] =	ssyncadd.s32 @p0 $0xFFFFFFFF  }
0xaf: {  	s6 =	sshll.u32 @!p0 s1, $0xE  }
0xb0: {  	s6 =	sor.u32 @!p0 $0x4000, s6;
	s5 =	simm.s32 @!p0 $0x1B8D  }
0xb1: {  	s4 =	sshll.u32 @!p0 s4, $0x11;
	s6 =	sadd.s32 @!p0 $0x11B8D, s6;
	_ =	swait.eq @!p0 [sflag:s5], $0x1  }
0xb2: {  	s4 =	sor.u32 @!p0 s4, s6;
	[sflag:s5] =	ssyncadd.s32 @!p0 $0xFFFFFFFF  }
0xb3: {  	s25 =	simm.s32 $0x1B8E;
	s24 =	sld [smem:$0x3FFE];
	[sflag:s4] =	ssyncadd.remote.s32 @!p0 $0x1  }
0xb4: {  	s26 =	simm.s32 $execute0_lowered;
	[smem:$0x3FD2] =	sst s25  }
0xb5: {  	s5 =	sshll.u32 s26, $0x1;
	_ =	strace $0x8000004F;
	[dreg:$0x1] =	wrdreg $0xFFFFFFFF  }
0xb6: {  	s28 =	simm.s32 $_size_execute0_lowered;
	s3 =	sadd.s32 s3, s5;
	[dreg:$0x0] =	wrdreg $0x0  }
0xb7: {  	s5 =	sshll.u32 s28, $0x1;
	[dreg:$0x2] =	wrdreg s3  }
0xb8: {  	[dreg:$0x3] =	wrdreg s5  }
0xb9: {  	[dreg:$0x4] =	wrdreg $0xC0  }
0xba: {  	_ =	task [dreg:s22], $0x5FFFF  }
0xbb: {  	[dreg:$0x1] =	wrdreg $0xFFFFFFFF  }
0xbc: {  	[dreg:$0x0] =	wrdreg $0x60  }
0xbd: {  	[dreg:$0x2] =	wrdreg s24  }
0xbe: {  	[dreg:$0x3] =	wrdreg $0xA  }
0xbf: {  	_ =	task.clear_ibuf [dreg:s22], $0x4FFFF;
	_ =	strace $0x9000004F  }
0xc0: {  	s29 =	simm.s32 $0xA;
	_ =	strace $0x80000051  }
0xc1: {  	_ =	swait.ge [sflag:s29], $0x1  }
0xc2: {  	[sflag:s29] =	ssyncadd.s32 $0xFFFFFFFF  }
0xc3: {  	_ =	strace $0x90000051  }
0xc4: {  	_ =	sfence  }
0xc5: {  	s30 =	sld [smem:$0x0];
	_ =	sdelay $0x2  }
0xc6: {  	s31 =	sshll.u32 s1, $0xD;
	s1 =	sshrl.u32 s1, $0x2  }
0xc7: {  	s4 =	sand.u32 $0x4000, s31;
	s1 =	sadd.s32 s1, s30  }
0xc8: {  	s0 =	sor.u32 s4, s0;
	s1 =	sshll.u32 s1, $0x11  }
0xc9: {  	s0 =	sor.u32 s1, s0  }
0xca: {  	s0 =	sadd.s32 $0x8F2B, s0  }
0xcb: {  	[sflag:s0] =	ssyncadd.remote.s32 $0x1  }
0xcc: {  	_ =	sfence.sel $0xFFFF  }
0xcd: {  	[dreg:$0x0] =	wrdreg $0xFFFFFFFF;
	(pc) =	sbr.abs _section_cstart, $3  }
0xce: {  	[dreg:$0x1] =	wrdreg $0xFFFFFFFF  }
0xcf: {  	_ =	task.clear_ibuf [dreg:s22], $0x2FFFF;
	_ =	strace $0x9FFFFFFF  }
0xd0: {  	(tm) =	ssettm $0x7FFFFFFF  }
0xd1: {  	_ =	shalt  }
tec
execute0_lowered:
.L_overlay_start_1:
0x0: {  	(tag) =	ssettag $0x1  }
0x1: {  	s4 =	rddreg [dreg:$0x0]  }
0x2: {  	s0 =	rddreg [dreg:$0x1];
	s2 =	simm.s32 $0x0;
	s3 =	srdreg.scid  }
0x3: {  	s1 =	stileid.u32;
	s10 =	simm.s32 $0x0;
	[smem:$0x7FF] =	sst s2  }
0x4: {  	s5 =	sand.u32 $0x1, s3;
	s6 =	sshll.u32 s1, $0xD;
	s3 =	sadd.s32 $0x5E00, s4  }
0x5: {  	s8 =	sshll.u32 s1, $0x11;
	_ =	strace $0x80000050;
	s7 =	sshll.u32 s5, $0xC  }
0x6: {  	s31 =	ssub.s32 $0x2, s5;
	s8 =	sadd.s32 s8, s4;
	s5 =	sshll.u32 s5, $0x10  }
0x7: {  	s6 =	sor.u32 s7, s6;
	s9 =	sshrl.u32 s31, $0x1;
	s5 =	sadd.s32 s5, s8  }
0x8: {  	s8 =	simm.s32 $0x200;
	s6 =	sshrl.u32 s6, $0x3;
	s7 =	ssub.s32 s31, s9  }
0x9: {  	s5 =	sadd.s32 $0x99E00, s5;
	s9 =	simm.s32 $0x1;
	s6 =	sadd.s32 s6, s4  }
0xa: {  	s4 =	smax.u32 s7, $0x1;
	s7 =	simm.s32 $0x2;
	s6 =	sadd.s32 $0x95E00, s6  }
.LBB2_1:
0xb: {  	s11 =	sadd.s32 $0x0, s6  }
0xc: {  	[tilespmem:s2], [sflag:$0x2] =	stream.linear.gather [hbm4b:s11+s2], $0x200, $0x38;
	[tilespmem:$0x10200] =	vst v63  }
0xd: {  	_ =	swait.ge [sflag:s7], $0x200  }
0xe: {  	[sflag:s7] =	ssyncset.done $0x0  }
0xf: {  	[sflag:s7] =	ssyncadd.s32 $0xFFFFFE00  }
0x10: {  	[tilespmem:s8], [sflag:$0x1] =	stream.indirect.gather [hbm4b:s3+s8], $0x80, s2, s8, $0xb8;
	[tilespmem:$0x10200] =	vst v63  }
0x11: {  	_ =	swait.ge [sflag:s9], $0x10000  }
0x12: {  	[sflag:s9] =	ssyncset.done $0x0  }
0x13: {  	[sflag:s9] =	ssyncadd.s32 $0xFFFF0000  }
0x14: {  	[hbm4b:s5+s2] =	stream.linear.scatter [tilespmem:s8], [sflag:$0x2], $0x10000, $0x38;
	[tilespmem:$0x10200] =	vst v63  }
0x15: {  	s12 =	simm.s32 $0x40;
	_ =	swait.ge [sflag:s7], $0x10000  }
0x16: {  	s13 =	simm.s32 $0x80;
	s11 =	sadd.s32 $0x2000, s5;
	[sflag:s7] =	ssyncset.done $0x0  }
.LBB2_2:
0x17: {  	s14 =	sadd.s32 s12, s6  }
0x18: {  	[sflag:s7] =	ssyncadd.s32 $0xFFFF0000;
	s12 =	smov.u32 s13;
	s15 =	sadd.s32 $0x40, s13  }
0x19: {  	[tilespmem:s2], [sflag:$0x2] =	stream.linear.gather [hbm4b:s14+s2], $0x200, $0x38;
	[tilespmem:$0x10200] =	vst v63  }
0x1a: {  	p0 =	sne.s32 s13, $0x1C0;
	_ =	swait.ge [sflag:s7], $0x200  }
0x1b: {  	[sflag:s7] =	ssyncset.done $0x0  }
0x1c: {  	[sflag:s7] =	ssyncadd.s32 $0xFFFFFE00  }
0x1d: {  	[tilespmem:s8], [sflag:$0x1] =	stream.indirect.gather [hbm4b:s3+s8], $0x80, s2, s8, $0xb8;
	[tilespmem:$0x10200] =	vst v63  }
0x1e: {  	_ =	swait.ge [sflag:s9], $0x10000  }
.Ltmp0:
0x1f: {  	[sflag:s9] =	ssyncset.done $0x0;
	(pc) =	sbr.rel @p0 .LBB2_2-.Ltmp0, $4  }
0x20: {  	[sflag:s9] =	ssyncadd.s32 $0xFFFF0000  }
0x21: {  	[hbm4b:s11+s2] =	stream.linear.scatter [tilespmem:s8], [sflag:$0x2], $0x10000, $0x38;
	[tilespmem:$0x10200] =	vst v63  }
0x22: {  	_ =	swait.ge [sflag:s7], $0x10000  }
0x23: {  	s13 =	smov.u32 s15;
	s11 =	sadd.s32 $0x2000, s11;
	[sflag:s7] =	ssyncset.done $0x0  }
0x24: {  	s12 =	sadd.s32 s12, s6;
	[sflag:s7] =	ssyncadd.s32 $0xFFFF0000  }
0x25: {  	[tilespmem:s2], [sflag:$0x2] =	stream.linear.gather [hbm4b:s12+s2], $0x200, $0x38;
	[tilespmem:$0x10200] =	vst v63  }
0x26: {  	_ =	swait.ge [sflag:s7], $0x200  }
0x27: {  	[sflag:s7] =	ssyncset.done $0x0  }
0x28: {  	[sflag:s7] =	ssyncadd.s32 $0xFFFFFE00  }
0x29: {  	[tilespmem:s8], [sflag:$0x1] =	stream.indirect.gather [hbm4b:s3+s8], $0x80, s2, s8, $0xb8;
	[tilespmem:$0x10200] =	vst v63  }
0x2a: {  	s10 =	sadd.s32 $0x1, s10;
	_ =	swait.ge [sflag:s9], $0x10000  }
0x2b: {  	p0 =	sne.s32 s10, s4;
	[sflag:s9] =	ssyncset.done $0x0  }
.Ltmp1:
0x2c: {  	[sflag:s9] =	ssyncadd.s32 $0xFFFF0000;
	(pc) =	sbr.rel @p0 .LBB2_1-.Ltmp1, $4  }
0x2d: {  	[hbm4b:s11+s2] =	stream.linear.scatter [tilespmem:s8], [sflag:$0x2], $0x10000, $0x38;
	[tilespmem:$0x10200] =	vst v63  }
0x2e: {  	_ =	swait.ge [sflag:s7], $0x10000  }
0x2f: {  	[sflag:s7] =	ssyncset.done $0x0  }
0x30: {  	[sflag:s7] =	ssyncadd.s32 $0xFFFF0000  }
0x31: {  	_ =	sfence.sel $0x180000  }
0x32: {  	[bflag:$0x0] =	sbarrier.arrive $0xFFFF  }
0x33: {  	p0 =	sne.s32 s1, $0x0;
	_ =	strace $0x90000050  }
0x34: {  	s0 =	sadd.s32 @!p0 $0x100000, s0;
	[bflag:$0x2] =	sbarrier.arrive $0xFFFF  }
0x35: {  	[sflag:s0] =	ssyncadd.tile.s32 @!p0 $0x1;
	_ =	shalt  }
.Lfunc_end2:
_tile_overlayer_lowered:
.L_overlay_start_2:
0x36: {  	(tag) =	ssettag $0x2  }
0x37: {  	s0 =	rddreg [dreg:$0x0];
	s2 =	stileid.u32  }
0x38: {  	s1 =	rddreg [dreg:$0x1];
	p0 =	sne.s32 s2, $0x0  }
0x39: {  	s3 =	rddreg [dreg:$0x2];
	[bflag:$0x3] =	sbarrier.arrive $0xFFFF;
	s2 =	simm.s32 @!p0 $0x1C02  }
0x3a: {  	[timem:s3], [sflag:s2] =	dma.local @!p0 [hbm:s0], s1  }
0x3b: {  	s0 =	simm.s32 @!p0 $0x2  }
0x3c: {  	_ =	swait.ge @!p0 [sflag:s0], s1  }
0x3d: {  	s1 =	ssub.s32 @!p0 $0x0, s1;
	[sflag:s0] =	ssyncset.done @!p0 $0x0  }
0x3e: {  	[sflag:s0] =	ssyncadd.s32 @!p0 s1  }
0x3f: {  	[bflag:$0x3] =	sbarrier.arrive $0xFFFF  }
0x40: {  	_ =	shalt  }

// kernel: kernel.9.cloned.1.call-start
scs
__scs_entry_jumppad:
0x0: {  	(pc) =	sbr.rel $0x88, $3  }
0x1: {  	(tag) =	ssettag $0x0;
	lr =	simm.s32 $0x1  }
0x2: {  	[smem:$0x3F88] =	sst lr;
	_ =	strace $0xD0000000  }
0x3: {  	_ = 	snop  }
0x4: {  	_ = 	snop  }
0x5: {  	_ = 	snop  }
0x6: {  	_ = 	snop  }
0x7: {  	_ = 	snop  }
__scs_overlays_trampoline_lowered:
0x8: {  	[smem:$0x3F97] =	sst s0  }
0x9: {  	[smem:$0x3F98] =	sst s1  }
0xa: {  	[smem:$0x3F99] =	sst s2  }
0xb: {  	[smem:$0x3F9A] =	sst s3  }
0xc: {  	[smem:$0x3F9B] =	sst s4  }
0xd: {  	[smem:$0x3F9C] =	sst s5  }
0xe: {  	[smem:$0x3F9D] =	sst s6  }
0xf: {  	[smem:$0x3F9E] =	sst s7  }
0x10: {  	[smem:$0x3F9F] =	sst s8  }
0x11: {  	[smem:$0x3FA0] =	sst s9;
	s0 =	simm.s32 @!p0 $0x0  }
0x12: {  	s1 =	sld [smem:$0x3F86];
	s0 =	simm.s32 @p0 $0x1  }
0x13: {  	[smem:$0x3FA1] =	sst s0;
	s0 =	simm.s32 @!p1 $0x0  }
0x14: {  	s2 =	sld [smem:$0x3F85];
	s0 =	simm.s32 @p1 $0x1  }
0x15: {  	[smem:$0x3FA2] =	sst s0;
	s0 =	simm.s32 @!p2 $0x0  }
0x16: {  	s3 =	sld [smem:$0x3FDB];
	s0 =	simm.s32 @p2 $0x1  }
0x17: {  	s4 =	simm.s32 $0x1BF5;
	[smem:$0x3FA4] =	sst s0  }
0x18: {  	s0 =	sld [smem:$0x3F87];
	_ =	swait.ge [sflag:s4], $0x0  }
0x19: {  	s7 =	sld [smem:$0x3F88]  }
0x1a: {  	s8 =	sadd.s32 $0xFFFFE003, lr  }
0x1b: {  	s9 =	sadd.s32 $0xFFFFFEF7, lr;
	s5 =	simm.s32 $0xFFFFFFFF;
	p2 =	slt.u32 s8, $0xFFFFF086  }
0x1c: {  	p1 =	slt.u32 s9, $0xF7A;
	s5 =	simm.s32 @!p2 $0x0  }
0x1d: {  	s5 =	simm.s32 @p1 $0x1;
	p0 =	seq.s32 s7, s2  }
0x1e: {  	s7 =	smul.u32 @!p0 $0xF7A, s2;
	p2 =	seq.s32 @!p0 s5, $0x0  }
0x1f: {  	s9 =	smul.u32 $0xF7A, s1;
	s8 =	simm.s32 @!p0 $0x1BF5;
	p2 =	por !p2, p0  }
0x20: {  	[sflag:s8] =	ssyncset.s32 @!p0 $0xFFFFF086;
	s6 =	sadd.s32 @!p0 s3, s7;
	s7 =	simm.s32 @!p0 $0x108  }
0x21: {  	s3 =	sadd.s32 s3, s9;
	s6 =	sadd.s32 @!p0 $0x88, s6;
	s7 =	simm.s32 @p2 $0x1082  }
0x22: {  	[simem:s7], [sflag:s8] =	dma.local @!p0 [hbm:s6], $0xF7A  }
0x23: {  	s9 =	sor.u32 $0xD0000000, s2;
	s6 =	simm.s32 $0x108;
	_ =	swait.ge @!p0 [sflag:s8], $0x0  }
0x24: {  	s3 =	sadd.s32 $0x88, s3;
	s6 =	simm.s32 @!p1 $0x1082;
	[sflag:s4] =	ssyncset.s32 $0xFFFFF086  }
0x25: {  	[simem:s6], [sflag:s4] =	dma.local [hbm:s3], $0xF7A  }
0x26: {  	[smem:$0x3F88] =	sst s1;
	(tag) =	ssettag s2;
	_ =	strace s9  }
0x27: {  	s1 =	sld [smem:$0x3F98]  }
0x28: {  	s2 =	sld [smem:$0x3F99]  }
0x29: {  	s4 =	sld [smem:$0x3F9B]  }
0x2a: {  	p0 =	seq.s32 s5, $0x0;
	s5 =	sld [smem:$0x3F9C]  }
0x2b: {  	s6 =	sld [smem:$0x3F9D]  }
0x2c: {  	s7 =	sld [smem:$0x3F9E]  }
0x2d: {  	s3 =	simm.s32 $0x108;
	s8 =	sld [smem:$0x3F9F]  }
0x2e: {  	s3 =	simm.s32 @!p0 $0x1082;
	s9 =	sld [smem:$0x3FA0]  }
0x2f: {  	lr =	sadd.s32 s0, s3;
	s0 =	sld [smem:$0x3F97]  }
0x30: {  	s3 =	sld [smem:$0x3F9A]  }
0x31: {  	[smem:$0x3FA3] =	sst s10  }
0x32: {  	s10 =	sld [smem:$0x3FA1];
	_ =	sdelay $0x3  }
0x33: {  	p0 =	seq.s32 s10, $0x1;
	s10 =	sld [smem:$0x3FA3];
	_ =	sdelay $0x3  }
0x34: {  	[smem:$0x3FA3] =	sst s10  }
0x35: {  	s10 =	sld [smem:$0x3FA2];
	_ =	sdelay $0x3  }
0x36: {  	p1 =	seq.s32 s10, $0x1;
	s10 =	sld [smem:$0x3FA3];
	_ =	sdelay $0x3  }
0x37: {  	[smem:$0x3FA3] =	sst s10  }
0x38: {  	s10 =	sld [smem:$0x3FA4]  }
0x39: {  	_ = 	snop;
	(pc) =	sbr.ind lr, $3  }
0x3a: {  	_ = 	snop  }
0x3b: {  	_ = 	snop  }
0x3c: {  	p2 =	seq.s32 s10, $0x1;
	s10 =	sld [smem:$0x3FA3]  }
0x3d: {  	_ =	shalt  }
0x3e: {  	_ =	shalt  }
0x3f: {  	_ =	shalt  }
0x40: {  	_ =	shalt  }
0x41: {  	_ =	shalt  }
0x42: {  	_ =	shalt  }
0x43: {  	_ =	shalt  }
0x44: {  	_ =	shalt  }
0x45: {  	_ =	shalt  }
0x46: {  	_ =	shalt  }
0x47: {  	_ =	shalt  }
0x48: {  	_ =	shalt  }
0x49: {  	_ =	shalt  }
0x4a: {  	_ =	shalt  }
0x4b: {  	_ =	shalt  }
0x4c: {  	_ =	shalt  }
0x4d: {  	_ =	shalt  }
0x4e: {  	_ =	shalt  }
0x4f: {  	_ =	shalt  }
0x50: {  	_ =	shalt  }
0x51: {  	_ =	shalt  }
0x52: {  	_ =	shalt  }
0x53: {  	_ =	shalt  }
0x54: {  	_ =	shalt  }
0x55: {  	_ =	shalt  }
0x56: {  	_ =	shalt  }
0x57: {  	_ =	shalt  }
0x58: {  	_ =	shalt  }
0x59: {  	_ =	shalt  }
0x5a: {  	_ =	shalt  }
0x5b: {  	_ =	shalt  }
0x5c: {  	_ =	shalt  }
0x5d: {  	_ =	shalt  }
0x5e: {  	_ =	shalt  }
0x5f: {  	_ =	shalt  }
0x60: {  	_ =	shalt  }
0x61: {  	_ =	shalt  }
0x62: {  	_ =	shalt  }
0x63: {  	_ =	shalt  }
0x64: {  	_ =	shalt  }
0x65: {  	_ =	shalt  }
0x66: {  	_ =	shalt  }
0x67: {  	_ =	shalt  }
0x68: {  	_ =	shalt  }
0x69: {  	_ =	shalt  }
0x6a: {  	_ =	shalt  }
0x6b: {  	_ =	shalt  }
0x6c: {  	_ =	shalt  }
0x6d: {  	_ =	shalt  }
0x6e: {  	_ =	shalt  }
0x6f: {  	_ =	shalt  }
0x70: {  	_ =	shalt  }
0x71: {  	_ =	shalt  }
0x72: {  	_ =	shalt  }
0x73: {  	_ =	shalt  }
0x74: {  	_ =	shalt  }
0x75: {  	_ =	shalt  }
0x76: {  	_ =	shalt  }
0x77: {  	_ =	shalt  }
0x78: {  	_ =	shalt  }
0x79: {  	_ =	shalt  }
0x7a: {  	_ =	shalt  }
0x7b: {  	_ =	shalt  }
0x7c: {  	_ =	shalt  }
0x7d: {  	_ =	shalt  }
0x7e: {  	_ =	shalt  }
0x7f: {  	_ =	shalt  }
0x80: {  	_ =	shalt  }
0x81: {  	_ =	shalt  }
0x82: {  	_ =	shalt  }
0x83: {  	_ =	shalt  }
0x84: {  	_ =	shalt  }
0x85: {  	_ =	shalt  }
0x86: {  	_ =	shalt  }
0x87: {  	_ =	shalt  }
.Lfunc_end0:
.L_simem_size_0:
called_computation.1_lowered:
.L_overlay_start_0:
0x88: {  	s2 =	sld [smem:$0x3FD9]  }
0x89: {  	s3 =	sld [smem:$0x3FFE];
	_ =	sdelay $0x1  }
0x8a: {  	s1 =	srdreg.scid  }
0x8b: {  	s0 =	sand.u32 $0x1, s1  }
0x8c: {  	s16 =	sshll.u32 s0, $0xA;
	s2 =	sadd.s32 s3, s2  }
0x8d: {  	s2 =	sadd.s32 s2, s16  }
0x8e: {  	[smem:$0x3FAF] =	sst s2  }
0x8f: {  	_ = 	snop  }
0x90: {  	(tm) =	ssettm $0x1  }
0x91: {  	s17 =	sld [smem:$0x3FFB];
	_ =	sdelay $0x3  }
0x92: {  	_ =	strace s17  }
0x93: {  	s2 =	sld [smem:$0x3FFC];
	_ =	sdelay $0x3  }
0x94: {  	_ =	strace s2  }
0x95: {  	s2 =	sld [smem:$0x3FFD];
	_ =	sdelay $0x3  }
0x96: {  	_ =	strace s2  }
0x97: {  	_ =	strace $0x8FFFFFFF  }
0x98: {  	s18 =	sld [smem:$0x3FDB];
	_ =	sdelay $0x1  }
0x99: {  	s19 =	simm.s32 $_scs_section_size  }
0x9a: {  	s4 =	simm.s32 $_size__tile_overlayer_lowered;
	s5 =	simm.s32 $_tile_overlayer_lowered  }
0x9b: {  	s22 =	simm.s32 $0x1BFF;
	s21 =	sshll.u32 s5, $0x1;
	s2 =	sadd.s32 s19, s18  }
0x9c: {  	s6 =	simm.s32 $0x0;
	s20 =	sshll.u32 s4, $0x1;
	s4 =	sadd.s32 s21, s2  }
0x9d: {  	[timem:s6], [sflag:s22] =	dma.local [hbm:s4], s20  }
0x9e: {  	_ =	swait.ge [sflag:s22], s20  }
0x9f: {  	s3 =	ssub.s32 $0x0, s20;
	[sflag:s22] =	ssyncset.done $0x0  }
0xa0: {  	[sflag:s22] =	ssyncadd.s32 s3;
	_ =	sdelay $0x1  }
0xa1: {  	s23 =	simm.s32 $0x1B8B  }
0xa2: {  	_ =	swait.ge [sflag:s23], $0x1  }
0xa3: {  	[sflag:s23] =	ssyncset.done $0x0  }
0xa4: {  	s25 =	simm.s32 $0x1B8E;
	s24 =	sld [smem:$0x3FFE];
	[sflag:s23] =	ssyncadd.s32 $0xFFFFFFFF  }
0xa5: {  	s26 =	simm.s32 $execute0_lowered;
	[smem:$0x3FD2] =	sst s25  }
0xa6: {  	s4 =	sshll.u32 s26, $0x1;
	_ =	strace $0x80000049;
	[dreg:$0x1] =	wrdreg $0xFFFFFFFF  }
0xa7: {  	s28 =	simm.s32 $_size_execute0_lowered;
	s2 =	sadd.s32 s2, s4;
	[dreg:$0x0] =	wrdreg $0x0  }
0xa8: {  	s4 =	sshll.u32 s28, $0x1;
	[dreg:$0x2] =	wrdreg s2  }
0xa9: {  	[dreg:$0x3] =	wrdreg s4  }
0xaa: {  	[dreg:$0x4] =	wrdreg $0xC0  }
0xab: {  	_ =	task [dreg:s6], $0x5FFFF  }
0xac: {  	[dreg:$0x1] =	wrdreg $0xFFFFFFFF  }
0xad: {  	[dreg:$0x0] =	wrdreg $0x60  }
0xae: {  	[dreg:$0x2] =	wrdreg s24  }
0xaf: {  	[dreg:$0x3] =	wrdreg $0xA  }
0xb0: {  	_ =	task.clear_ibuf [dreg:s6], $0x4FFFF;
	_ =	strace $0x90000049  }
0xb1: {  	s29 =	simm.s32 $0xA;
	_ =	strace $0x8000004B  }
0xb2: {  	_ =	swait.ge [sflag:s29], $0x1  }
0xb3: {  	[sflag:s29] =	ssyncadd.s32 $0xFFFFFFFF  }
0xb4: {  	_ =	strace $0x9000004B  }
0xb5: {  	_ =	sfence  }
0xb6: {  	s30 =	sld [smem:$0x0];
	_ =	sdelay $0x2  }
0xb7: {  	s31 =	sshll.u32 s1, $0xD;
	s1 =	sshrl.u32 s1, $0x2  }
0xb8: {  	s3 =	sand.u32 $0x4000, s31;
	s1 =	sadd.s32 s1, s30  }
0xb9: {  	s0 =	sor.u32 s3, s0;
	s1 =	sshll.u32 s1, $0x11  }
0xba: {  	s0 =	sor.u32 s1, s0  }
0xbb: {  	s0 =	sadd.s32 $0x8F2B, s0  }
0xbc: {  	[sflag:s0] =	ssyncadd.remote.s32 $0x1  }
0xbd: {  	_ =	sfence.sel $0xFFFF  }
0xbe: {  	[dreg:$0x0] =	wrdreg $0xFFFFFFFF;
	(pc) =	sbr.abs _section_cstart, $3  }
0xbf: {  	[dreg:$0x1] =	wrdreg $0xFFFFFFFF  }
0xc0: {  	_ =	task.clear_ibuf [dreg:s6], $0x2FFFF;
	_ =	strace $0x9FFFFFFF  }
0xc1: {  	(tm) =	ssettm $0x7FFFFFFF  }
tec
execute0_lowered:
.L_overlay_start_1:
0x0: {  	(tag) =	ssettag $0x1  }
0x1: {  	s0 =	stileid.u32  }
0x2: {  	s1 =	srdreg.scid;
	s4 =	rddreg [dreg:$0x0]  }
0x3: {  	s15 =	simm.s32 $0x1;
	s16 =	simm.s32 $0x800;
	s17 =	simm.s32 $0x1000  }
0x4: {  	s18 =	simm.s32 $0x1800;
	s19 =	simm.s32 $0x1C00;
	s20 =	simm.s32 $0x2000  }
0x5: {  	s21 =	simm.s32 $0x6400;
	s22 =	simm.s32 $0x0;
	s2 =	sshll.u32 s0, $0x1  }
0x6: {  	s11 =	sand.u32 $0x1, s1;
	s3 =	sshrl.u32 s0, $0x1;
	s13 =	sand.u32 $0x1, s0  }
0x7: {  	s26 =	sand.u32 $0x2, s2;
	s6 =	sshll.u32 s3, $0x10;
	s2 =	simm.s32 $0x0  }
0x8: {  	s3 =	sshll.u32 s3, $0x4;
	s30 =	ssub.s32 $0x2, s11;
	s13 =	sshll.u32 s13, $0xF  }
0x9: {  	s14 =	sshll.u32 s11, $0xE;
	s1 =	sor.u32 s11, s26;
	[smem:$0x7FF] =	sst s2  }
0xa: {  	s8 =	sadd.s32 s3, s4;
	s31 =	sshrl.u32 s30, $0x1;
	s5 =	sshll.u32 s1, $0xE  }
0xb: {  	s1 =	rddreg [dreg:$0x1];
	_ =	strace $0x8000004A;
	s12 =	ssub.s32 s30, s31  }
0xc: {  	s3 =	sadd.s32 $0x3400, s8;
	s7 =	sadd.s32 $0x5000, s8;
	s5 =	sor.u32 s6, s5  }
0xd: {  	s11 =	smax.u32 s12, $0x1;
	s12 =	sor.u32 s14, s13;
	s6 =	smul.u32 $0x3, s5  }
0xe: {  	v0 =	vlaneseq.u32;
	s13 =	simm.s32 $0x80;
	s14 =	simm.s32 $0x400;
	s28 =	sshrl.u32 s5, $0x3  }
0xf: {  	v0 =	vmul.u32 $0x3, v0;
	s5 =	sadd.s32 $0x3C00, s8;
	s9 =	sadd.s32 s28, s4;
	s29 =	sshrl.u32 s6, $0x3  }
0x10: {  	s6 =	sadd.s32 $0x4C00, s8;
	s9 =	sadd.s32 $0x5E00, s9;
	s10 =	sadd.s32 s29, s4  }
0x11: {  	v1 =	vadd.s32 $0x1, v0;
	v2 =	vadd.s32 $0x2, v0;
	s4 =	sadd.s32 $0x4400, s8;
	s8 =	sadd.s32 $0x5400, s8;
	s10 =	sadd.s32 $0x15E00, s10  }
.LBB2_1:
0x12: {  	[tilespmem:s2], [sflag:$0x1] =	stream.strided.gather [hbm4b:s3+s13], $0x800, s14, s13, $0x38;
	[tilespmem:$0x12400] =	vst v63  }
0x13: {  	_ =	swait.ge [sflag:s15], $0x800  }
0x14: {  	[sflag:s15] =	ssyncset.done $0x0  }
0x15: {  	[sflag:s15] =	ssyncadd.s32 $0xFFFFF800  }
0x16: {  	[tilespmem:s16], [sflag:$0x1] =	stream.strided.gather [hbm4b:s4+s13], $0x800, s14, s13, $0x38;
	[tilespmem:$0x12400] =	vst v63  }
0x17: {  	_ =	swait.ge [sflag:s15], $0x800  }
0x18: {  	[sflag:s15] =	ssyncset.done $0x0  }
0x19: {  	[sflag:s15] =	ssyncadd.s32 $0xFFFFF800  }
0x1a: {  	[tilespmem:s17], [sflag:$0x1] =	stream.strided.gather [hbm4b:s5+s13], $0x800, s14, s13, $0x38;
	[tilespmem:$0x12400] =	vst v63  }
0x1b: {  	_ =	swait.ge [sflag:s15], $0x800  }
0x1c: {  	[sflag:s15] =	ssyncset.done $0x0  }
0x1d: {  	[sflag:s15] =	ssyncadd.s32 $0xFFFFF800  }
0x1e: {  	[tilespmem:s18], [sflag:$0x1] =	stream.strided.gather [hbm4b:s6+s13], $0x400, s14, s13, $0x38;
	[tilespmem:$0x12400] =	vst v63  }
0x1f: {  	_ =	swait.ge [sflag:s15], $0x400  }
0x20: {  	[sflag:s15] =	ssyncset.done $0x0  }
0x21: {  	[sflag:s15] =	ssyncadd.s32 $0xFFFFFC00  }
0x22: {  	[tilespmem:s19], [sflag:$0x1] =	stream.strided.gather [hbm4b:s7+s13], $0x400, s14, s13, $0x38;
	[tilespmem:$0x12400] =	vst v63  }
0x23: {  	_ =	swait.ge [sflag:s15], $0x400  }
0x24: {  	[sflag:s15] =	ssyncset.done $0x0  }
0x25: {  	[sflag:s15] =	ssyncadd.s32 $0xFFFFFC00  }
0x26: {  	[tilespmem:s20], [sflag:$0x1] =	stream.strided.gather [hbm4b:s8+s13], $0x400, s14, s13, $0x38;
	[tilespmem:$0x12400] =	vst v63  }
0x27: {  	_ =	swait.ge [sflag:s15], $0x400  }
0x28: {  	[sflag:s15] =	ssyncset.done $0x0  }
0x29: {  	s23 =	simm.s32 $0x2400;
	[sflag:s15] =	ssyncadd.s32 $0xFFFFFC00  }
0x2a: {  	[tilespmem:s23], [sflag:$0x1] =	stream.linear.gather [hbm4b:s9+s2], $0x4000, $0x38;
	[tilespmem:$0x12400] =	vst v63  }
0x2b: {  	_ =	swait.ge [sflag:s15], $0x4000  }
0x2c: {  	s24 =	sadd.s32 $0x0, s12;
	[sflag:s15] =	ssyncset.done $0x0  }
0x2d: {  	v3 =	vmov s24;
	[sflag:s15] =	ssyncadd.s32 $0xFFFFC000  }
0x2e: {  	v3 =	vshrl.u32 v3, $0x6;
	v4 =	vld [tilespmem:s23+$0x0]  }
0x2f: {  	v5 =	vbroadcast v3, $0x0;
	_ =	sdelay $0x3  }
0x30: {  	v3 =	vmov s2  }
0x31: {  	v3 =	vmul.u32 $0x3, v3  }
0x32: {  	v6 =	vld.idx.msk [tilespmem:v5+s18+$0x0], $0xffff  }
0x33: {  	v8 =	vbroadcast v3, $0x0;
	v7 =	vld.idx.msk [tilespmem:v4+s2+$0x0], $0xffff;
	_ =	sdelay $0x1  }
0x34: {  	v3 =	vadd.s32 v0, v8;
	_ =	sdelay $0x2  }
0x35: {  	v6 =	vsub.f32 v7, v6;
	_ =	sdelay $0x1  }
0x36: {  	[tilespmem:v3+s21+$0x0] =	vst.idx.msk $0xffff, v6  }
0x37: {  	v3 =	vld.idx.msk [tilespmem:v4+s16+$0x0], $0xffff  }
0x38: {  	v6 =	vld.idx.msk [tilespmem:v5+s19+$0x0], $0xffff;
	_ =	sdelay $0x1  }
0x39: {  	v7 =	vadd.s32 v1, v8;
	_ =	sdelay $0x2  }
0x3a: {  	v3 =	vsub.f32 v3, v6;
	_ =	sdelay $0x1  }
0x3b: {  	[tilespmem:v7+s21+$0x0] =	vst.idx.msk $0xffff, v3  }
0x3c: {  	v3 =	vld.idx.msk [tilespmem:v4+s17+$0x0], $0xffff  }
0x3d: {  	s24 =	simm.s32 $0x10;
	v5 =	vld.idx.msk [tilespmem:v5+s20+$0x0], $0xffff;
	v4 =	vadd.s32 v2, v8  }
.LBB2_2:
0x3e: {  	_ =	sdelay $0x1  }
0x3f: {  	p0 =	sne.s32 s24, $0x3FF0  }
0x40: {  	s23 =	sadd.s32 $0x10, s23;
	s25 =	smov.u32 s24;
	s24 =	sadd.s32 $0x10, s24  }
0x41: {  	v3 =	vsub.f32 v3, v5  }
0x42: {  	s26 =	sadd.s32 s25, s12  }
0x43: {  	v5 =	vmov s26;
	[tilespmem:v4+s21+$0x0] =	vst.idx.msk $0xffff, v3  }
0x44: {  	v4 =	vshrl.u32 v5, $0x6;
	v3 =	vld [tilespmem:s23+$0x0]  }
0x45: {  	v4 =	vbroadcast v4, $0x0;
	_ =	sdelay $0x4  }
0x46: {  	v5 =	vmov s25  }
0x47: {  	v5 =	vmul.u32 $0x3, v5;
	v6 =	vld.idx.msk [tilespmem:v4+s18+$0x0], $0xffff  }
0x48: {  	v7 =	vld.idx.msk [tilespmem:v3+s2+$0x0], $0xffff  }
0x49: {  	v8 =	vbroadcast v5, $0x0;
	_ =	sdelay $0x1  }
0x4a: {  	v5 =	vadd.s32 v0, v8;
	_ =	sdelay $0x2  }
0x4b: {  	v6 =	vsub.f32 v7, v6;
	_ =	sdelay $0x1  }
0x4c: {  	[tilespmem:v5+s21+$0x0] =	vst.idx.msk $0xffff, v6  }
0x4d: {  	v5 =	vld.idx.msk [tilespmem:v3+s16+$0x0], $0xffff  }
0x4e: {  	v6 =	vld.idx.msk [tilespmem:v4+s19+$0x0], $0xffff;
	_ =	sdelay $0x2  }
0x4f: {  	v7 =	vadd.s32 v1, v8;
	_ =	sdelay $0x2  }
.Ltmp0:
0x50: {  	v5 =	vsub.f32 v5, v6;
	(pc) =	sbr.rel @p0 .LBB2_2-.Ltmp0, $4  }
0x51: {  	_ = 	snop  }
0x52: {  	[tilespmem:v7+s21+$0x0] =	vst.idx.msk $0xffff, v5  }
0x53: {  	v3 =	vld.idx.msk [tilespmem:v3+s17+$0x0], $0xffff  }
0x54: {  	v5 =	vld.idx.msk [tilespmem:v4+s20+$0x0], $0xffff;
	v4 =	vadd.s32 v2, v8  }
0x55: {  	_ =	sdelay $0x3  }
0x56: {  	s22 =	sadd.s32 $0x1, s22;
	v3 =	vsub.f32 v3, v5  }
0x57: {  	p0 =	sne.s32 s22, s11  }
.Ltmp1:
0x58: {  	[tilespmem:v4+s21+$0x0] =	vst.idx.msk $0xffff, v3;
	(pc) =	sbr.rel @p0 .LBB2_1-.Ltmp1, $4  }
0x59: {  	[hbm4b:s10+s2] =	stream.linear.scatter [tilespmem:s21], [sflag:$0x1], $0xC000, $0x38;
	[tilespmem:$0x12400] =	vst v63  }
0x5a: {  	_ =	swait.ge [sflag:s15], $0xC000  }
0x5b: {  	[sflag:s15] =	ssyncset.done $0x0  }
0x5c: {  	[sflag:s15] =	ssyncadd.s32 $0xFFFF4000  }
0x5d: {  	_ =	sfence.sel $0x180000  }
0x5e: {  	[bflag:$0x0] =	sbarrier.arrive $0xFFFF  }
0x5f: {  	p0 =	sne.s32 s0, $0x0;
	_ =	strace $0x9000004A  }
0x60: {  	s0 =	sadd.s32 @!p0 $0x100000, s1;
	[bflag:$0x2] =	sbarrier.arrive $0xFFFF  }
0x61: {  	[sflag:s0] =	ssyncadd.tile.s32 @!p0 $0x1;
	_ =	shalt  }
.Lfunc_end2:
_tile_overlayer_lowered:
.L_overlay_start_2:
0x62: {  	(tag) =	ssettag $0x2  }
0x63: {  	s0 =	rddreg [dreg:$0x0];
	s2 =	stileid.u32  }
0x64: {  	s1 =	rddreg [dreg:$0x1];
	p0 =	sne.s32 s2, $0x0  }
0x65: {  	s3 =	rddreg [dreg:$0x2];
	[bflag:$0x3] =	sbarrier.arrive $0xFFFF;
	s2 =	simm.s32 @!p0 $0x1C01  }
0x66: {  	[timem:s3], [sflag:s2] =	dma.local @!p0 [hbm:s0], s1  }
0x67: {  	s0 =	simm.s32 @!p0 $0x1  }
0x68: {  	_ =	swait.ge @!p0 [sflag:s0], s1  }
0x69: {  	s1 =	ssub.s32 @!p0 $0x0, s1;
	[sflag:s0] =	ssyncset.done @!p0 $0x0  }
0x6a: {  	[sflag:s0] =	ssyncadd.s32 @!p0 s1  }
0x6b: {  	[bflag:$0x3] =	sbarrier.arrive $0xFFFF  }
0x6c: {  	_ =	shalt  }

// kernel: sparse-core-data-format-call.cloned.1.call-start
scs
called_computation_lowered:
.L_overlay_start_0:
0x0: {  	s1 =	sld [smem:$0x3FD9]  }
0x1: {  	s2 =	sld [smem:$0x3FFE];
	_ =	sdelay $0x1  }
0x2: {  	s3 =	srdreg.scid  }
0x3: {  	s0 =	sand.u32 $0x1, s3  }
0x4: {  	s17 =	sshll.u32 s0, $0xA;
	s1 =	sadd.s32 s2, s1  }
0x5: {  	s1 =	sadd.s32 s1, s17  }
0x6: {  	[smem:$0x3FAF] =	sst s1  }
0x7: {  	_ = 	snop  }
0x8: {  	(tm) =	ssettm $0x1  }
0x9: {  	s18 =	sld [smem:$0x3FFB];
	_ =	sdelay $0x3  }
0xa: {  	_ =	strace s18  }
0xb: {  	s1 =	sld [smem:$0x3FFC];
	_ =	sdelay $0x3  }
0xc: {  	_ =	strace s1  }
0xd: {  	s1 =	sld [smem:$0x3FFD];
	_ =	sdelay $0x3  }
0xe: {  	_ =	strace s1  }
0xf: {  	_ =	strace $0x8FFFFFFF  }
0x10: {  	s19 =	sld [smem:$0x3FDB];
	_ =	sdelay $0x1  }
0x11: {  	s20 =	simm.s32 $_scs_section_size  }
0x12: {  	s4 =	simm.s32 $_size__tile_overlayer_lowered;
	s5 =	simm.s32 $_tile_overlayer_lowered  }
0x13: {  	s23 =	simm.s32 $0x1BFF;
	s22 =	sshll.u32 s5, $0x1;
	s1 =	sadd.s32 s20, s19  }
0x14: {  	s6 =	simm.s32 $0x0;
	s21 =	sshll.u32 s4, $0x1;
	s4 =	sadd.s32 s22, s1  }
0x15: {  	[timem:s6], [sflag:s23] =	dma.local [hbm:s4], s21  }
0x16: {  	_ =	swait.ge [sflag:s23], s21  }
0x17: {  	s2 =	ssub.s32 $0x0, s21;
	[sflag:s23] =	ssyncset.done $0x0  }
0x18: {  	[sflag:s23] =	ssyncadd.s32 s2;
	_ =	sdelay $0x1  }
0x19: {  	s24 =	simm.s32 $0x1B8B  }
0x1a: {  	_ =	swait.ge [sflag:s24], $0x1  }
0x1b: {  	[sflag:s24] =	ssyncset.done $0x0  }
0x1c: {  	s26 =	simm.s32 $0x1B8E;
	s25 =	sld [smem:$0x3FFE];
	[sflag:s24] =	ssyncadd.s32 $0xFFFFFFFF  }
0x1d: {  	s27 =	simm.s32 $execute0_lowered;
	[smem:$0x3FD2] =	sst s26  }
0x1e: {  	s4 =	sshll.u32 s27, $0x1;
	_ =	strace $0x80000046;
	[dreg:$0x1] =	wrdreg $0xFFFFFFFF  }
0x1f: {  	s28 =	simm.s32 $_size_execute0_lowered;
	s1 =	sadd.s32 s1, s4;
	[dreg:$0x0] =	wrdreg $0x0  }
0x20: {  	s4 =	sshll.u32 s28, $0x1;
	[dreg:$0x2] =	wrdreg s1  }
0x21: {  	[dreg:$0x3] =	wrdreg s4  }
0x22: {  	[dreg:$0x4] =	wrdreg $0xC0  }
0x23: {  	_ =	task [dreg:s6], $0x5FFFF  }
0x24: {  	[dreg:$0x1] =	wrdreg $0xFFFFFFFF  }
0x25: {  	[dreg:$0x0] =	wrdreg $0x60  }
0x26: {  	[dreg:$0x2] =	wrdreg s25  }
0x27: {  	[dreg:$0x3] =	wrdreg $0x9  }
0x28: {  	_ =	task.clear_ibuf [dreg:s6], $0x4FFFF;
	_ =	strace $0x90000046  }
0x29: {  	s29 =	simm.s32 $0x9;
	_ =	strace $0x80000048  }
0x2a: {  	_ =	swait.ge [sflag:s29], $0x1  }
0x2b: {  	[sflag:s29] =	ssyncadd.s32 $0xFFFFFFFF  }
0x2c: {  	_ =	strace $0x90000048  }
0x2d: {  	_ =	sfence  }
0x2e: {  	s30 =	sld [smem:$0x0];
	_ =	sdelay $0x2  }
0x2f: {  	s31 =	sshll.u32 s3, $0xD;
	s3 =	sshrl.u32 s3, $0x2  }
0x30: {  	s2 =	sand.u32 $0x4000, s31;
	s1 =	sadd.s32 s3, s30  }
0x31: {  	s0 =	sor.u32 s2, s0;
	s1 =	sshll.u32 s1, $0x11  }
0x32: {  	s0 =	sor.u32 s1, s0  }
0x33: {  	s0 =	sadd.s32 $0x8F2B, s0  }
0x34: {  	[sflag:s0] =	ssyncadd.remote.s32 $0x1  }
0x35: {  	_ =	sfence.sel $0xFFFF  }
0x36: {  	[dreg:$0x0] =	wrdreg $0xFFFFFFFF;
	(pc) =	sbr.abs _section_cstart, $3  }
0x37: {  	[dreg:$0x1] =	wrdreg $0xFFFFFFFF  }
0x38: {  	_ =	task.clear_ibuf [dreg:s6], $0x2FFFF;
	_ =	strace $0x9FFFFFFF  }
0x39: {  	(tm) =	ssettm $0x7FFFFFFF  }
tec
execute0_lowered:
.L_overlay_start_1:
0x0: {  	(tag) =	ssettag $0x1  }
0x1: {  	s0 =	stileid.u32;
	s1 =	srdreg.scid  }
0x2: {  	s4 =	rddreg [dreg:$0x0];
	s7 =	simm.s32 $0x1;
	s31 =	simm.s32 $0x2  }
0x3: {  	s16 =	simm.s32 $0x0;
	s2 =	sshll.u32 s0, $0x4;
	s1 =	sshll.u32 s1, $0x8  }
0x4: {  	s9 =	simm.s32 $0x2000;
	s14 =	simm.s32 $0x0;
	s1 =	sor.u32 s2, s1  }
0x5: {  	s15 =	simm.s32 $0x0;
	s10 =	simm.s32 $0x0;
	s2 =	sand.u32 $0x180, s1  }
0x6: {  	s13 =	simm.s32 $0x0;
	s3 =	sadd.s32 $0x5E00, s4;
	s5 =	ssub.s32 $0x400, s2  }
0x7: {  	s4 =	sadd.s32 $0x205E00, s4;
	s1 =	rddreg [dreg:$0x1];
	s6 =	sand.u32 $0x180, s5  }
.Ltmp0:
0x8: {  	_ =	strace $0x80000047;
	p0 =	sne.s32 s6, $0x0;
	(pc) =	sbr.rel .LBB1_1-.Ltmp0, $4  }
0x9: {  	s11 =	smov.u32 s2;
	s8 =	sshrl.u32 s5, $0x9;
	s7 =	simm.s32 @!p0 $0x0  }
0xa: {  	s5 =	sand.u32 $0x7, s0;
	s6 =	simm.s32 $0x1;
	s7 =	sadd.s32 s7, s8  }
0xb: {  	s12 =	smov.u32 s5;
	[sflag:s6] =	ssyncpa.u1 $0x0;
	s7 =	sshll.u32 s7, $0x4  }
0xc: {  	p0 =	por $0x0, $0x0;
	[sflag:s31] =	ssyncpa.u1 $0x0;
	s8 =	sor.u32 $0x1, s7  }
.LBB1_4:
0xd: {  	v5 =	vld [tilespmem:s20+$0xFFFFFFD0];
	[tilespmem:s19+$0x2040 ss:$0x81] =	vst.msk $0xffff, v1  }
0xe: {  	v58 =	vld [tilespmem:s20+$0xFFFFFFE0];
	[tilespmem:s19+$0x2850 ss:$0x81] =	vst.msk $0xffff, v2  }
0xf: {  	s21 =	sshra.s32 s21, $0x2;
	v59 =	vld [tilespmem:s20+$0xFFFFFFF0];
	[tilespmem:s19+$0x3060 ss:$0x81] =	vst.msk $0xffff, v3  }
0x10: {  	v60 =	vld [tilespmem:s20+$0x0];
	[tilespmem:s19+$0x0 ss:$0x81] =	vst.msk $0xffff, v0;
	s18 =	sadd.s32 s21, s18  }
0x11: {  	v61 =	vld [tilespmem:s20+$0x10];
	[tilespmem:s18+$0x3870 ss:$0x81] =	vst.msk $0xffff, v4  }
0x12: {  	v62 =	vld [tilespmem:s20+$0x20];
	s26 =	sshll.u32 s16, $0xA;
	s27 =	sshll.u32 s14, $0x3;
	[tilespmem:s18+$0x810 ss:$0x81] =	vst.msk $0xffff, v5  }
0x13: {  	v63 =	vld [tilespmem:s20+$0xFFFFFFC0];
	s29 =	sshll.u32 s16, $0x7;
	s30 =	sand.u32 $0x78, s14;
	s15 =	sshll.u32 s15, $0x12;
	[tilespmem:s18+$0x1020 ss:$0x81] =	vst.msk $0xffff, v58  }
0x14: {  	s19 =	sand.u32 $0x1FE000, s26;
	s28 =	sand.u32 $0x1FFC00, s27;
	s16 =	sand.u32 $0x380, s29;
	[tilespmem:s18+$0x1830 ss:$0x81] =	vst.msk $0xffff, v59  }
0x15: {  	s31 =	sand.u32 $0x7, s14;
	s19 =	sadd.s32 s28, s19;
	s16 =	sor.u32 s30, s16;
	[tilespmem:s18+$0x2040 ss:$0x81] =	vst.msk $0xffff, v60  }
0x16: {  	s15 =	sadd.s32 s4, s15;
	s19 =	sshrl.u32 s19, $0x3;
	s16 =	sshrl.u32 s16, $0x3;
	[tilespmem:s18+$0x2850 ss:$0x81] =	vst.msk $0xffff, v61  }
0x17: {  	s14 =	sshll.u32 s31, $0x12;
	s19 =	sand.u32 $0x3FF80, s19;
	s15 =	sadd.s32 s16, s15;
	[tilespmem:s18+$0x3060 ss:$0x81] =	vst.msk $0xffff, v62  }
0x18: {  	s14 =	sor.u32 $0x400, s14;
	[tilespmem:s18+$0x0 ss:$0x81] =	vst.msk $0xffff, v63;
	s15 =	sadd.s32 s19, s15  }
0x19: {  	[hbm4b:s15+s14] =	stream.strided.scatter [tilespmem:s17], [sflag:$0x2], $0x4000, s9, s14, $0x20;
	[tilespmem:$0x10100] =	vst v63  }
.LBB1_5:
0x1a: {  	s17 =	sadd.s32 $0x80, s10  }
0x1b: {  	s14 =	sadd.s32 $0x200, s11;
	s18 =	smov.u32 s11;
	p2 =	sgt.s32 s17, $0x7FF  }
0x1c: {  	s18 =	smov.u32 @p2 s14  }
0x1d: {  	s20 =	smov.u32 s12;
	s14 =	sadd.s32 $0x8, s12;
	p3 =	sgt.s32 s18, $0x3FF  }
0x1e: {  	s20 =	smov.u32 @p3 s14  }
0x1f: {  	s17 =	simm.s32 @p2 $0x0;
	p2 =	sgt.s32 s20, $0x7  }
0x20: {  	p1 =	slt.u32 s13, $0x2;
	s20 =	smov.u32 @p2 s5;
	p2 =	sne.s32 s13, s8  }
.Ltmp1:
0x21: {  	s19 =	simm.s32 @!p1 $0x2;
	(pc) =	sbr.rel @!p2 .LBB1_6-.Ltmp1, $4  }
0x22: {  	s16 =	smov.u32 s10;
	s15 =	smov.u32 s12;
	_ =	swait.ge @!p1 [sflag:s19], $0x4000  }
0x23: {  	p0 =	por !p0, !p0;
	[sflag:s19] =	ssyncset.done @!p1 $0x0;
	s10 =	smov.u32 s17  }
0x24: {  	s18 =	smov.u32 @p3 s2;
	s14 =	smov.u32 s11;
	[sflag:s19] =	ssyncadd.s32 @!p1 $0xFFFFC000  }
0x25: {  	s11 =	smov.u32 s18;
	s13 =	sadd.s32 $0x1, s13;
	s12 =	smov.u32 s20  }
.LBB1_1:
0x26: {  	p1 =	sge.u32 s13, s7;
	s31 =	sadd.s32 $0xFFFFFFFF, s13  }
0x27: {  	s17 =	sxor.u32 @!p1 $0xFFFFFFFF, s13;
	s18 =	sand.u32 @!p1 $0x78, s10;
	s19 =	sshll.u32 @!p1 s11, $0xB  }
0x28: {  	s20 =	sshll.u32 @!p1 s11, $0x7;
	s21 =	sshll.u32 @!p1 s10, $0x3;
	s17 =	sshll.u32 @!p1 s17, $0xE  }
0x29: {  	s19 =	sand.u32 @!p1 $0x1FC000, s19;
	s20 =	sand.u32 @!p1 $0x380, s20;
	s17 =	sand.u32 @!p1 $0x4000, s17  }
0x2a: {  	s19 =	sadd.s32 @!p1 s19, s21;
	s21 =	sand.u32 @!p1 $0x400, s21;
	s18 =	sor.u32 @!p1 s20, s18  }
0x2b: {  	s20 =	sshll.u32 @!p1 s12, $0x12;
	s18 =	sor.u32 @!p1 s21, s18;
	s19 =	sshrl.u32 @!p1 s19, $0x3  }
0x2c: {  	s20 =	sadd.s32 @!p1 s3, s20;
	s21 =	sand.u32 @!p1 $0x7, s10;
	s19 =	sand.u32 @!p1 $0x3FF00, s19  }
0x2d: {  	s18 =	sshrl.u32 @!p1 s18, $0x3;
	s19 =	sadd.s32 @!p1 s19, s20;
	s20 =	sshll.u32 @!p1 s21, $0x12  }
0x2e: {  	s18 =	sadd.s32 @!p1 s18, s19;
	s19 =	sor.u32 @!p1 $0x400, s20;
	s20 =	simm.s32 @!p1 $0x4000  }
0x2f: {  	[tilespmem:s17], [sflag:$0x1] =	stream.strided.gather @!p1 [hbm4b:s18+s19], $0x4000, s20, s19, $0x38;
	[tilespmem:$0x10100] =	vst v63  }
0x30: {  	p1 =	sge.u32 s31, s7  }
.Ltmp2:
0x31: {  	_ = 	snop;
	(pc) =	sbr.rel @p1 .LBB1_5-.Ltmp2, $1  }
0x32: {  	_ =	sdelay $0x3  }
0x33: {  	s17 =	simm.s32 $0x1  }
0x34: {  	_ =	swait.ge [sflag:s6], $0x4000;
	s17 =	simm.s32 @!p0 $0x0  }
0x35: {  	[sflag:s6] =	ssyncset.done $0x0;
	s18 =	sshll.u32 s17, $0xE  }
0x36: {  	[sflag:s6] =	ssyncadd.s32 $0xFFFFC000;
	s20 =	sor.u32 $0x40, s18  }
0x37: {  	s17 =	smul.u32 $0x10200, s17;
	v0 =	vld [tilespmem:s20+$0x30]  }
0x38: {  	v3 =	vld [tilespmem:s20+$0xFFFFFFD0]  }
0x39: {  	s17 =	sshrl.u32 s17, $0x2;
	v4 =	vld [tilespmem:s20+$0xFFFFFFE0]  }
0x3a: {  	v5 =	vld [tilespmem:s20+$0xFFFFFFF0];
	s18 =	sor.u32 $0x8000, s17  }
0x3b: {  	s31 =	sand.u32 $0x1, s13;
	v1 =	vld [tilespmem:s20+$0x0];
	s19 =	sadd.s32 $0x0, s18  }
0x3c: {  	v2 =	vld [tilespmem:s20+$0x10];
	s17 =	smul.u32 $0x10200, s31;
	[tilespmem:s19+$0x3870 ss:$0x81] =	vst.msk $0xffff, v0  }
0x3d: {  	[tilespmem:s19+$0x810 ss:$0x81] =	vst.msk $0xffff, v3;
	v3 =	vld [tilespmem:s20+$0x20]  }
0x3e: {  	s17 =	sshrl.u32 s17, $0x2;
	v0 =	vld [tilespmem:s20+$0xFFFFFFC0];
	[tilespmem:s19+$0x1020 ss:$0x81] =	vst.msk $0xffff, v4;
	s20 =	sadd.s32 $0x80, s20  }
0x3f: {  	s21 =	simm.s32 $0x4;
	s22 =	simm.s32 $0x8;
	s17 =	sor.u32 $0x8000, s17;
	[tilespmem:s19+$0x1830 ss:$0x81] =	vst.msk $0xffff, v5;
	v4 =	vld [tilespmem:s20+$0x30]  }
.LBB1_3:
0x40: {  	p1 =	sne.s32 s22, $0x1FC;
	v5 =	vld [tilespmem:s20+$0xFFFFFFD0];
	[tilespmem:s19+$0x2040 ss:$0x81] =	vst.msk $0xffff, v1  }
0x41: {  	v6 =	vld [tilespmem:s20+$0xFFFFFFE0];
	[tilespmem:s19+$0x2850 ss:$0x81] =	vst.msk $0xffff, v2  }
0x42: {  	s23 =	sshra.s32 s21, $0x2;
	s21 =	smov.u32 s22;
	v7 =	vld [tilespmem:s20+$0xFFFFFFF0];
	[tilespmem:s19+$0x3060 ss:$0x81] =	vst.msk $0xffff, v3  }
.Ltmp3:
0x43: {  	v1 =	vld [tilespmem:s20+$0x0];
	[tilespmem:s19+$0x0 ss:$0x81] =	vst.msk $0xffff, v0;
	s19 =	sadd.s32 s23, s18;
	(pc) =	sbr.rel @p1 .LBB1_3-.Ltmp3, $4  }
0x44: {  	v2 =	vld [tilespmem:s20+$0x10];
	[tilespmem:s19+$0x3870 ss:$0x81] =	vst.msk $0xffff, v4  }
0x45: {  	[tilespmem:s19+$0x810 ss:$0x81] =	vst.msk $0xffff, v5;
	v3 =	vld [tilespmem:s20+$0x20]  }
0x46: {  	v0 =	vld [tilespmem:s20+$0xFFFFFFC0];
	[tilespmem:s19+$0x1020 ss:$0x81] =	vst.msk $0xffff, v6;
	s20 =	sadd.s32 $0x80, s20  }
0x47: {  	s22 =	sadd.s32 $0x4, s22;
	v4 =	vld [tilespmem:s20+$0x30];
	[tilespmem:s19+$0x1830 ss:$0x81] =	vst.msk $0xffff, v7  }
.Ltmp4:
0x48: {  	_ = 	snop;
	(pc) =	sbr.rel .LBB1_4-.Ltmp4, $1  }
0x49: {  	_ =	sdelay $0x3  }
.LBB1_6:
0x4a: {  	_ =	sfence.sel $0x180000  }
0x4b: {  	s2 =	simm.s32 $0x1;
	[bflag:$0x0] =	sbarrier.arrive $0xFFFF  }
0x4c: {  	s31 =	simm.s32 $0x2;
	[sflag:s2] =	ssyncpa.u1 $0x1  }
0x4d: {  	[sflag:s31] =	ssyncpa.u1 $0x1  }
0x4e: {  	p0 =	sne.s32 s0, $0x0;
	_ =	strace $0x90000047  }
0x4f: {  	s0 =	sadd.s32 @!p0 $0x100000, s1;
	[bflag:$0x2] =	sbarrier.arrive $0xFFFF  }
0x50: {  	[sflag:s0] =	ssyncadd.tile.s32 @!p0 $0x1;
	_ =	shalt  }
.Lfunc_end1:
_tile_overlayer_lowered:
.L_overlay_start_2:
0x51: {  	(tag) =	ssettag $0x2  }
0x52: {  	s0 =	rddreg [dreg:$0x0];
	s2 =	stileid.u32  }
0x53: {  	s1 =	rddreg [dreg:$0x1];
	p0 =	sne.s32 s2, $0x0  }
0x54: {  	s3 =	rddreg [dreg:$0x2];
	[bflag:$0x3] =	sbarrier.arrive $0xFFFF;
	s2 =	simm.s32 @!p0 $0x1C01  }
0x55: {  	[timem:s3], [sflag:s2] =	dma.local @!p0 [hbm:s0], s1  }
0x56: {  	s0 =	simm.s32 @!p0 $0x1  }
0x57: {  	_ =	swait.ge @!p0 [sflag:s0], s1  }
0x58: {  	s1 =	ssub.s32 @!p0 $0x0, s1;
	[sflag:s0] =	ssyncset.done @!p0 $0x0  }
0x59: {  	[sflag:s0] =	ssyncadd.s32 @!p0 s1  }
0x5a: {  	[bflag:$0x3] =	sbarrier.arrive $0xFFFF  }
0x5b: {  	_ =	shalt  }

</sc_bundles>
